<compile_context>
chip_gen: v7x
topology: tpu7x:2x2x1
jax: 0.10.2.dev20260603
libtpu: 0.0.44.dev20260713+nightly
codegen_flags: <defaults>
</compile_context>

<pallas_src>
import functools

import jax
import jax.numpy as jnp
from jax import lax
from jax.experimental import pallas as pl
from jax.experimental.pallas import tpu as pltpu
from jax.experimental.pallas import tpu_sc as plsc

N_NODES = 10000
D = 128
E = 320000

NC = 2
NS = 16
NW = NC * NS

NP = 10240
PAD_NODE = 10200

CHUNK = 64
EPW_CHUNKS = 160
EPW = CHUNK * EPW_CHUNKS
EP = EPW * NW
ROWS_PER_TILE = NP // NS

_MESH = plsc.VectorSubcoreMesh(core_axis_name="c", subcore_axis_name="s")
_SC_PARAMS = pltpu.CompilerParams(needs_layout_passes=False)


@functools.partial(
    pl.kernel,
    out_type=jax.ShapeDtypeStruct((NW, NP), jnp.float32),
    mesh=_MESH,
    compiler_params=_SC_PARAMS,
    scratch_types=[
        pltpu.VMEM((EPW,), jnp.int32),
        pltpu.VMEM((NP,), jnp.float32),
    ],
)
def _hist_sc(dst_hbm, out_hbm, dst_v, hist_v):
    wid = lax.axis_index("s") * NC + lax.axis_index("c")
    pltpu.sync_copy(dst_hbm.at[wid], dst_v)

    def _zero(i, carry):
        hist_v[pl.ds(i * 16, 16)] = jnp.zeros((16,), jnp.float32)
        return carry

    lax.fori_loop(0, NP // 16, _zero, 0)

    ones = jnp.ones((16,), jnp.float32)

    def _accum(i, carry):
        idx = dst_v[pl.ds(i * 16, 16)]
        plsc.addupdate_scatter(hist_v, [idx], ones)
        return carry

    lax.fori_loop(0, EPW // 16, _accum, 0)
    pltpu.sync_copy(hist_v, out_hbm.at[wid])


@functools.partial(
    pl.kernel,
    out_type=jax.ShapeDtypeStruct((NC, NP, D), jnp.float32),
    mesh=_MESH,
    compiler_params=_SC_PARAMS,
    scratch_types=[
        pltpu.VMEM((EPW_CHUNKS // 2, CHUNK), jnp.int32),
        pltpu.VMEM((EPW_CHUNKS // 2, CHUNK), jnp.int32),
        pltpu.VMEM((2, CHUNK, D), jnp.float32),
        pltpu.VMEM_SHARED((NP, D), jnp.float32),
        pltpu.SemaphoreType.DMA,
        pltpu.SemaphoreType.DMA,
    ],
)
def _edge_sc(hp_hbm, src_hbm, dst_hbm, out_hbm,
             src_v, dst_v, rows_v, acc, sem0, sem1):
    cid = lax.axis_index("c")
    sid = lax.axis_index("s")
    wid = sid * NC + cid

    def _zrow(i, carry):
        for c in range(D // 16):
            rows_v[0, i, pl.ds(c * 16, 16)] = jnp.zeros((16,), jnp.float32)
        return carry

    lax.fori_loop(0, CHUNK, _zrow, 0)
    base = sid * ROWS_PER_TILE
    for r in range(ROWS_PER_TILE // CHUNK):
        pltpu.sync_copy(rows_v.at[0], acc.at[pl.ds(base + r * CHUNK, CHUNK)])
    plsc.subcore_barrier()

    sems = (sem0, sem1)
    half = EPW_CHUNKS // 2
    for h in range(2):
        pltpu.sync_copy(src_hbm.at[wid, pl.ds(h * half, half)], src_v)
        pltpu.sync_copy(dst_hbm.at[wid, pl.ds(h * half, half)], dst_v)
        pltpu.async_copy(hp_hbm.at[src_v.at[0]], rows_v.at[0], sem0)

        def _chunks(jj, carry):
            for b in range(2):
                j = jj * 2 + b
                nxt = j + 1

                @pl.when(nxt < half)
                def _():
                    pltpu.async_copy(hp_hbm.at[src_v.at[nxt]],
                                     rows_v.at[1 - b], sems[1 - b])

                pltpu.make_async_copy(hp_hbm.at[src_v.at[j]],
                                      rows_v.at[b], sems[b]).wait()
                pltpu.sync_copy(rows_v.at[b], acc.at[dst_v.at[j]], add=True)
            return carry

        lax.fori_loop(0, half // 2, _chunks, 0)
    plsc.subcore_barrier()
    pltpu.sync_copy(acc.at[pl.ds(base, ROWS_PER_TILE)],
                    out_hbm.at[cid, pl.ds(base, ROWS_PER_TILE)])


_R = 256


def _deg_scale(hist_blk, i):
    deg = 1.0 + jnp.sum(hist_blk, axis=0)
    dis = (1.0 / jnp.sqrt(deg))[:, None]
    rows = i * _R + lax.broadcasted_iota(jnp.int32, (_R, 1), 0)
    return jnp.where(rows < N_NODES, dis, 0.0)


def _prep_body(x_ref, w_ref, hist_ref, o_ref):
    i = pl.program_id(0)
    h = jnp.dot(x_ref[...], w_ref[...], preferred_element_type=jnp.float32)
    o_ref[...] = h * _deg_scale(hist_ref[...], i)


def _mid_body(p_ref, hp_ref, hist_ref, b_ref, w_ref, o_ref):
    i = pl.program_id(0)
    d2 = _deg_scale(hist_ref[...], i)
    s = p_ref[0] + p_ref[1] + hp_ref[...]
    z = jnp.maximum(s * d2 + b_ref[...], 0.0)
    o_ref[...] = jnp.dot(z, w_ref[...], preferred_element_type=jnp.float32) * d2


def _final_body(p_ref, hp_ref, hist_ref, b_ref, o_ref):
    i = pl.program_id(0)
    d2 = _deg_scale(hist_ref[...], i)
    s = p_ref[0] + p_ref[1] + hp_ref[...]
    o_ref[...] = s * d2 + b_ref[...]


_ROWS_SPEC = pl.BlockSpec((_R, D), lambda i: (i, 0))
_HIST_SPEC = pl.BlockSpec((NW, _R), lambda i: (0, i))
_FULL_W = pl.BlockSpec((D, D), lambda i: (0, 0))
_BIAS_SPEC = pl.BlockSpec((1, D), lambda i: (0, 0))
_PARTS_SPEC = pl.BlockSpec((NC, _R, D), lambda i: (0, i, 0))
_OUT_SDS = jax.ShapeDtypeStruct((NP, D), jnp.float32)

_prep_tc = pl.pallas_call(
    _prep_body, grid=(NP // _R,),
    in_specs=[_ROWS_SPEC, _FULL_W, _HIST_SPEC],
    out_specs=_ROWS_SPEC, out_shape=_OUT_SDS)

_mid_tc = pl.pallas_call(
    _mid_body, grid=(NP // _R,),
    in_specs=[_PARTS_SPEC, _ROWS_SPEC, _HIST_SPEC, _BIAS_SPEC, _FULL_W],
    out_specs=_ROWS_SPEC, out_shape=_OUT_SDS)

_final_tc = pl.pallas_call(
    _final_body, grid=(NP // _R,),
    in_specs=[_PARTS_SPEC, _ROWS_SPEC, _HIST_SPEC, _BIAS_SPEC],
    out_specs=_ROWS_SPEC, out_shape=_OUT_SDS)


def kernel(x, edge_index, W1, b1, W2, b2):
    src = edge_index[0].astype(jnp.int32)
    dst = edge_index[1].astype(jnp.int32)
    pad = jnp.full((EP - E,), PAD_NODE, jnp.int32)
    src_p = jnp.concatenate([src, pad]).reshape(NW, EPW_CHUNKS, CHUNK)
    dst_p = jnp.concatenate([dst, pad]).reshape(NW, EPW_CHUNKS, CHUNK)
    xp = jnp.zeros((NP, D), jnp.float32).at[:N_NODES].set(x)
    b1r = b1.reshape(1, D)
    b2r = b2.reshape(1, D)

    hist = _hist_sc(dst_p.reshape(NW, EPW))
    hp1 = _prep_tc(xp, W1, hist)
    parts1 = _edge_sc(hp1, src_p, dst_p)
    hp2 = _mid_tc(parts1, hp1, hist, b1r, W2)
    parts2 = _edge_sc(hp2, src_p, dst_p)
    zp = _final_tc(parts2, hp2, hist, b2r)
    return zp[:N_NODES]

# --- scband reference (transcript-rebuilt; emitter-appended) ---
"""Pipeline reference for scband-link-prediction-model-12128987644486 (READ-ONLY COPY).

The authoritative reference and input builder live on the scoring server;
editing this copy changes nothing except your own understanding.
"""

import jax, jax.numpy as jnp
import numpy as np

N_NODES = 10000
N_EDGES = 320000
D_IN = 128
D_HID = 128


def setup_inputs(seed: int = 0) -> dict:
    key = jax.random.key(seed)
    k1, k2, k3, k4, k5, k6 = jax.random.split(key, 6)
    x = jax.random.normal(k1, (N_NODES, D_IN), dtype=jnp.float32)
    edge_index = jax.random.randint(k2, (2, N_EDGES), 0, N_NODES, dtype=jnp.int64)
    # GCNConv weights (glorot-ish init) and zero biases, matching torch_geometric defaults
    W1 = jax.random.normal(k3, (D_IN, D_HID), dtype=jnp.float32) * (1.0 / np.sqrt(D_IN))
    b1 = jnp.zeros((D_HID,), dtype=jnp.float32)
    W2 = jax.random.normal(k4, (D_HID, D_HID), dtype=jnp.float32) * (1.0 / np.sqrt(D_HID))
    b2 = jnp.zeros((D_HID,), dtype=jnp.float32)
    return {"x": x, "edge_index": edge_index, "W1": W1, "b1": b1, "W2": W2, "b2": b2}


def _gcn_conv(x, src, dst, W, b, n_nodes):
    # GCNConv: add self-loops, symmetric normalization D^{-1/2}(A+I)D^{-1/2} X W + b
    loop = jnp.arange(n_nodes, dtype=src.dtype)
    src_sl = jnp.concatenate([src, loop])
    dst_sl = jnp.concatenate([dst, loop])
    deg = jnp.zeros((n_nodes,), dtype=x.dtype).at[dst_sl].add(1.0)
    deg_inv_sqrt = jnp.where(deg > 0, 1.0 / jnp.sqrt(jnp.maximum(deg, 1.0)), 0.0)
    h = x @ W
    norm = deg_inv_sqrt[src_sl] * deg_inv_sqrt[dst_sl]
    msg = h[src_sl] * norm[:, None]
    out = jnp.zeros((n_nodes, W.shape[1]), dtype=x.dtype).at[dst_sl].add(msg)
    return out + b


def reference(x, edge_index, W1, b1, W2, b2):
    src, dst = edge_index[0], edge_index[1]
    h = _gcn_conv(x, src, dst, W1, b1, N_NODES)
    h = jax.nn.relu(h)
    z = _gcn_conv(h, src, dst, W2, b2, N_NODES)
    return z

if __name__ == "__main__":
    import jax
    _d = setup_inputs()
    print(jax.jit(kernel)(*tuple(_d.values())))

</pallas_src>

<mosaic_0001>
#map = affine_map<(d0, d1) -> (0, 0)>
module attributes {stable_mosaic.version = 14 : i64} {
  func.func @_hist_sc(%arg0: i32, %arg1: i32, %arg2: memref<32x10240xi32, #tpu.memory_space<hbm>>, %arg3: memref<32x10240xf32, #tpu.memory_space<hbm>>, %arg4: memref<10240xi32, #tpu.memory_space<vmem>>, %arg5: memref<10240xf32, #tpu.memory_space<vmem>>) attributes {dimension_semantics = [#tpu.dimension_semantics<core_parallel>, #tpu.dimension_semantics<subcore_parallel>], iteration_bounds = array<i64: 2, 16>, scalar_prefetch = 0 : i64, scratch_operands = 2 : i64, tpu.core_type = #tpu.core_type<sc_vector_subcore>, window_params = [{transform_indices = #map}, {transform_indices = #map}]} {
    %mul3A = arith.constant 2 : i32
    %mul3A_0 = arith.muli %arg1, %mul3A : i32
    %add3A = arith.addi %mul3A_0, %arg0 : i32
    "tpu.region"() ({
      %run_scoped3A = tpu.sem_alloc : memref<!tpu.dma_semaphore, #tpu.memory_space<semaphore_mem>>
      %dma_start3A = arith.constant 0 : i32
      %dma_start3A_13 = tpu.memref_slice %arg2[%add3A, %dma_start3A] : memref<32x10240xi32, #tpu.memory_space<hbm>> -> memref<1x10240xi32, #tpu.memory_space<hbm>>
      %dma_start3A_14 = tpu.memref_squeeze %dma_start3A_13 : memref<1x10240xi32, #tpu.memory_space<hbm>> -> memref<10240xi32, #tpu.memory_space<hbm>>
      %dma_start3A_15 = arith.constant 0 : i32
      %dma_start3A_16 = tpu.memref_slice %arg2[%add3A, %dma_start3A_15] : memref<32x10240xi32, #tpu.memory_space<hbm>> -> memref<1x10240xi32, #tpu.memory_space<hbm>>
      %dma_start3A_17 = tpu.memref_squeeze %dma_start3A_16 : memref<1x10240xi32, #tpu.memory_space<hbm>> -> memref<10240xi32, #tpu.memory_space<hbm>>
      tpu.enqueue_dma source(%dma_start3A_17 : memref<10240xi32, #tpu.memory_space<hbm>>) target(%arg4 : memref<10240xi32, #tpu.memory_space<vmem>>) target_semaphore(%run_scoped3A : memref<!tpu.dma_semaphore, #tpu.memory_space<semaphore_mem>>)
      %dma_wait3A = arith.constant 0 : i32
      %dma_wait3A_18 = tpu.memref_slice %arg2[%add3A, %dma_wait3A] : memref<32x10240xi32, #tpu.memory_space<hbm>> -> memref<1x10240xi32, #tpu.memory_space<hbm>>
      %dma_wait3A_19 = tpu.memref_squeeze %dma_wait3A_18 : memref<1x10240xi32, #tpu.memory_space<hbm>> -> memref<10240xi32, #tpu.memory_space<hbm>>
      %dma_wait3A_20 = arith.constant 0 : i32
      %dma_wait3A_21 = tpu.memref_slice %arg2[%add3A, %dma_wait3A_20] : memref<32x10240xi32, #tpu.memory_space<hbm>> -> memref<1x10240xi32, #tpu.memory_space<hbm>>
      %dma_wait3A_22 = tpu.memref_squeeze %dma_wait3A_21 : memref<1x10240xi32, #tpu.memory_space<hbm>> -> memref<10240xi32, #tpu.memory_space<hbm>>
      tpu.wait_dma2 semaphore(%run_scoped3A : memref<!tpu.dma_semaphore, #tpu.memory_space<semaphore_mem>>) src(%dma_wait3A_22 : memref<10240xi32, #tpu.memory_space<hbm>>) dst(%arg4 : memref<10240xi32, #tpu.memory_space<vmem>>)
      tpu.yield
    }) : () -> ()
    %scan3A = arith.constant 0 : i32
    %scan3A_1 = arith.constant 0 : i32
    %scan3A_2 = arith.constant 640 : i32
    %scan3A_3 = arith.addi %scan3A_1, %scan3A_2 : i32
    %scan3A_4 = arith.constant 1 : i32
    scf.for %scan3A_13 = %scan3A_1 to %scan3A_3 step %scan3A_4  : i32 {
      %broadcast_in_dim3A_14 = arith.constant 0.000000e+00 : f32
      %broadcast_in_dim3A_15 = vector.broadcast %broadcast_in_dim3A_14 : f32 to vector<16xf32>
      %mul3A_16 = arith.constant 16 : i32
      %mul3A_17 = arith.muli %scan3A_13, %mul3A_16 : i32
      %swap3A = arith.index_cast %mul3A_17 : i32 to index
      %swap3A_18 = tpu.vector_load %arg5[%swap3A] {strides = array<i32>} : memref<10240xf32, #tpu.memory_space<vmem>>, vector<16xf32>,
      tpu.vector_store %arg5[%swap3A], %broadcast_in_dim3A_15 {strides = array<i32>} : memref<10240xf32, #tpu.memory_space<vmem>>, vector<16xf32>,
    }
    %scan3A_5 = arith.constant 640 : i32
    %broadcast_in_dim3A = arith.constant 1.000000e+00 : f32
    %broadcast_in_dim3A_6 = vector.broadcast %broadcast_in_dim3A : f32 to vector<16xf32>
    %scan3A_7 = arith.constant 0 : i32
    %scan3A_8 = arith.constant 0 : i32
    %scan3A_9 = arith.constant 640 : i32
    %scan3A_10 = arith.addi %scan3A_8, %scan3A_9 : i32
    %scan3A_11 = arith.constant 1 : i32
    scf.for %scan3A_13 = %scan3A_8 to %scan3A_10 step %scan3A_11  : i32 {
      %mul3A_14 = arith.constant 16 : i32
      %mul3A_15 = arith.muli %scan3A_13, %mul3A_14 : i32
      %get3A = arith.index_cast %mul3A_15 : i32 to index
      %get3A_16 = tpu.vector_load %arg4[%get3A] {strides = array<i32>} : memref<10240xi32, #tpu.memory_space<vmem>>, vector<16xi32>,
      tpu.vector_store_idx %arg5[%get3A_16], %broadcast_in_dim3A_6 {add = true} : memref<10240xf32, #tpu.memory_space<vmem>>[vector<16xi32>], vector<16xf32>,
    }
    %scan3A_12 = arith.constant 640 : i32
    "tpu.region"() ({
      %run_scoped3A = tpu.sem_alloc : memref<!tpu.dma_semaphore, #tpu.memory_space<semaphore_mem>>
      %dma_start3A = arith.constant 0 : i32
      %dma_start3A_13 = tpu.memref_slice %arg3[%add3A, %dma_start3A] : memref<32x10240xf32, #tpu.memory_space<hbm>> -> memref<1x10240xf32, #tpu.memory_space<hbm>>
      %dma_start3A_14 = tpu.memref_squeeze %dma_start3A_13 : memref<1x10240xf32, #tpu.memory_space<hbm>> -> memref<10240xf32, #tpu.memory_space<hbm>>
      %dma_start3A_15 = arith.constant 0 : i32
      %dma_start3A_16 = tpu.memref_slice %arg3[%add3A, %dma_start3A_15] : memref<32x10240xf32, #tpu.memory_space<hbm>> -> memref<1x10240xf32, #tpu.memory_space<hbm>>
      %dma_start3A_17 = tpu.memref_squeeze %dma_start3A_16 : memref<1x10240xf32, #tpu.memory_space<hbm>> -> memref<10240xf32, #tpu.memory_space<hbm>>
      tpu.enqueue_dma source(%arg5 : memref<10240xf32, #tpu.memory_space<vmem>>) target(%dma_start3A_17 : memref<10240xf32, #tpu.memory_space<hbm>>) target_semaphore(%run_scoped3A : memref<!tpu.dma_semaphore, #tpu.memory_space<semaphore_mem>>)
      %dma_wait3A = arith.constant 0 : i32
      %dma_wait3A_18 = tpu.memref_slice %arg3[%add3A, %dma_wait3A] : memref<32x10240xf32, #tpu.memory_space<hbm>> -> memref<1x10240xf32, #tpu.memory_space<hbm>>
      %dma_wait3A_19 = tpu.memref_squeeze %dma_wait3A_18 : memref<1x10240xf32, #tpu.memory_space<hbm>> -> memref<10240xf32, #tpu.memory_space<hbm>>
      %dma_wait3A_20 = arith.constant 0 : i32
      %dma_wait3A_21 = tpu.memref_slice %arg3[%add3A, %dma_wait3A_20] : memref<32x10240xf32, #tpu.memory_space<hbm>> -> memref<1x10240xf32, #tpu.memory_space<hbm>>
      %dma_wait3A_22 = tpu.memref_squeeze %dma_wait3A_21 : memref<1x10240xf32, #tpu.memory_space<hbm>> -> memref<10240xf32, #tpu.memory_space<hbm>>
      tpu.wait_dma2 semaphore(%run_scoped3A : memref<!tpu.dma_semaphore, #tpu.memory_space<semaphore_mem>>) src(%arg5 : memref<10240xf32, #tpu.memory_space<vmem>>) dst(%dma_wait3A_22 : memref<10240xf32, #tpu.memory_space<hbm>>)
      tpu.yield
    }) : () -> ()
    return
  }
}

#map = affine_map<(d0, d1) -> (0, 0)>
#map1 = affine_map<(d0, d1) -> (0, 0, 0)>
module attributes {stable_mosaic.version = 14 : i64} {
  func.func @_edge_sc(%arg0: i32, %arg1: i32, %arg2: memref<10240x128xf32, #tpu.memory_space<hbm>>, %arg3: memref<32x160x64xi32, #tpu.memory_space<hbm>>, %arg4: memref<32x160x64xi32, #tpu.memory_space<hbm>>, %arg5: memref<2x10240x128xf32, #tpu.memory_space<hbm>>, %arg6: memref<80x64xi32, #tpu.memory_space<vmem>>, %arg7: memref<80x64xi32, #tpu.memory_space<vmem>>, %arg8: memref<2x64x128xf32, #tpu.memory_space<vmem>>, %arg9: memref<10240x128xf32, #tpu.memory_space<vmem_shared>>, %arg10: memref<!tpu.dma_semaphore, #tpu.memory_space<semaphore_mem>>, %arg11: memref<!tpu.dma_semaphore, #tpu.memory_space<semaphore_mem>>) attributes {dimension_semantics = [#tpu.dimension_semantics<core_parallel>, #tpu.dimension_semantics<subcore_parallel>], iteration_bounds = array<i64: 2, 16>, scalar_prefetch = 0 : i64, scratch_operands = 6 : i64, tpu.core_type = #tpu.core_type<sc_vector_subcore>, window_params = [{transform_indices = #map}, {transform_indices = #map1}, {transform_indices = #map1}, {transform_indices = #map1}]} {
    %mul3A = arith.constant 2 : i32
    %mul3A_0 = arith.muli %arg1, %mul3A : i32
    %add3A = arith.addi %mul3A_0, %arg0 : i32
    %scan3A = arith.constant 0 : i32
    %scan3A_1 = arith.constant 0 : i32
    %scan3A_2 = arith.constant 64 : i32
    %scan3A_3 = arith.addi %scan3A_1, %scan3A_2 : i32
    %scan3A_4 = arith.constant 1 : i32
    scf.for %scan3A_73 = %scan3A_1 to %scan3A_3 step %scan3A_4  : i32 {
      %broadcast_in_dim3A = arith.constant 0.000000e+00 : f32
      %broadcast_in_dim3A_74 = vector.broadcast %broadcast_in_dim3A : f32 to vector<16xf32>
      %swap3A = arith.constant 0 : i32
      %swap3A_75 = arith.index_cast %swap3A : i32 to index
      %swap3A_76 = arith.index_cast %scan3A_73 : i32 to index
      %swap3A_77 = arith.constant 0 : index
      %swap3A_78 = tpu.vector_load %arg8[%swap3A_75, %swap3A_76, %swap3A_77] {strides = array<i32>} : memref<2x64x128xf32, #tpu.memory_space<vmem>>, vector<16xf32>,
      tpu.vector_store %arg8[%swap3A_75, %swap3A_76, %swap3A_77], %broadcast_in_dim3A_74 {strides = array<i32>} : memref<2x64x128xf32, #tpu.memory_space<vmem>>, vector<16xf32>,
      %broadcast_in_dim3A_79 = arith.constant 0.000000e+00 : f32
      %broadcast_in_dim3A_80 = vector.broadcast %broadcast_in_dim3A_79 : f32 to vector<16xf32>
      %swap3A_81 = arith.constant 0 : i32
      %swap3A_82 = arith.index_cast %swap3A_81 : i32 to index
      %swap3A_83 = arith.index_cast %scan3A_73 : i32 to index
      %swap3A_84 = arith.constant 16 : index
      %swap3A_85 = tpu.vector_load %arg8[%swap3A_82, %swap3A_83, %swap3A_84] {strides = array<i32>} : memref<2x64x128xf32, #tpu.memory_space<vmem>>, vector<16xf32>,
      tpu.vector_store %arg8[%swap3A_82, %swap3A_83, %swap3A_84], %broadcast_in_dim3A_80 {strides = array<i32>} : memref<2x64x128xf32, #tpu.memory_space<vmem>>, vector<16xf32>,
      %broadcast_in_dim3A_86 = arith.constant 0.000000e+00 : f32
      %broadcast_in_dim3A_87 = vector.broadcast %broadcast_in_dim3A_86 : f32 to vector<16xf32>
      %swap3A_88 = arith.constant 0 : i32
      %swap3A_89 = arith.index_cast %swap3A_88 : i32 to index
      %swap3A_90 = arith.index_cast %scan3A_73 : i32 to index
      %swap3A_91 = arith.constant 32 : index
      %swap3A_92 = tpu.vector_load %arg8[%swap3A_89, %swap3A_90, %swap3A_91] {strides = array<i32>} : memref<2x64x128xf32, #tpu.memory_space<vmem>>, vector<16xf32>,
      tpu.vector_store %arg8[%swap3A_89, %swap3A_90, %swap3A_91], %broadcast_in_dim3A_87 {strides = array<i32>} : memref<2x64x128xf32, #tpu.memory_space<vmem>>, vector<16xf32>,
      %broadcast_in_dim3A_93 = arith.constant 0.000000e+00 : f32
      %broadcast_in_dim3A_94 = vector.broadcast %broadcast_in_dim3A_93 : f32 to vector<16xf32>
      %swap3A_95 = arith.constant 0 : i32
      %swap3A_96 = arith.index_cast %swap3A_95 : i32 to index
      %swap3A_97 = arith.index_cast %scan3A_73 : i32 to index
      %swap3A_98 = arith.constant 48 : index
      %swap3A_99 = tpu.vector_load %arg8[%swap3A_96, %swap3A_97, %swap3A_98] {strides = array<i32>} : memref<2x64x128xf32, #tpu.memory_space<vmem>>, vector<16xf32>,
      tpu.vector_store %arg8[%swap3A_96, %swap3A_97, %swap3A_98], %broadcast_in_dim3A_94 {strides = array<i32>} : memref<2x64x128xf32, #tpu.memory_space<vmem>>, vector<16xf32>,
      %broadcast_in_dim3A_100 = arith.constant 0.000000e+00 : f32
      %broadcast_in_dim3A_101 = vector.broadcast %broadcast_in_dim3A_100 : f32 to vector<16xf32>
      %swap3A_102 = arith.constant 0 : i32
      %swap3A_103 = arith.index_cast %swap3A_102 : i32 to index
      %swap3A_104 = arith.index_cast %scan3A_73 : i32 to index
      %swap3A_105 = arith.constant 64 : index
      %swap3A_106 = tpu.vector_load %arg8[%swap3A_103, %swap3A_104, %swap3A_105] {strides = array<i32>} : memref<2x64x128xf32, #tpu.memory_space<vmem>>, vector<16xf32>,
      tpu.vector_store %arg8[%swap3A_103, %swap3A_104, %swap3A_105], %broadcast_in_dim3A_101 {strides = array<i32>} : memref<2x64x128xf32, #tpu.memory_space<vmem>>, vector<16xf32>,
      %broadcast_in_dim3A_107 = arith.constant 0.000000e+00 : f32
      %broadcast_in_dim3A_108 = vector.broadcast %broadcast_in_dim3A_107 : f32 to vector<16xf32>
      %swap3A_109 = arith.constant 0 : i32
      %swap3A_110 = arith.index_cast %swap3A_109 : i32 to index
      %swap3A_111 = arith.index_cast %scan3A_73 : i32 to index
      %swap3A_112 = arith.constant 80 : index
      %swap3A_113 = tpu.vector_load %arg8[%swap3A_110, %swap3A_111, %swap3A_112] {strides = array<i32>} : memref<2x64x128xf32, #tpu.memory_space<vmem>>, vector<16xf32>,
      tpu.vector_store %arg8[%swap3A_110, %swap3A_111, %swap3A_112], %broadcast_in_dim3A_108 {strides = array<i32>} : memref<2x64x128xf32, #tpu.memory_space<vmem>>, vector<16xf32>,
      %broadcast_in_dim3A_114 = arith.constant 0.000000e+00 : f32
      %broadcast_in_dim3A_115 = vector.broadcast %broadcast_in_dim3A_114 : f32 to vector<16xf32>
      %swap3A_116 = arith.constant 0 : i32
      %swap3A_117 = arith.index_cast %swap3A_116 : i32 to index
      %swap3A_118 = arith.index_cast %scan3A_73 : i32 to index
      %swap3A_119 = arith.constant 96 : index
      %swap3A_120 = tpu.vector_load %arg8[%swap3A_117, %swap3A_118, %swap3A_119] {strides = array<i32>} : memref<2x64x128xf32, #tpu.memory_space<vmem>>, vector<16xf32>,
      tpu.vector_store %arg8[%swap3A_117, %swap3A_118, %swap3A_119], %broadcast_in_dim3A_115 {strides = array<i32>} : memref<2x64x128xf32, #tpu.memory_space<vmem>>, vector<16xf32>,
      %broadcast_in_dim3A_121 = arith.constant 0.000000e+00 : f32
      %broadcast_in_dim3A_122 = vector.broadcast %broadcast_in_dim3A_121 : f32 to vector<16xf32>
      %swap3A_123 = arith.constant 0 : i32
      %swap3A_124 = arith.index_cast %swap3A_123 : i32 to index
      %swap3A_125 = arith.index_cast %scan3A_73 : i32 to index
      %swap3A_126 = arith.constant 112 : index
      %swap3A_127 = tpu.vector_load %arg8[%swap3A_124, %swap3A_125, %swap3A_126] {strides = array<i32>} : memref<2x64x128xf32, #tpu.memory_space<vmem>>, vector<16xf32>,
      tpu.vector_store %arg8[%swap3A_124, %swap3A_125, %swap3A_126], %broadcast_in_dim3A_122 {strides = array<i32>} : memref<2x64x128xf32, #tpu.memory_space<vmem>>, vector<16xf32>,
    }
    %scan3A_5 = arith.constant 64 : i32
    %mul3A_6 = arith.constant 640 : i32
    %mul3A_7 = arith.muli %arg1, %mul3A_6 : i32
    %add3A_8 = arith.constant 0 : i32
    %add3A_9 = arith.addi %mul3A_7, %add3A_8 : i32
    %run_scoped3A = arith.constant 0 : i32
    "tpu.region"() ({
      %run_scoped3A_73 = tpu.sem_alloc : memref<!tpu.dma_semaphore, #tpu.memory_space<semaphore_mem>>
      %dma_start3A_74 = arith.constant 0 : i32
      %dma_start3A_75 = arith.constant 0 : i32
      %dma_start3A_76 = tpu.memref_slice %arg8[%run_scoped3A, %dma_start3A_74, %dma_start3A_75] : memref<2x64x128xf32, #tpu.memory_space<vmem>> -> memref<1x64x128xf32, #tpu.memory_space<vmem>>
      %dma_start3A_77 = tpu.memref_squeeze %dma_start3A_76 : memref<1x64x128xf32, #tpu.memory_space<vmem>> -> memref<64x128xf32, #tpu.memory_space<vmem>>
      %dma_start3A_78 = arith.constant 0 : i32
      %dma_start3A_79 = tpu.memref_slice %arg9[%add3A_9, %dma_start3A_78] : memref<10240x128xf32, #tpu.memory_space<vmem_shared>> -> memref<64x128xf32, #tpu.memory_space<vmem_shared>>
      %dma_start3A_80 = arith.constant 0 : i32
      %dma_start3A_81 = tpu.memref_slice %arg9[%add3A_9, %dma_start3A_80] : memref<10240x128xf32, #tpu.memory_space<vmem_shared>> -> memref<64x128xf32, #tpu.memory_space<vmem_shared>>
      %dma_start3A_82 = arith.constant 0 : i32
      %dma_start3A_83 = arith.constant 0 : i32
      %dma_start3A_84 = tpu.memref_slice %arg8[%run_scoped3A, %dma_start3A_82, %dma_start3A_83] : memref<2x64x128xf32, #tpu.memory_space<vmem>> -> memref<1x64x128xf32, #tpu.memory_space<vmem>>
      %dma_start3A_85 = tpu.memref_squeeze %dma_start3A_84 : memref<1x64x128xf32, #tpu.memory_space<vmem>> -> memref<64x128xf32, #tpu.memory_space<vmem>>
      tpu.enqueue_dma source(%dma_start3A_85 : memref<64x128xf32, #tpu.memory_space<vmem>>) target(%dma_start3A_81 : memref<64x128xf32, #tpu.memory_space<vmem_shared>>) target_semaphore(%run_scoped3A_73 : memref<!tpu.dma_semaphore, #tpu.memory_space<semaphore_mem>>)
      %dma_wait3A = arith.constant 0 : i32
      %dma_wait3A_86 = arith.constant 0 : i32
      %dma_wait3A_87 = tpu.memref_slice %arg8[%run_scoped3A, %dma_wait3A, %dma_wait3A_86] : memref<2x64x128xf32, #tpu.memory_space<vmem>> -> memref<1x64x128xf32, #tpu.memory_space<vmem>>
      %dma_wait3A_88 = tpu.memref_squeeze %dma_wait3A_87 : memref<1x64x128xf32, #tpu.memory_space<vmem>> -> memref<64x128xf32, #tpu.memory_space<vmem>>
      %dma_wait3A_89 = arith.constant 0 : i32
      %dma_wait3A_90 = tpu.memref_slice %arg9[%add3A_9, %dma_wait3A_89] : memref<10240x128xf32, #tpu.memory_space<vmem_shared>> -> memref<64x128xf32, #tpu.memory_space<vmem_shared>>
      %dma_wait3A_91 = arith.constant 0 : i32
      %dma_wait3A_92 = tpu.memref_slice %arg9[%add3A_9, %dma_wait3A_91] : memref<10240x128xf32, #tpu.memory_space<vmem_shared>> -> memref<64x128xf32, #tpu.memory_space<vmem_shared>>
      %dma_wait3A_93 = arith.constant 0 : i32
      %dma_wait3A_94 = arith.constant 0 : i32
      %dma_wait3A_95 = tpu.memref_slice %arg8[%run_scoped3A, %dma_wait3A_93, %dma_wait3A_94] : memref<2x64x128xf32, #tpu.memory_space<vmem>> -> memref<1x64x128xf32, #tpu.memory_space<vmem>>
      %dma_wait3A_96 = tpu.memref_squeeze %dma_wait3A_95 : memref<1x64x128xf32, #tpu.memory_space<vmem>> -> memref<64x128xf32, #tpu.memory_space<vmem>>
      tpu.wait_dma2 semaphore(%run_scoped3A_73 : memref<!tpu.dma_semaphore, #tpu.memory_space<semaphore_mem>>) src(%dma_wait3A_96 : memref<64x128xf32, #tpu.memory_space<vmem>>) dst(%dma_wait3A_92 : memref<64x128xf32, #tpu.memory_space<vmem_shared>>)
      tpu.yield
    }) : () -> ()
    %add3A_10 = arith.constant 64 : i32
    %add3A_11 = arith.addi %mul3A_7, %add3A_10 : i32
    %run_scoped3A_12 = arith.constant 0 : i32
    "tpu.region"() ({
      %run_scoped3A_73 = tpu.sem_alloc : memref<!tpu.dma_semaphore, #tpu.memory_space<semaphore_mem>>
      %dma_start3A_74 = arith.constant 0 : i32
      %dma_start3A_75 = arith.constant 0 : i32
      %dma_start3A_76 = tpu.memref_slice %arg8[%run_scoped3A_12, %dma_start3A_74, %dma_start3A_75] : memref<2x64x128xf32, #tpu.memory_space<vmem>> -> memref<1x64x128xf32, #tpu.memory_space<vmem>>
      %dma_start3A_77 = tpu.memref_squeeze %dma_start3A_76 : memref<1x64x128xf32, #tpu.memory_space<vmem>> -> memref<64x128xf32, #tpu.memory_space<vmem>>
      %dma_start3A_78 = arith.constant 0 : i32
      %dma_start3A_79 = tpu.memref_slice %arg9[%add3A_11, %dma_start3A_78] : memref<10240x128xf32, #tpu.memory_space<vmem_shared>> -> memref<64x128xf32, #tpu.memory_space<vmem_shared>>
      %dma_start3A_80 = arith.constant 0 : i32
      %dma_start3A_81 = tpu.memref_slice %arg9[%add3A_11, %dma_start3A_80] : memref<10240x128xf32, #tpu.memory_space<vmem_shared>> -> memref<64x128xf32, #tpu.memory_space<vmem_shared>>
      %dma_start3A_82 = arith.constant 0 : i32
      %dma_start3A_83 = arith.constant 0 : i32
      %dma_start3A_84 = tpu.memref_slice %arg8[%run_scoped3A_12, %dma_start3A_82, %dma_start3A_83] : memref<2x64x128xf32, #tpu.memory_space<vmem>> -> memref<1x64x128xf32, #tpu.memory_space<vmem>>
      %dma_start3A_85 = tpu.memref_squeeze %dma_start3A_84 : memref<1x64x128xf32, #tpu.memory_space<vmem>> -> memref<64x128xf32, #tpu.memory_space<vmem>>
      tpu.enqueue_dma source(%dma_start3A_85 : memref<64x128xf32, #tpu.memory_space<vmem>>) target(%dma_start3A_81 : memref<64x128xf32, #tpu.memory_space<vmem_shared>>) target_semaphore(%run_scoped3A_73 : memref<!tpu.dma_semaphore, #tpu.memory_space<semaphore_mem>>)
      %dma_wait3A = arith.constant 0 : i32
      %dma_wait3A_86 = arith.constant 0 : i32
      %dma_wait3A_87 = tpu.memref_slice %arg8[%run_scoped3A_12, %dma_wait3A, %dma_wait3A_86] : memref<2x64x128xf32, #tpu.memory_space<vmem>> -> memref<1x64x128xf32, #tpu.memory_space<vmem>>
      %dma_wait3A_88 = tpu.memref_squeeze %dma_wait3A_87 : memref<1x64x128xf32, #tpu.memory_space<vmem>> -> memref<64x128xf32, #tpu.memory_space<vmem>>
      %dma_wait3A_89 = arith.constant 0 : i32
      %dma_wait3A_90 = tpu.memref_slice %arg9[%add3A_11, %dma_wait3A_89] : memref<10240x128xf32, #tpu.memory_space<vmem_shared>> -> memref<64x128xf32, #tpu.memory_space<vmem_shared>>
      %dma_wait3A_91 = arith.constant 0 : i32
      %dma_wait3A_92 = tpu.memref_slice %arg9[%add3A_11, %dma_wait3A_91] : memref<10240x128xf32, #tpu.memory_space<vmem_shared>> -> memref<64x128xf32, #tpu.memory_space<vmem_shared>>
      %dma_wait3A_93 = arith.constant 0 : i32
      %dma_wait3A_94 = arith.constant 0 : i32
      %dma_wait3A_95 = tpu.memref_slice %arg8[%run_scoped3A_12, %dma_wait3A_93, %dma_wait3A_94] : memref<2x64x128xf32, #tpu.memory_space<vmem>> -> memref<1x64x128xf32, #tpu.memory_space<vmem>>
      %dma_wait3A_96 = tpu.memref_squeeze %dma_wait3A_95 : memref<1x64x128xf32, #tpu.memory_space<vmem>> -> memref<64x128xf32, #tpu.memory_space<vmem>>
      tpu.wait_dma2 semaphore(%run_scoped3A_73 : memref<!tpu.dma_semaphore, #tpu.memory_space<semaphore_mem>>) src(%dma_wait3A_96 : memref<64x128xf32, #tpu.memory_space<vmem>>) dst(%dma_wait3A_92 : memref<64x128xf32, #tpu.memory_space<vmem_shared>>)
      tpu.yield
    }) : () -> ()
    %add3A_13 = arith.constant 128 : i32
    %add3A_14 = arith.addi %mul3A_7, %add3A_13 : i32
    %run_scoped3A_15 = arith.constant 0 : i32
    "tpu.region"() ({
      %run_scoped3A_73 = tpu.sem_alloc : memref<!tpu.dma_semaphore, #tpu.memory_space<semaphore_mem>>
      %dma_start3A_74 = arith.constant 0 : i32
      %dma_start3A_75 = arith.constant 0 : i32
      %dma_start3A_76 = tpu.memref_slice %arg8[%run_scoped3A_15, %dma_start3A_74, %dma_start3A_75] : memref<2x64x128xf32, #tpu.memory_space<vmem>> -> memref<1x64x128xf32, #tpu.memory_space<vmem>>
      %dma_start3A_77 = tpu.memref_squeeze %dma_start3A_76 : memref<1x64x128xf32, #tpu.memory_space<vmem>> -> memref<64x128xf32, #tpu.memory_space<vmem>>
      %dma_start3A_78 = arith.constant 0 : i32
      %dma_start3A_79 = tpu.memref_slice %arg9[%add3A_14, %dma_start3A_78] : memref<10240x128xf32, #tpu.memory_space<vmem_shared>> -> memref<64x128xf32, #tpu.memory_space<vmem_shared>>
      %dma_start3A_80 = arith.constant 0 : i32
      %dma_start3A_81 = tpu.memref_slice %arg9[%add3A_14, %dma_start3A_80] : memref<10240x128xf32, #tpu.memory_space<vmem_shared>> -> memref<64x128xf32, #tpu.memory_space<vmem_shared>>
      %dma_start3A_82 = arith.constant 0 : i32
      %dma_start3A_83 = arith.constant 0 : i32
      %dma_start3A_84 = tpu.memref_slice %arg8[%run_scoped3A_15, %dma_start3A_82, %dma_start3A_83] : memref<2x64x128xf32, #tpu.memory_space<vmem>> -> memref<1x64x128xf32, #tpu.memory_space<vmem>>
      %dma_start3A_85 = tpu.memref_squeeze %dma_start3A_84 : memref<1x64x128xf32, #tpu.memory_space<vmem>> -> memref<64x128xf32, #tpu.memory_space<vmem>>
      tpu.enqueue_dma source(%dma_start3A_85 : memref<64x128xf32, #tpu.memory_space<vmem>>) target(%dma_start3A_81 : memref<64x128xf32, #tpu.memory_space<vmem_shared>>) target_semaphore(%run_scoped3A_73 : memref<!tpu.dma_semaphore, #tpu.memory_space<semaphore_mem>>)
      %dma_wait3A = arith.constant 0 : i32
      %dma_wait3A_86 = arith.constant 0 : i32
      %dma_wait3A_87 = tpu.memref_slice %arg8[%run_scoped3A_15, %dma_wait3A, %dma_wait3A_86] : memref<2x64x128xf32, #tpu.memory_space<vmem>> -> memref<1x64x128xf32, #tpu.memory_space<vmem>>
      %dma_wait3A_88 = tpu.memref_squeeze %dma_wait3A_87 : memref<1x64x128xf32, #tpu.memory_space<vmem>> -> memref<64x128xf32, #tpu.memory_space<vmem>>
      %dma_wait3A_89 = arith.constant 0 : i32
      %dma_wait3A_90 = tpu.memref_slice %arg9[%add3A_14, %dma_wait3A_89] : memref<10240x128xf32, #tpu.memory_space<vmem_shared>> -> memref<64x128xf32, #tpu.memory_space<vmem_shared>>
      %dma_wait3A_91 = arith.constant 0 : i32
      %dma_wait3A_92 = tpu.memref_slice %arg9[%add3A_14, %dma_wait3A_91] : memref<10240x128xf32, #tpu.memory_space<vmem_shared>> -> memref<64x128xf32, #tpu.memory_space<vmem_shared>>
      %dma_wait3A_93 = arith.constant 0 : i32
      %dma_wait3A_94 = arith.constant 0 : i32
      %dma_wait3A_95 = tpu.memref_slice %arg8[%run_scoped3A_15, %dma_wait3A_93, %dma_wait3A_94] : memref<2x64x128xf32, #tpu.memory_space<vmem>> -> memref<1x64x128xf32, #tpu.memory_space<vmem>>
      %dma_wait3A_96 = tpu.memref_squeeze %dma_wait3A_95 : memref<1x64x128xf32, #tpu.memory_space<vmem>> -> memref<64x128xf32, #tpu.memory_space<vmem>>
      tpu.wait_dma2 semaphore(%run_scoped3A_73 : memref<!tpu.dma_semaphore, #tpu.memory_space<semaphore_mem>>) src(%dma_wait3A_96 : memref<64x128xf32, #tpu.memory_space<vmem>>) dst(%dma_wait3A_92 : memref<64x128xf32, #tpu.memory_space<vmem_shared>>)
      tpu.yield
    }) : () -> ()
    %add3A_16 = arith.constant 192 : i32
    %add3A_17 = arith.addi %mul3A_7, %add3A_16 : i32
    %run_scoped3A_18 = arith.constant 0 : i32
    "tpu.region"() ({
      %run_scoped3A_73 = tpu.sem_alloc : memref<!tpu.dma_semaphore, #tpu.memory_space<semaphore_mem>>
      %dma_start3A_74 = arith.constant 0 : i32
      %dma_start3A_75 = arith.constant 0 : i32
      %dma_start3A_76 = tpu.memref_slice %arg8[%run_scoped3A_18, %dma_start3A_74, %dma_start3A_75] : memref<2x64x128xf32, #tpu.memory_space<vmem>> -> memref<1x64x128xf32, #tpu.memory_space<vmem>>
      %dma_start3A_77 = tpu.memref_squeeze %dma_start3A_76 : memref<1x64x128xf32, #tpu.memory_space<vmem>> -> memref<64x128xf32, #tpu.memory_space<vmem>>
      %dma_start3A_78 = arith.constant 0 : i32
      %dma_start3A_79 = tpu.memref_slice %arg9[%add3A_17, %dma_start3A_78] : memref<10240x128xf32, #tpu.memory_space<vmem_shared>> -> memref<64x128xf32, #tpu.memory_space<vmem_shared>>
      %dma_start3A_80 = arith.constant 0 : i32
      %dma_start3A_81 = tpu.memref_slice %arg9[%add3A_17, %dma_start3A_80] : memref<10240x128xf32, #tpu.memory_space<vmem_shared>> -> memref<64x128xf32, #tpu.memory_space<vmem_shared>>
      %dma_start3A_82 = arith.constant 0 : i32
      %dma_start3A_83 = arith.constant 0 : i32
      %dma_start3A_84 = tpu.memref_slice %arg8[%run_scoped3A_18, %dma_start3A_82, %dma_start3A_83] : memref<2x64x128xf32, #tpu.memory_space<vmem>> -> memref<1x64x128xf32, #tpu.memory_space<vmem>>
      %dma_start3A_85 = tpu.memref_squeeze %dma_start3A_84 : memref<1x64x128xf32, #tpu.memory_space<vmem>> -> memref<64x128xf32, #tpu.memory_space<vmem>>
      tpu.enqueue_dma source(%dma_start3A_85 : memref<64x128xf32, #tpu.memory_space<vmem>>) target(%dma_start3A_81 : memref<64x128xf32, #tpu.memory_space<vmem_shared>>) target_semaphore(%run_scoped3A_73 : memref<!tpu.dma_semaphore, #tpu.memory_space<semaphore_mem>>)
      %dma_wait3A = arith.constant 0 : i32
      %dma_wait3A_86 = arith.constant 0 : i32
      %dma_wait3A_87 = tpu.memref_slice %arg8[%run_scoped3A_18, %dma_wait3A, %dma_wait3A_86] : memref<2x64x128xf32, #tpu.memory_space<vmem>> -> memref<1x64x128xf32, #tpu.memory_space<vmem>>
      %dma_wait3A_88 = tpu.memref_squeeze %dma_wait3A_87 : memref<1x64x128xf32, #tpu.memory_space<vmem>> -> memref<64x128xf32, #tpu.memory_space<vmem>>
      %dma_wait3A_89 = arith.constant 0 : i32
      %dma_wait3A_90 = tpu.memref_slice %arg9[%add3A_17, %dma_wait3A_89] : memref<10240x128xf32, #tpu.memory_space<vmem_shared>> -> memref<64x128xf32, #tpu.memory_space<vmem_shared>>
      %dma_wait3A_91 = arith.constant 0 : i32
      %dma_wait3A_92 = tpu.memref_slice %arg9[%add3A_17, %dma_wait3A_91] : memref<10240x128xf32, #tpu.memory_space<vmem_shared>> -> memref<64x128xf32, #tpu.memory_space<vmem_shared>>
      %dma_wait3A_93 = arith.constant 0 : i32
      %dma_wait3A_94 = arith.constant 0 : i32
      %dma_wait3A_95 = tpu.memref_slice %arg8[%run_scoped3A_18, %dma_wait3A_93, %dma_wait3A_94] : memref<2x64x128xf32, #tpu.memory_space<vmem>> -> memref<1x64x128xf32, #tpu.memory_space<vmem>>
      %dma_wait3A_96 = tpu.memref_squeeze %dma_wait3A_95 : memref<1x64x128xf32, #tpu.memory_space<vmem>> -> memref<64x128xf32, #tpu.memory_space<vmem>>
      tpu.wait_dma2 semaphore(%run_scoped3A_73 : memref<!tpu.dma_semaphore, #tpu.memory_space<semaphore_mem>>) src(%dma_wait3A_96 : memref<64x128xf32, #tpu.memory_space<vmem>>) dst(%dma_wait3A_92 : memref<64x128xf32, #tpu.memory_space<vmem_shared>>)
      tpu.yield
    }) : () -> ()
    %add3A_19 = arith.constant 256 : i32
    %add3A_20 = arith.addi %mul3A_7, %add3A_19 : i32
    %run_scoped3A_21 = arith.constant 0 : i32
    "tpu.region"() ({
      %run_scoped3A_73 = tpu.sem_alloc : memref<!tpu.dma_semaphore, #tpu.memory_space<semaphore_mem>>
      %dma_start3A_74 = arith.constant 0 : i32
      %dma_start3A_75 = arith.constant 0 : i32
      %dma_start3A_76 = tpu.memref_slice %arg8[%run_scoped3A_21, %dma_start3A_74, %dma_start3A_75] : memref<2x64x128xf32, #tpu.memory_space<vmem>> -> memref<1x64x128xf32, #tpu.memory_space<vmem>>
      %dma_start3A_77 = tpu.memref_squeeze %dma_start3A_76 : memref<1x64x128xf32, #tpu.memory_space<vmem>> -> memref<64x128xf32, #tpu.memory_space<vmem>>
      %dma_start3A_78 = arith.constant 0 : i32
      %dma_start3A_79 = tpu.memref_slice %arg9[%add3A_20, %dma_start3A_78] : memref<10240x128xf32, #tpu.memory_space<vmem_shared>> -> memref<64x128xf32, #tpu.memory_space<vmem_shared>>
      %dma_start3A_80 = arith.constant 0 : i32
      %dma_start3A_81 = tpu.memref_slice %arg9[%add3A_20, %dma_start3A_80] : memref<10240x128xf32, #tpu.memory_space<vmem_shared>> -> memref<64x128xf32, #tpu.memory_space<vmem_shared>>
      %dma_start3A_82 = arith.constant 0 : i32
      %dma_start3A_83 = arith.constant 0 : i32
      %dma_start3A_84 = tpu.memref_slice %arg8[%run_scoped3A_21, %dma_start3A_82, %dma_start3A_83] : memref<2x64x128xf32, #tpu.memory_space<vmem>> -> memref<1x64x128xf32, #tpu.memory_space<vmem>>
      %dma_start3A_85 = tpu.memref_squeeze %dma_start3A_84 : memref<1x64x128xf32, #tpu.memory_space<vmem>> -> memref<64x128xf32, #tpu.memory_space<vmem>>
      tpu.enqueue_dma source(%dma_start3A_85 : memref<64x128xf32, #tpu.memory_space<vmem>>) target(%dma_start3A_81 : memref<64x128xf32, #tpu.memory_space<vmem_shared>>) target_semaphore(%run_scoped3A_73 : memref<!tpu.dma_semaphore, #tpu.memory_space<semaphore_mem>>)
      %dma_wait3A = arith.constant 0 : i32
      %dma_wait3A_86 = arith.constant 0 : i32
      %dma_wait3A_87 = tpu.memref_slice %arg8[%run_scoped3A_21, %dma_wait3A, %dma_wait3A_86] : memref<2x64x128xf32, #tpu.memory_space<vmem>> -> memref<1x64x128xf32, #tpu.memory_space<vmem>>
      %dma_wait3A_88 = tpu.memref_squeeze %dma_wait3A_87 : memref<1x64x128xf32, #tpu.memory_space<vmem>> -> memref<64x128xf32, #tpu.memory_space<vmem>>
      %dma_wait3A_89 = arith.constant 0 : i32
      %dma_wait3A_90 = tpu.memref_slice %arg9[%add3A_20, %dma_wait3A_89] : memref<10240x128xf32, #tpu.memory_space<vmem_shared>> -> memref<64x128xf32, #tpu.memory_space<vmem_shared>>
      %dma_wait3A_91 = arith.constant 0 : i32
      %dma_wait3A_92 = tpu.memref_slice %arg9[%add3A_20, %dma_wait3A_91] : memref<10240x128xf32, #tpu.memory_space<vmem_shared>> -> memref<64x128xf32, #tpu.memory_space<vmem_shared>>
      %dma_wait3A_93 = arith.constant 0 : i32
      %dma_wait3A_94 = arith.constant 0 : i32
      %dma_wait3A_95 = tpu.memref_slice %arg8[%run_scoped3A_21, %dma_wait3A_93, %dma_wait3A_94] : memref<2x64x128xf32, #tpu.memory_space<vmem>> -> memref<1x64x128xf32, #tpu.memory_space<vmem>>
      %dma_wait3A_96 = tpu.memref_squeeze %dma_wait3A_95 : memref<1x64x128xf32, #tpu.memory_space<vmem>> -> memref<64x128xf32, #tpu.memory_space<vmem>>
      tpu.wait_dma2 semaphore(%run_scoped3A_73 : memref<!tpu.dma_semaphore, #tpu.memory_space<semaphore_mem>>) src(%dma_wait3A_96 : memref<64x128xf32, #tpu.memory_space<vmem>>) dst(%dma_wait3A_92 : memref<64x128xf32, #tpu.memory_space<vmem_shared>>)
      tpu.yield
    }) : () -> ()
    %add3A_22 = arith.constant 320 : i32
    %add3A_23 = arith.addi %mul3A_7, %add3A_22 : i32
    %run_scoped3A_24 = arith.constant 0 : i32
    "tpu.region"() ({
      %run_scoped3A_73 = tpu.sem_alloc : memref<!tpu.dma_semaphore, #tpu.memory_space<semaphore_mem>>
      %dma_start3A_74 = arith.constant 0 : i32
      %dma_start3A_75 = arith.constant 0 : i32
      %dma_start3A_76 = tpu.memref_slice %arg8[%run_scoped3A_24, %dma_start3A_74, %dma_start3A_75] : memref<2x64x128xf32, #tpu.memory_space<vmem>> -> memref<1x64x128xf32, #tpu.memory_space<vmem>>
      %dma_start3A_77 = tpu.memref_squeeze %dma_start3A_76 : memref<1x64x128xf32, #tpu.memory_space<vmem>> -> memref<64x128xf32, #tpu.memory_space<vmem>>
      %dma_start3A_78 = arith.constant 0 : i32
      %dma_start3A_79 = tpu.memref_slice %arg9[%add3A_23, %dma_start3A_78] : memref<10240x128xf32, #tpu.memory_space<vmem_shared>> -> memref<64x128xf32, #tpu.memory_space<vmem_shared>>
      %dma_start3A_80 = arith.constant 0 : i32
      %dma_start3A_81 = tpu.memref_slice %arg9[%add3A_23, %dma_start3A_80] : memref<10240x128xf32, #tpu.memory_space<vmem_shared>> -> memref<64x128xf32, #tpu.memory_space<vmem_shared>>
      %dma_start3A_82 = arith.constant 0 : i32
      %dma_start3A_83 = arith.constant 0 : i32
      %dma_start3A_84 = tpu.memref_slice %arg8[%run_scoped3A_24, %dma_start3A_82, %dma_start3A_83] : memref<2x64x128xf32, #tpu.memory_space<vmem>> -> memref<1x64x128xf32, #tpu.memory_space<vmem>>
      %dma_start3A_85 = tpu.memref_squeeze %dma_start3A_84 : memref<1x64x128xf32, #tpu.memory_space<vmem>> -> memref<64x128xf32, #tpu.memory_space<vmem>>
      tpu.enqueue_dma source(%dma_start3A_85 : memref<64x128xf32, #tpu.memory_space<vmem>>) target(%dma_start3A_81 : memref<64x128xf32, #tpu.memory_space<vmem_shared>>) target_semaphore(%run_scoped3A_73 : memref<!tpu.dma_semaphore, #tpu.memory_space<semaphore_mem>>)
      %dma_wait3A = arith.constant 0 : i32
      %dma_wait3A_86 = arith.constant 0 : i32
      %dma_wait3A_87 = tpu.memref_slice %arg8[%run_scoped3A_24, %dma_wait3A, %dma_wait3A_86] : memref<2x64x128xf32, #tpu.memory_space<vmem>> -> memref<1x64x128xf32, #tpu.memory_space<vmem>>
      %dma_wait3A_88 = tpu.memref_squeeze %dma_wait3A_87 : memref<1x64x128xf32, #tpu.memory_space<vmem>> -> memref<64x128xf32, #tpu.memory_space<vmem>>
      %dma_wait3A_89 = arith.constant 0 : i32
      %dma_wait3A_90 = tpu.memref_slice %arg9[%add3A_23, %dma_wait3A_89] : memref<10240x128xf32, #tpu.memory_space<vmem_shared>> -> memref<64x128xf32, #tpu.memory_space<vmem_shared>>
      %dma_wait3A_91 = arith.constant 0 : i32
      %dma_wait3A_92 = tpu.memref_slice %arg9[%add3A_23, %dma_wait3A_91] : memref<10240x128xf32, #tpu.memory_space<vmem_shared>> -> memref<64x128xf32, #tpu.memory_space<vmem_shared>>
      %dma_wait3A_93 = arith.constant 0 : i32
      %dma_wait3A_94 = arith.constant 0 : i32
      %dma_wait3A_95 = tpu.memref_slice %arg8[%run_scoped3A_24, %dma_wait3A_93, %dma_wait3A_94] : memref<2x64x128xf32, #tpu.memory_space<vmem>> -> memref<1x64x128xf32, #tpu.memory_space<vmem>>
      %dma_wait3A_96 = tpu.memref_squeeze %dma_wait3A_95 : memref<1x64x128xf32, #tpu.memory_space<vmem>> -> memref<64x128xf32, #tpu.memory_space<vmem>>
      tpu.wait_dma2 semaphore(%run_scoped3A_73 : memref<!tpu.dma_semaphore, #tpu.memory_space<semaphore_mem>>) src(%dma_wait3A_96 : memref<64x128xf32, #tpu.memory_space<vmem>>) dst(%dma_wait3A_92 : memref<64x128xf32, #tpu.memory_space<vmem_shared>>)
      tpu.yield
    }) : () -> ()
    %add3A_25 = arith.constant 384 : i32
    %add3A_26 = arith.addi %mul3A_7, %add3A_25 : i32
    %run_scoped3A_27 = arith.constant 0 : i32
    "tpu.region"() ({
      %run_scoped3A_73 = tpu.sem_alloc : memref<!tpu.dma_semaphore, #tpu.memory_space<semaphore_mem>>
      %dma_start3A_74 = arith.constant 0 : i32
      %dma_start3A_75 = arith.constant 0 : i32
      %dma_start3A_76 = tpu.memref_slice %arg8[%run_scoped3A_27, %dma_start3A_74, %dma_start3A_75] : memref<2x64x128xf32, #tpu.memory_space<vmem>> -> memref<1x64x128xf32, #tpu.memory_space<vmem>>
      %dma_start3A_77 = tpu.memref_squeeze %dma_start3A_76 : memref<1x64x128xf32, #tpu.memory_space<vmem>> -> memref<64x128xf32, #tpu.memory_space<vmem>>
      %dma_start3A_78 = arith.constant 0 : i32
      %dma_start3A_79 = tpu.memref_slice %arg9[%add3A_26, %dma_start3A_78] : memref<10240x128xf32, #tpu.memory_space<vmem_shared>> -> memref<64x128xf32, #tpu.memory_space<vmem_shared>>
      %dma_start3A_80 = arith.constant 0 : i32
      %dma_start3A_81 = tpu.memref_slice %arg9[%add3A_26, %dma_start3A_80] : memref<10240x128xf32, #tpu.memory_space<vmem_shared>> -> memref<64x128xf32, #tpu.memory_space<vmem_shared>>
      %dma_start3A_82 = arith.constant 0 : i32
      %dma_start3A_83 = arith.constant 0 : i32
      %dma_start3A_84 = tpu.memref_slice %arg8[%run_scoped3A_27, %dma_start3A_82, %dma_start3A_83] : memref<2x64x128xf32, #tpu.memory_space<vmem>> -> memref<1x64x128xf32, #tpu.memory_space<vmem>>
      %dma_start3A_85 = tpu.memref_squeeze %dma_start3A_84 : memref<1x64x128xf32, #tpu.memory_space<vmem>> -> memref<64x128xf32, #tpu.memory_space<vmem>>
      tpu.enqueue_dma source(%dma_start3A_85 : memref<64x128xf32, #tpu.memory_space<vmem>>) target(%dma_start3A_81 : memref<64x128xf32, #tpu.memory_space<vmem_shared>>) target_semaphore(%run_scoped3A_73 : memref<!tpu.dma_semaphore, #tpu.memory_space<semaphore_mem>>)
      %dma_wait3A = arith.constant 0 : i32
      %dma_wait3A_86 = arith.constant 0 : i32
      %dma_wait3A_87 = tpu.memref_slice %arg8[%run_scoped3A_27, %dma_wait3A, %dma_wait3A_86] : memref<2x64x128xf32, #tpu.memory_space<vmem>> -> memref<1x64x128xf32, #tpu.memory_space<vmem>>
      %dma_wait3A_88 = tpu.memref_squeeze %dma_wait3A_87 : memref<1x64x128xf32, #tpu.memory_space<vmem>> -> memref<64x128xf32, #tpu.memory_space<vmem>>
      %dma_wait3A_89 = arith.constant 0 : i32
      %dma_wait3A_90 = tpu.memref_slice %arg9[%add3A_26, %dma_wait3A_89] : memref<10240x128xf32, #tpu.memory_space<vmem_shared>> -> memref<64x128xf32, #tpu.memory_space<vmem_shared>>
      %dma_wait3A_91 = arith.constant 0 : i32
      %dma_wait3A_92 = tpu.memref_slice %arg9[%add3A_26, %dma_wait3A_91] : memref<10240x128xf32, #tpu.memory_space<vmem_shared>> -> memref<64x128xf32, #tpu.memory_space<vmem_shared>>
      %dma_wait3A_93 = arith.constant 0 : i32
      %dma_wait3A_94 = arith.constant 0 : i32
      %dma_wait3A_95 = tpu.memref_slice %arg8[%run_scoped3A_27, %dma_wait3A_93, %dma_wait3A_94] : memref<2x64x128xf32, #tpu.memory_space<vmem>> -> memref<1x64x128xf32, #tpu.memory_space<vmem>>
      %dma_wait3A_96 = tpu.memref_squeeze %dma_wait3A_95 : memref<1x64x128xf32, #tpu.memory_space<vmem>> -> memref<64x128xf32, #tpu.memory_space<vmem>>
      tpu.wait_dma2 semaphore(%run_scoped3A_73 : memref<!tpu.dma_semaphore, #tpu.memory_space<semaphore_mem>>) src(%dma_wait3A_96 : memref<64x128xf32, #tpu.memory_space<vmem>>) dst(%dma_wait3A_92 : memref<64x128xf32, #tpu.memory_space<vmem_shared>>)
      tpu.yield
    }) : () -> ()
    %add3A_28 = arith.constant 448 : i32
    %add3A_29 = arith.addi %mul3A_7, %add3A_28 : i32
    %run_scoped3A_30 = arith.constant 0 : i32
    "tpu.region"() ({
      %run_scoped3A_73 = tpu.sem_alloc : memref<!tpu.dma_semaphore, #tpu.memory_space<semaphore_mem>>
      %dma_start3A_74 = arith.constant 0 : i32
      %dma_start3A_75 = arith.constant 0 : i32
      %dma_start3A_76 = tpu.memref_slice %arg8[%run_scoped3A_30, %dma_start3A_74, %dma_start3A_75] : memref<2x64x128xf32, #tpu.memory_space<vmem>> -> memref<1x64x128xf32, #tpu.memory_space<vmem>>
      %dma_start3A_77 = tpu.memref_squeeze %dma_start3A_76 : memref<1x64x128xf32, #tpu.memory_space<vmem>> -> memref<64x128xf32, #tpu.memory_space<vmem>>
      %dma_start3A_78 = arith.constant 0 : i32
      %dma_start3A_79 = tpu.memref_slice %arg9[%add3A_29, %dma_start3A_78] : memref<10240x128xf32, #tpu.memory_space<vmem_shared>> -> memref<64x128xf32, #tpu.memory_space<vmem_shared>>
      %dma_start3A_80 = arith.constant 0 : i32
      %dma_start3A_81 = tpu.memref_slice %arg9[%add3A_29, %dma_start3A_80] : memref<10240x128xf32, #tpu.memory_space<vmem_shared>> -> memref<64x128xf32, #tpu.memory_space<vmem_shared>>
      %dma_start3A_82 = arith.constant 0 : i32
      %dma_start3A_83 = arith.constant 0 : i32
      %dma_start3A_84 = tpu.memref_slice %arg8[%run_scoped3A_30, %dma_start3A_82, %dma_start3A_83] : memref<2x64x128xf32, #tpu.memory_space<vmem>> -> memref<1x64x128xf32, #tpu.memory_space<vmem>>
      %dma_start3A_85 = tpu.memref_squeeze %dma_start3A_84 : memref<1x64x128xf32, #tpu.memory_space<vmem>> -> memref<64x128xf32, #tpu.memory_space<vmem>>
      tpu.enqueue_dma source(%dma_start3A_85 : memref<64x128xf32, #tpu.memory_space<vmem>>) target(%dma_start3A_81 : memref<64x128xf32, #tpu.memory_space<vmem_shared>>) target_semaphore(%run_scoped3A_73 : memref<!tpu.dma_semaphore, #tpu.memory_space<semaphore_mem>>)
      %dma_wait3A = arith.constant 0 : i32
      %dma_wait3A_86 = arith.constant 0 : i32
      %dma_wait3A_87 = tpu.memref_slice %arg8[%run_scoped3A_30, %dma_wait3A, %dma_wait3A_86] : memref<2x64x128xf32, #tpu.memory_space<vmem>> -> memref<1x64x128xf32, #tpu.memory_space<vmem>>
      %dma_wait3A_88 = tpu.memref_squeeze %dma_wait3A_87 : memref<1x64x128xf32, #tpu.memory_space<vmem>> -> memref<64x128xf32, #tpu.memory_space<vmem>>
      %dma_wait3A_89 = arith.constant 0 : i32
      %dma_wait3A_90 = tpu.memref_slice %arg9[%add3A_29, %dma_wait3A_89] : memref<10240x128xf32, #tpu.memory_space<vmem_shared>> -> memref<64x128xf32, #tpu.memory_space<vmem_shared>>
      %dma_wait3A_91 = arith.constant 0 : i32
      %dma_wait3A_92 = tpu.memref_slice %arg9[%add3A_29, %dma_wait3A_91] : memref<10240x128xf32, #tpu.memory_space<vmem_shared>> -> memref<64x128xf32, #tpu.memory_space<vmem_shared>>
      %dma_wait3A_93 = arith.constant 0 : i32
      %dma_wait3A_94 = arith.constant 0 : i32
      %dma_wait3A_95 = tpu.memref_slice %arg8[%run_scoped3A_30, %dma_wait3A_93, %dma_wait3A_94] : memref<2x64x128xf32, #tpu.memory_space<vmem>> -> memref<1x64x128xf32, #tpu.memory_space<vmem>>
      %dma_wait3A_96 = tpu.memref_squeeze %dma_wait3A_95 : memref<1x64x128xf32, #tpu.memory_space<vmem>> -> memref<64x128xf32, #tpu.memory_space<vmem>>
      tpu.wait_dma2 semaphore(%run_scoped3A_73 : memref<!tpu.dma_semaphore, #tpu.memory_space<semaphore_mem>>) src(%dma_wait3A_96 : memref<64x128xf32, #tpu.memory_space<vmem>>) dst(%dma_wait3A_92 : memref<64x128xf32, #tpu.memory_space<vmem_shared>>)
      tpu.yield
    }) : () -> ()
    %add3A_31 = arith.constant 512 : i32
    %add3A_32 = arith.addi %mul3A_7, %add3A_31 : i32
    %run_scoped3A_33 = arith.constant 0 : i32
    "tpu.region"() ({
      %run_scoped3A_73 = tpu.sem_alloc : memref<!tpu.dma_semaphore, #tpu.memory_space<semaphore_mem>>
      %dma_start3A_74 = arith.constant 0 : i32
      %dma_start3A_75 = arith.constant 0 : i32
      %dma_start3A_76 = tpu.memref_slice %arg8[%run_scoped3A_33, %dma_start3A_74, %dma_start3A_75] : memref<2x64x128xf32, #tpu.memory_space<vmem>> -> memref<1x64x128xf32, #tpu.memory_space<vmem>>
      %dma_start3A_77 = tpu.memref_squeeze %dma_start3A_76 : memref<1x64x128xf32, #tpu.memory_space<vmem>> -> memref<64x128xf32, #tpu.memory_space<vmem>>
      %dma_start3A_78 = arith.constant 0 : i32
      %dma_start3A_79 = tpu.memref_slice %arg9[%add3A_32, %dma_start3A_78] : memref<10240x128xf32, #tpu.memory_space<vmem_shared>> -> memref<64x128xf32, #tpu.memory_space<vmem_shared>>
      %dma_start3A_80 = arith.constant 0 : i32
      %dma_start3A_81 = tpu.memref_slice %arg9[%add3A_32, %dma_start3A_80] : memref<10240x128xf32, #tpu.memory_space<vmem_shared>> -> memref<64x128xf32, #tpu.memory_space<vmem_shared>>
      %dma_start3A_82 = arith.constant 0 : i32
      %dma_start3A_83 = arith.constant 0 : i32
      %dma_start3A_84 = tpu.memref_slice %arg8[%run_scoped3A_33, %dma_start3A_82, %dma_start3A_83] : memref<2x64x128xf32, #tpu.memory_space<vmem>> -> memref<1x64x128xf32, #tpu.memory_space<vmem>>
      %dma_start3A_85 = tpu.memref_squeeze %dma_start3A_84 : memref<1x64x128xf32, #tpu.memory_space<vmem>> -> memref<64x128xf32, #tpu.memory_space<vmem>>
      tpu.enqueue_dma source(%dma_start3A_85 : memref<64x128xf32, #tpu.memory_space<vmem>>) target(%dma_start3A_81 : memref<64x128xf32, #tpu.memory_space<vmem_shared>>) target_semaphore(%run_scoped3A_73 : memref<!tpu.dma_semaphore, #tpu.memory_space<semaphore_mem>>)
      %dma_wait3A = arith.constant 0 : i32
      %dma_wait3A_86 = arith.constant 0 : i32
      %dma_wait3A_87 = tpu.memref_slice %arg8[%run_scoped3A_33, %dma_wait3A, %dma_wait3A_86] : memref<2x64x128xf32, #tpu.memory_space<vmem>> -> memref<1x64x128xf32, #tpu.memory_space<vmem>>
      %dma_wait3A_88 = tpu.memref_squeeze %dma_wait3A_87 : memref<1x64x128xf32, #tpu.memory_space<vmem>> -> memref<64x128xf32, #tpu.memory_space<vmem>>
      %dma_wait3A_89 = arith.constant 0 : i32
      %dma_wait3A_90 = tpu.memref_slice %arg9[%add3A_32, %dma_wait3A_89] : memref<10240x128xf32, #tpu.memory_space<vmem_shared>> -> memref<64x128xf32, #tpu.memory_space<vmem_shared>>
      %dma_wait3A_91 = arith.constant 0 : i32
      %dma_wait3A_92 = tpu.memref_slice %arg9[%add3A_32, %dma_wait3A_91] : memref<10240x128xf32, #tpu.memory_space<vmem_shared>> -> memref<64x128xf32, #tpu.memory_space<vmem_shared>>
      %dma_wait3A_93 = arith.constant 0 : i32
      %dma_wait3A_94 = arith.constant 0 : i32
      %dma_wait3A_95 = tpu.memref_slice %arg8[%run_scoped3A_33, %dma_wait3A_93, %dma_wait3A_94] : memref<2x64x128xf32, #tpu.memory_space<vmem>> -> memref<1x64x128xf32, #tpu.memory_space<vmem>>
      %dma_wait3A_96 = tpu.memref_squeeze %dma_wait3A_95 : memref<1x64x128xf32, #tpu.memory_space<vmem>> -> memref<64x128xf32, #tpu.memory_space<vmem>>
      tpu.wait_dma2 semaphore(%run_scoped3A_73 : memref<!tpu.dma_semaphore, #tpu.memory_space<semaphore_mem>>) src(%dma_wait3A_96 : memref<64x128xf32, #tpu.memory_space<vmem>>) dst(%dma_wait3A_92 : memref<64x128xf32, #tpu.memory_space<vmem_shared>>)
      tpu.yield
    }) : () -> ()
    %add3A_34 = arith.constant 576 : i32
    %add3A_35 = arith.addi %mul3A_7, %add3A_34 : i32
    %run_scoped3A_36 = arith.constant 0 : i32
    "tpu.region"() ({
      %run_scoped3A_73 = tpu.sem_alloc : memref<!tpu.dma_semaphore, #tpu.memory_space<semaphore_mem>>
      %dma_start3A_74 = arith.constant 0 : i32
      %dma_start3A_75 = arith.constant 0 : i32
      %dma_start3A_76 = tpu.memref_slice %arg8[%run_scoped3A_36, %dma_start3A_74, %dma_start3A_75] : memref<2x64x128xf32, #tpu.memory_space<vmem>> -> memref<1x64x128xf32, #tpu.memory_space<vmem>>
      %dma_start3A_77 = tpu.memref_squeeze %dma_start3A_76 : memref<1x64x128xf32, #tpu.memory_space<vmem>> -> memref<64x128xf32, #tpu.memory_space<vmem>>
      %dma_start3A_78 = arith.constant 0 : i32
      %dma_start3A_79 = tpu.memref_slice %arg9[%add3A_35, %dma_start3A_78] : memref<10240x128xf32, #tpu.memory_space<vmem_shared>> -> memref<64x128xf32, #tpu.memory_space<vmem_shared>>
      %dma_start3A_80 = arith.constant 0 : i32
      %dma_start3A_81 = tpu.memref_slice %arg9[%add3A_35, %dma_start3A_80] : memref<10240x128xf32, #tpu.memory_space<vmem_shared>> -> memref<64x128xf32, #tpu.memory_space<vmem_shared>>
      %dma_start3A_82 = arith.constant 0 : i32
      %dma_start3A_83 = arith.constant 0 : i32
      %dma_start3A_84 = tpu.memref_slice %arg8[%run_scoped3A_36, %dma_start3A_82, %dma_start3A_83] : memref<2x64x128xf32, #tpu.memory_space<vmem>> -> memref<1x64x128xf32, #tpu.memory_space<vmem>>
      %dma_start3A_85 = tpu.memref_squeeze %dma_start3A_84 : memref<1x64x128xf32, #tpu.memory_space<vmem>> -> memref<64x128xf32, #tpu.memory_space<vmem>>
      tpu.enqueue_dma source(%dma_start3A_85 : memref<64x128xf32, #tpu.memory_space<vmem>>) target(%dma_start3A_81 : memref<64x128xf32, #tpu.memory_space<vmem_shared>>) target_semaphore(%run_scoped3A_73 : memref<!tpu.dma_semaphore, #tpu.memory_space<semaphore_mem>>)
      %dma_wait3A = arith.constant 0 : i32
      %dma_wait3A_86 = arith.constant 0 : i32
      %dma_wait3A_87 = tpu.memref_slice %arg8[%run_scoped3A_36, %dma_wait3A, %dma_wait3A_86] : memref<2x64x128xf32, #tpu.memory_space<vmem>> -> memref<1x64x128xf32, #tpu.memory_space<vmem>>
      %dma_wait3A_88 = tpu.memref_squeeze %dma_wait3A_87 : memref<1x64x128xf32, #tpu.memory_space<vmem>> -> memref<64x128xf32, #tpu.memory_space<vmem>>
      %dma_wait3A_89 = arith.constant 0 : i32
      %dma_wait3A_90 = tpu.memref_slice %arg9[%add3A_35, %dma_wait3A_89] : memref<10240x128xf32, #tpu.memory_space<vmem_shared>> -> memref<64x128xf32, #tpu.memory_space<vmem_shared>>
      %dma_wait3A_91 = arith.constant 0 : i32
      %dma_wait3A_92 = tpu.memref_slice %arg9[%add3A_35, %dma_wait3A_91] : memref<10240x128xf32, #tpu.memory_space<vmem_shared>> -> memref<64x128xf32, #tpu.memory_space<vmem_shared>>
      %dma_wait3A_93 = arith.constant 0 : i32
      %dma_wait3A_94 = arith.constant 0 : i32
      %dma_wait3A_95 = tpu.memref_slice %arg8[%run_scoped3A_36, %dma_wait3A_93, %dma_wait3A_94] : memref<2x64x128xf32, #tpu.memory_space<vmem>> -> memref<1x64x128xf32, #tpu.memory_space<vmem>>
      %dma_wait3A_96 = tpu.memref_squeeze %dma_wait3A_95 : memref<1x64x128xf32, #tpu.memory_space<vmem>> -> memref<64x128xf32, #tpu.memory_space<vmem>>
      tpu.wait_dma2 semaphore(%run_scoped3A_73 : memref<!tpu.dma_semaphore, #tpu.memory_space<semaphore_mem>>) src(%dma_wait3A_96 : memref<64x128xf32, #tpu.memory_space<vmem>>) dst(%dma_wait3A_92 : memref<64x128xf32, #tpu.memory_space<vmem_shared>>)
      tpu.yield
    }) : () -> ()
    %barrier3A = arith.constant 0 : index
    tpu.barrier barrier_id(%barrier3A)
    "tpu.region"() ({
      %run_scoped3A_73 = tpu.sem_alloc : memref<!tpu.dma_semaphore, #tpu.memory_space<semaphore_mem>>
      %dma_start3A_74 = arith.constant 0 : i32
      %dma_start3A_75 = arith.constant 0 : i32
      %dma_start3A_76 = tpu.memref_slice %arg3[%add3A, %dma_start3A_74, %dma_start3A_75] : memref<32x160x64xi32, #tpu.memory_space<hbm>> -> memref<1x80x64xi32, #tpu.memory_space<hbm>>
      %dma_start3A_77 = tpu.memref_squeeze %dma_start3A_76 : memref<1x80x64xi32, #tpu.memory_space<hbm>> -> memref<80x64xi32, #tpu.memory_space<hbm>>
      %dma_start3A_78 = arith.constant 0 : i32
      %dma_start3A_79 = arith.constant 0 : i32
      %dma_start3A_80 = tpu.memref_slice %arg3[%add3A, %dma_start3A_78, %dma_start3A_79] : memref<32x160x64xi32, #tpu.memory_space<hbm>> -> memref<1x80x64xi32, #tpu.memory_space<hbm>>
      %dma_start3A_81 = tpu.memref_squeeze %dma_start3A_80 : memref<1x80x64xi32, #tpu.memory_space<hbm>> -> memref<80x64xi32, #tpu.memory_space<hbm>>
      tpu.enqueue_dma source(%dma_start3A_81 : memref<80x64xi32, #tpu.memory_space<hbm>>) target(%arg6 : memref<80x64xi32, #tpu.memory_space<vmem>>) target_semaphore(%run_scoped3A_73 : memref<!tpu.dma_semaphore, #tpu.memory_space<semaphore_mem>>)
      %dma_wait3A = arith.constant 0 : i32
      %dma_wait3A_82 = arith.constant 0 : i32
      %dma_wait3A_83 = tpu.memref_slice %arg3[%add3A, %dma_wait3A, %dma_wait3A_82] : memref<32x160x64xi32, #tpu.memory_space<hbm>> -> memref<1x80x64xi32, #tpu.memory_space<hbm>>
      %dma_wait3A_84 = tpu.memref_squeeze %dma_wait3A_83 : memref<1x80x64xi32, #tpu.memory_space<hbm>> -> memref<80x64xi32, #tpu.memory_space<hbm>>
      %dma_wait3A_85 = arith.constant 0 : i32
      %dma_wait3A_86 = arith.constant 0 : i32
      %dma_wait3A_87 = tpu.memref_slice %arg3[%add3A, %dma_wait3A_85, %dma_wait3A_86] : memref<32x160x64xi32, #tpu.memory_space<hbm>> -> memref<1x80x64xi32, #tpu.memory_space<hbm>>
      %dma_wait3A_88 = tpu.memref_squeeze %dma_wait3A_87 : memref<1x80x64xi32, #tpu.memory_space<hbm>> -> memref<80x64xi32, #tpu.memory_space<hbm>>
      tpu.wait_dma2 semaphore(%run_scoped3A_73 : memref<!tpu.dma_semaphore, #tpu.memory_space<semaphore_mem>>) src(%dma_wait3A_88 : memref<80x64xi32, #tpu.memory_space<hbm>>) dst(%arg6 : memref<80x64xi32, #tpu.memory_space<vmem>>)
      tpu.yield
    }) : () -> ()
    "tpu.region"() ({
      %run_scoped3A_73 = tpu.sem_alloc : memref<!tpu.dma_semaphore, #tpu.memory_space<semaphore_mem>>
      %dma_start3A_74 = arith.constant 0 : i32
      %dma_start3A_75 = arith.constant 0 : i32
      %dma_start3A_76 = tpu.memref_slice %arg4[%add3A, %dma_start3A_74, %dma_start3A_75] : memref<32x160x64xi32, #tpu.memory_space<hbm>> -> memref<1x80x64xi32, #tpu.memory_space<hbm>>
      %dma_start3A_77 = tpu.memref_squeeze %dma_start3A_76 : memref<1x80x64xi32, #tpu.memory_space<hbm>> -> memref<80x64xi32, #tpu.memory_space<hbm>>
      %dma_start3A_78 = arith.constant 0 : i32
      %dma_start3A_79 = arith.constant 0 : i32
      %dma_start3A_80 = tpu.memref_slice %arg4[%add3A, %dma_start3A_78, %dma_start3A_79] : memref<32x160x64xi32, #tpu.memory_space<hbm>> -> memref<1x80x64xi32, #tpu.memory_space<hbm>>
      %dma_start3A_81 = tpu.memref_squeeze %dma_start3A_80 : memref<1x80x64xi32, #tpu.memory_space<hbm>> -> memref<80x64xi32, #tpu.memory_space<hbm>>
      tpu.enqueue_dma source(%dma_start3A_81 : memref<80x64xi32, #tpu.memory_space<hbm>>) target(%arg7 : memref<80x64xi32, #tpu.memory_space<vmem>>) target_semaphore(%run_scoped3A_73 : memref<!tpu.dma_semaphore, #tpu.memory_space<semaphore_mem>>)
      %dma_wait3A = arith.constant 0 : i32
      %dma_wait3A_82 = arith.constant 0 : i32
      %dma_wait3A_83 = tpu.memref_slice %arg4[%add3A, %dma_wait3A, %dma_wait3A_82] : memref<32x160x64xi32, #tpu.memory_space<hbm>> -> memref<1x80x64xi32, #tpu.memory_space<hbm>>
      %dma_wait3A_84 = tpu.memref_squeeze %dma_wait3A_83 : memref<1x80x64xi32, #tpu.memory_space<hbm>> -> memref<80x64xi32, #tpu.memory_space<hbm>>
      %dma_wait3A_85 = arith.constant 0 : i32
      %dma_wait3A_86 = arith.constant 0 : i32
      %dma_wait3A_87 = tpu.memref_slice %arg4[%add3A, %dma_wait3A_85, %dma_wait3A_86] : memref<32x160x64xi32, #tpu.memory_space<hbm>> -> memref<1x80x64xi32, #tpu.memory_space<hbm>>
      %dma_wait3A_88 = tpu.memref_squeeze %dma_wait3A_87 : memref<1x80x64xi32, #tpu.memory_space<hbm>> -> memref<80x64xi32, #tpu.memory_space<hbm>>
      tpu.wait_dma2 semaphore(%run_scoped3A_73 : memref<!tpu.dma_semaphore, #tpu.memory_space<semaphore_mem>>) src(%dma_wait3A_88 : memref<80x64xi32, #tpu.memory_space<hbm>>) dst(%arg7 : memref<80x64xi32, #tpu.memory_space<vmem>>)
      tpu.yield
    }) : () -> ()
    %dma_start3A = arith.constant 0 : i32
    %dma_start3A_37 = arith.constant 0 : i32
    %dma_start3A_38 = arith.constant 0 : i32
    %dma_start3A_39 = arith.constant 0 : i32
    %dma_start3A_40 = tpu.memref_slice %arg8[%dma_start3A_37, %dma_start3A_38, %dma_start3A_39] : memref<2x64x128xf32, #tpu.memory_space<vmem>> -> memref<1x64x128xf32, #tpu.memory_space<vmem>>
    %dma_start3A_41 = tpu.memref_squeeze %dma_start3A_40 : memref<1x64x128xf32, #tpu.memory_space<vmem>> -> memref<64x128xf32, #tpu.memory_space<vmem>>
    %dma_start3A_42 = arith.constant 0 : i32
    %dma_start3A_43 = tpu.memref_slice %arg6[%dma_start3A, %dma_start3A_42] : memref<80x64xi32, #tpu.memory_space<vmem>> -> memref<1x64xi32, #tpu.memory_space<vmem>>
    %dma_start3A_44 = tpu.memref_squeeze %dma_start3A_43 : memref<1x64xi32, #tpu.memory_space<vmem>> -> memref<64xi32, #tpu.memory_space<vmem>>
    %dma_start3A_45 = arith.constant 0 : i32
    %dma_start3A_46 = arith.constant 0 : i32
    %dma_start3A_47 = tpu.memref_slice %arg2[%dma_start3A_45, %dma_start3A_46] : memref<10240x128xf32, #tpu.memory_space<hbm>> -> memref<10240x128xf32, #tpu.memory_space<hbm>>
    tpu.enqueue_indirect_dma source(%dma_start3A_47 : memref<10240x128xf32, #tpu.memory_space<hbm>>) target(%dma_start3A_41 : memref<64x128xf32, #tpu.memory_space<vmem>>) offsets(%dma_start3A_44 : memref<64xi32, #tpu.memory_space<vmem>>) semaphore(%arg10 : memref<!tpu.dma_semaphore, #tpu.memory_space<semaphore_mem>>)
    %scan3A_48 = arith.constant 0 : i32
    %scan3A_49 = arith.constant 0 : i32
    %scan3A_50 = arith.constant 40 : i32
    %scan3A_51 = arith.addi %scan3A_49, %scan3A_50 : i32
    %scan3A_52 = arith.constant 1 : i32
    scf.for %scan3A_73 = %scan3A_49 to %scan3A_51 step %scan3A_52  : i32 {
      %mul3A_74 = arith.constant 2 : i32
      %mul3A_75 = arith.muli %scan3A_73, %mul3A_74 : i32
      %add3A_76 = arith.constant 0 : i32
      %add3A_77 = arith.addi %mul3A_75, %add3A_76 : i32
      %add3A_78 = arith.constant 1 : i32
      %add3A_79 = arith.addi %add3A_77, %add3A_78 : i32
      %lt3A = arith.constant 80 : i32
      %lt3A_80 = arith.cmpi slt, %add3A_79, %lt3A : i32
      %convert_element_type3A = arith.extui %lt3A_80 : i1 to i32
      %cond3A = arith.constant 0 : i32
      %cond3A_81 = arith.cmpi ne, %convert_element_type3A, %cond3A : i32
      scf.if %cond3A_81 {
        %dma_start3A_116 = arith.constant 1 : i32
        %dma_start3A_117 = arith.constant 0 : i32
        %dma_start3A_118 = arith.constant 0 : i32
        %dma_start3A_119 = tpu.memref_slice %arg8[%dma_start3A_116, %dma_start3A_117, %dma_start3A_118] : memref<2x64x128xf32, #tpu.memory_space<vmem>> -> memref<1x64x128xf32, #tpu.memory_space<vmem>>
        %dma_start3A_120 = tpu.memref_squeeze %dma_start3A_119 : memref<1x64x128xf32, #tpu.memory_space<vmem>> -> memref<64x128xf32, #tpu.memory_space<vmem>>
        %dma_start3A_121 = arith.constant 0 : i32
        %dma_start3A_122 = tpu.memref_slice %arg6[%add3A_79, %dma_start3A_121] : memref<80x64xi32, #tpu.memory_space<vmem>> -> memref<1x64xi32, #tpu.memory_space<vmem>>
        %dma_start3A_123 = tpu.memref_squeeze %dma_start3A_122 : memref<1x64xi32, #tpu.memory_space<vmem>> -> memref<64xi32, #tpu.memory_space<vmem>>
        %dma_start3A_124 = arith.constant 0 : i32
        %dma_start3A_125 = arith.constant 0 : i32
        %dma_start3A_126 = tpu.memref_slice %arg2[%dma_start3A_124, %dma_start3A_125] : memref<10240x128xf32, #tpu.memory_space<hbm>> -> memref<10240x128xf32, #tpu.memory_space<hbm>>
        tpu.enqueue_indirect_dma source(%dma_start3A_126 : memref<10240x128xf32, #tpu.memory_space<hbm>>) target(%dma_start3A_120 : memref<64x128xf32, #tpu.memory_space<vmem>>) offsets(%dma_start3A_123 : memref<64xi32, #tpu.memory_space<vmem>>) semaphore(%arg11 : memref<!tpu.dma_semaphore, #tpu.memory_space<semaphore_mem>>)
      } else {
      }
      %dma_wait3A = arith.constant 0 : i32
      %dma_wait3A_82 = arith.constant 0 : i32
      %dma_wait3A_83 = arith.constant 0 : i32
      %dma_wait3A_84 = tpu.memref_slice %arg8[%dma_wait3A, %dma_wait3A_82, %dma_wait3A_83] : memref<2x64x128xf32, #tpu.memory_space<vmem>> -> memref<1x64x128xf32, #tpu.memory_space<vmem>>
      %dma_wait3A_85 = tpu.memref_squeeze %dma_wait3A_84 : memref<1x64x128xf32, #tpu.memory_space<vmem>> -> memref<64x128xf32, #tpu.memory_space<vmem>>
      %dma_wait3A_86 = arith.constant 0 : i32
      %dma_wait3A_87 = tpu.memref_slice %arg6[%add3A_77, %dma_wait3A_86] : memref<80x64xi32, #tpu.memory_space<vmem>> -> memref<1x64xi32, #tpu.memory_space<vmem>>
      %dma_wait3A_88 = tpu.memref_squeeze %dma_wait3A_87 : memref<1x64xi32, #tpu.memory_space<vmem>> -> memref<64xi32, #tpu.memory_space<vmem>>
      %dma_wait3A_89 = arith.constant 0 : i32
      %dma_wait3A_90 = arith.constant 0 : i32
      %dma_wait3A_91 = tpu.memref_slice %arg2[%dma_wait3A_89, %dma_wait3A_90] : memref<10240x128xf32, #tpu.memory_space<hbm>> -> memref<10240x128xf32, #tpu.memory_space<hbm>>
      tpu.wait_indirect_dma semaphore(%arg10 : memref<!tpu.dma_semaphore, #tpu.memory_space<semaphore_mem>>) src(%dma_wait3A_91 : memref<10240x128xf32, #tpu.memory_space<hbm>>) dst(%dma_wait3A_85 : memref<64x128xf32, #tpu.memory_space<vmem>>)
      %run_scoped3A_92 = arith.constant 0 : i32
      "tpu.region"() ({
        %run_scoped3A_116 = tpu.sem_alloc : memref<!tpu.dma_semaphore, #tpu.memory_space<semaphore_mem>>
        %dma_start3A_117 = arith.constant 0 : i32
        %dma_start3A_118 = arith.constant 0 : i32
        %dma_start3A_119 = tpu.memref_slice %arg8[%run_scoped3A_92, %dma_start3A_117, %dma_start3A_118] : memref<2x64x128xf32, #tpu.memory_space<vmem>> -> memref<1x64x128xf32, #tpu.memory_space<vmem>>
        %dma_start3A_120 = tpu.memref_squeeze %dma_start3A_119 : memref<1x64x128xf32, #tpu.memory_space<vmem>> -> memref<64x128xf32, #tpu.memory_space<vmem>>
        %dma_start3A_121 = arith.constant 0 : i32
        %dma_start3A_122 = tpu.memref_slice %arg7[%add3A_77, %dma_start3A_121] : memref<80x64xi32, #tpu.memory_space<vmem>> -> memref<1x64xi32, #tpu.memory_space<vmem>>
        %dma_start3A_123 = tpu.memref_squeeze %dma_start3A_122 : memref<1x64xi32, #tpu.memory_space<vmem>> -> memref<64xi32, #tpu.memory_space<vmem>>
        %dma_start3A_124 = arith.constant 0 : i32
        %dma_start3A_125 = arith.constant 0 : i32
        %dma_start3A_126 = tpu.memref_slice %arg9[%dma_start3A_124, %dma_start3A_125] : memref<10240x128xf32, #tpu.memory_space<vmem_shared>> -> memref<10240x128xf32, #tpu.memory_space<vmem_shared>>
        tpu.enqueue_indirect_dma source(%dma_start3A_120 : memref<64x128xf32, #tpu.memory_space<vmem>>) target(%dma_start3A_126 : memref<10240x128xf32, #tpu.memory_space<vmem_shared>>) offsets(%dma_start3A_123 : memref<64xi32, #tpu.memory_space<vmem>>) semaphore(%run_scoped3A_116 : memref<!tpu.dma_semaphore, #tpu.memory_space<semaphore_mem>>) {add = true}
        %dma_wait3A_127 = arith.constant 0 : i32
        %dma_wait3A_128 = arith.constant 0 : i32
        %dma_wait3A_129 = tpu.memref_slice %arg8[%run_scoped3A_92, %dma_wait3A_127, %dma_wait3A_128] : memref<2x64x128xf32, #tpu.memory_space<vmem>> -> memref<1x64x128xf32, #tpu.memory_space<vmem>>
        %dma_wait3A_130 = tpu.memref_squeeze %dma_wait3A_129 : memref<1x64x128xf32, #tpu.memory_space<vmem>> -> memref<64x128xf32, #tpu.memory_space<vmem>>
        %dma_wait3A_131 = arith.constant 0 : i32
        %dma_wait3A_132 = tpu.memref_slice %arg7[%add3A_77, %dma_wait3A_131] : memref<80x64xi32, #tpu.memory_space<vmem>> -> memref<1x64xi32, #tpu.memory_space<vmem>>
        %dma_wait3A_133 = tpu.memref_squeeze %dma_wait3A_132 : memref<1x64xi32, #tpu.memory_space<vmem>> -> memref<64xi32, #tpu.memory_space<vmem>>
        %dma_wait3A_134 = arith.constant 0 : i32
        %dma_wait3A_135 = arith.constant 0 : i32
        %dma_wait3A_136 = tpu.memref_slice %arg9[%dma_wait3A_134, %dma_wait3A_135] : memref<10240x128xf32, #tpu.memory_space<vmem_shared>> -> memref<10240x128xf32, #tpu.memory_space<vmem_shared>>
        tpu.wait_indirect_dma semaphore(%run_scoped3A_116 : memref<!tpu.dma_semaphore, #tpu.memory_space<semaphore_mem>>) src(%dma_wait3A_130 : memref<64x128xf32, #tpu.memory_space<vmem>>) dst(%dma_wait3A_136 : memref<10240x128xf32, #tpu.memory_space<vmem_shared>>)
        tpu.yield
      }) : () -> ()
      %mul3A_93 = arith.constant 2 : i32
      %mul3A_94 = arith.muli %scan3A_73, %mul3A_93 : i32
      %add3A_95 = arith.constant 1 : i32
      %add3A_96 = arith.addi %mul3A_94, %add3A_95 : i32
      %add3A_97 = arith.constant 1 : i32
      %add3A_98 = arith.addi %add3A_96, %add3A_97 : i32
      %lt3A_99 = arith.constant 80 : i32
      %lt3A_100 = arith.cmpi slt, %add3A_98, %lt3A_99 : i32
      %convert_element_type3A_101 = arith.extui %lt3A_100 : i1 to i32
      %cond3A_102 = arith.constant 0 : i32
      %cond3A_103 = arith.cmpi ne, %convert_element_type3A_101, %cond3A_102 : i32
      scf.if %cond3A_103 {
        %dma_start3A_116 = arith.constant 0 : i32
        %dma_start3A_117 = arith.constant 0 : i32
        %dma_start3A_118 = arith.constant 0 : i32
        %dma_start3A_119 = tpu.memref_slice %arg8[%dma_start3A_116, %dma_start3A_117, %dma_start3A_118] : memref<2x64x128xf32, #tpu.memory_space<vmem>> -> memref<1x64x128xf32, #tpu.memory_space<vmem>>
        %dma_start3A_120 = tpu.memref_squeeze %dma_start3A_119 : memref<1x64x128xf32, #tpu.memory_space<vmem>> -> memref<64x128xf32, #tpu.memory_space<vmem>>
        %dma_start3A_121 = arith.constant 0 : i32
        %dma_start3A_122 = tpu.memref_slice %arg6[%add3A_98, %dma_start3A_121] : memref<80x64xi32, #tpu.memory_space<vmem>> -> memref<1x64xi32, #tpu.memory_space<vmem>>
        %dma_start3A_123 = tpu.memref_squeeze %dma_start3A_122 : memref<1x64xi32, #tpu.memory_space<vmem>> -> memref<64xi32, #tpu.memory_space<vmem>>
        %dma_start3A_124 = arith.constant 0 : i32
        %dma_start3A_125 = arith.constant 0 : i32
        %dma_start3A_126 = tpu.memref_slice %arg2[%dma_start3A_124, %dma_start3A_125] : memref<10240x128xf32, #tpu.memory_space<hbm>> -> memref<10240x128xf32, #tpu.memory_space<hbm>>
        tpu.enqueue_indirect_dma source(%dma_start3A_126 : memref<10240x128xf32, #tpu.memory_space<hbm>>) target(%dma_start3A_120 : memref<64x128xf32, #tpu.memory_space<vmem>>) offsets(%dma_start3A_123 : memref<64xi32, #tpu.memory_space<vmem>>) semaphore(%arg10 : memref<!tpu.dma_semaphore, #tpu.memory_space<semaphore_mem>>)
      } else {
      }
      %dma_wait3A_104 = arith.constant 1 : i32
      %dma_wait3A_105 = arith.constant 0 : i32
      %dma_wait3A_106 = arith.constant 0 : i32
      %dma_wait3A_107 = tpu.memref_slice %arg8[%dma_wait3A_104, %dma_wait3A_105, %dma_wait3A_106] : memref<2x64x128xf32, #tpu.memory_space<vmem>> -> memref<1x64x128xf32, #tpu.memory_space<vmem>>
      %dma_wait3A_108 = tpu.memref_squeeze %dma_wait3A_107 : memref<1x64x128xf32, #tpu.memory_space<vmem>> -> memref<64x128xf32, #tpu.memory_space<vmem>>
      %dma_wait3A_109 = arith.constant 0 : i32
      %dma_wait3A_110 = tpu.memref_slice %arg6[%add3A_96, %dma_wait3A_109] : memref<80x64xi32, #tpu.memory_space<vmem>> -> memref<1x64xi32, #tpu.memory_space<vmem>>
      %dma_wait3A_111 = tpu.memref_squeeze %dma_wait3A_110 : memref<1x64xi32, #tpu.memory_space<vmem>> -> memref<64xi32, #tpu.memory_space<vmem>>
      %dma_wait3A_112 = arith.constant 0 : i32
      %dma_wait3A_113 = arith.constant 0 : i32
      %dma_wait3A_114 = tpu.memref_slice %arg2[%dma_wait3A_112, %dma_wait3A_113] : memref<10240x128xf32, #tpu.memory_space<hbm>> -> memref<10240x128xf32, #tpu.memory_space<hbm>>
      tpu.wait_indirect_dma semaphore(%arg11 : memref<!tpu.dma_semaphore, #tpu.memory_space<semaphore_mem>>) src(%dma_wait3A_114 : memref<10240x128xf32, #tpu.memory_space<hbm>>) dst(%dma_wait3A_108 : memref<64x128xf32, #tpu.memory_space<vmem>>)
      %run_scoped3A_115 = arith.constant 1 : i32
      "tpu.region"() ({
        %run_scoped3A_116 = tpu.sem_alloc : memref<!tpu.dma_semaphore, #tpu.memory_space<semaphore_mem>>
        %dma_start3A_117 = arith.constant 0 : i32
        %dma_start3A_118 = arith.constant 0 : i32
        %dma_start3A_119 = tpu.memref_slice %arg8[%run_scoped3A_115, %dma_start3A_117, %dma_start3A_118] : memref<2x64x128xf32, #tpu.memory_space<vmem>> -> memref<1x64x128xf32, #tpu.memory_space<vmem>>
        %dma_start3A_120 = tpu.memref_squeeze %dma_start3A_119 : memref<1x64x128xf32, #tpu.memory_space<vmem>> -> memref<64x128xf32, #tpu.memory_space<vmem>>
        %dma_start3A_121 = arith.constant 0 : i32
        %dma_start3A_122 = tpu.memref_slice %arg7[%add3A_96, %dma_start3A_121] : memref<80x64xi32, #tpu.memory_space<vmem>> -> memref<1x64xi32, #tpu.memory_space<vmem>>
        %dma_start3A_123 = tpu.memref_squeeze %dma_start3A_122 : memref<1x64xi32, #tpu.memory_space<vmem>> -> memref<64xi32, #tpu.memory_space<vmem>>
        %dma_start3A_124 = arith.constant 0 : i32
        %dma_start3A_125 = arith.constant 0 : i32
        %dma_start3A_126 = tpu.memref_slice %arg9[%dma_start3A_124, %dma_start3A_125] : memref<10240x128xf32, #tpu.memory_space<vmem_shared>> -> memref<10240x128xf32, #tpu.memory_space<vmem_shared>>
        tpu.enqueue_indirect_dma source(%dma_start3A_120 : memref<64x128xf32, #tpu.memory_space<vmem>>) target(%dma_start3A_126 : memref<10240x128xf32, #tpu.memory_space<vmem_shared>>) offsets(%dma_start3A_123 : memref<64xi32, #tpu.memory_space<vmem>>) semaphore(%run_scoped3A_116 : memref<!tpu.dma_semaphore, #tpu.memory_space<semaphore_mem>>) {add = true}
        %dma_wait3A_127 = arith.constant 0 : i32
        %dma_wait3A_128 = arith.constant 0 : i32
        %dma_wait3A_129 = tpu.memref_slice %arg8[%run_scoped3A_115, %dma_wait3A_127, %dma_wait3A_128] : memref<2x64x128xf32, #tpu.memory_space<vmem>> -> memref<1x64x128xf32, #tpu.memory_space<vmem>>
        %dma_wait3A_130 = tpu.memref_squeeze %dma_wait3A_129 : memref<1x64x128xf32, #tpu.memory_space<vmem>> -> memref<64x128xf32, #tpu.memory_space<vmem>>
        %dma_wait3A_131 = arith.constant 0 : i32
        %dma_wait3A_132 = tpu.memref_slice %arg7[%add3A_96, %dma_wait3A_131] : memref<80x64xi32, #tpu.memory_space<vmem>> -> memref<1x64xi32, #tpu.memory_space<vmem>>
        %dma_wait3A_133 = tpu.memref_squeeze %dma_wait3A_132 : memref<1x64xi32, #tpu.memory_space<vmem>> -> memref<64xi32, #tpu.memory_space<vmem>>
        %dma_wait3A_134 = arith.constant 0 : i32
        %dma_wait3A_135 = arith.constant 0 : i32
        %dma_wait3A_136 = tpu.memref_slice %arg9[%dma_wait3A_134, %dma_wait3A_135] : memref<10240x128xf32, #tpu.memory_space<vmem_shared>> -> memref<10240x128xf32, #tpu.memory_space<vmem_shared>>
        tpu.wait_indirect_dma semaphore(%run_scoped3A_116 : memref<!tpu.dma_semaphore, #tpu.memory_space<semaphore_mem>>) src(%dma_wait3A_130 : memref<64x128xf32, #tpu.memory_space<vmem>>) dst(%dma_wait3A_136 : memref<10240x128xf32, #tpu.memory_space<vmem_shared>>)
        tpu.yield
      }) : () -> ()
    }
    %scan3A_53 = arith.constant 40 : i32
    "tpu.region"() ({
      %run_scoped3A_73 = tpu.sem_alloc : memref<!tpu.dma_semaphore, #tpu.memory_space<semaphore_mem>>
      %dma_start3A_74 = arith.constant 80 : i32
      %dma_start3A_75 = arith.constant 0 : i32
      %dma_start3A_76 = tpu.memref_slice %arg3[%add3A, %dma_start3A_74, %dma_start3A_75] : memref<32x160x64xi32, #tpu.memory_space<hbm>> -> memref<1x80x64xi32, #tpu.memory_space<hbm>>
      %dma_start3A_77 = tpu.memref_squeeze %dma_start3A_76 : memref<1x80x64xi32, #tpu.memory_space<hbm>> -> memref<80x64xi32, #tpu.memory_space<hbm>>
      %dma_start3A_78 = arith.constant 80 : i32
      %dma_start3A_79 = arith.constant 0 : i32
      %dma_start3A_80 = tpu.memref_slice %arg3[%add3A, %dma_start3A_78, %dma_start3A_79] : memref<32x160x64xi32, #tpu.memory_space<hbm>> -> memref<1x80x64xi32, #tpu.memory_space<hbm>>
      %dma_start3A_81 = tpu.memref_squeeze %dma_start3A_80 : memref<1x80x64xi32, #tpu.memory_space<hbm>> -> memref<80x64xi32, #tpu.memory_space<hbm>>
      tpu.enqueue_dma source(%dma_start3A_81 : memref<80x64xi32, #tpu.memory_space<hbm>>) target(%arg6 : memref<80x64xi32, #tpu.memory_space<vmem>>) target_semaphore(%run_scoped3A_73 : memref<!tpu.dma_semaphore, #tpu.memory_space<semaphore_mem>>)
      %dma_wait3A = arith.constant 80 : i32
      %dma_wait3A_82 = arith.constant 0 : i32
      %dma_wait3A_83 = tpu.memref_slice %arg3[%add3A, %dma_wait3A, %dma_wait3A_82] : memref<32x160x64xi32, #tpu.memory_space<hbm>> -> memref<1x80x64xi32, #tpu.memory_space<hbm>>
      %dma_wait3A_84 = tpu.memref_squeeze %dma_wait3A_83 : memref<1x80x64xi32, #tpu.memory_space<hbm>> -> memref<80x64xi32, #tpu.memory_space<hbm>>
      %dma_wait3A_85 = arith.constant 80 : i32
      %dma_wait3A_86 = arith.constant 0 : i32
      %dma_wait3A_87 = tpu.memref_slice %arg3[%add3A, %dma_wait3A_85, %dma_wait3A_86] : memref<32x160x64xi32, #tpu.memory_space<hbm>> -> memref<1x80x64xi32, #tpu.memory_space<hbm>>
      %dma_wait3A_88 = tpu.memref_squeeze %dma_wait3A_87 : memref<1x80x64xi32, #tpu.memory_space<hbm>> -> memref<80x64xi32, #tpu.memory_space<hbm>>
      tpu.wait_dma2 semaphore(%run_scoped3A_73 : memref<!tpu.dma_semaphore, #tpu.memory_space<semaphore_mem>>) src(%dma_wait3A_88 : memref<80x64xi32, #tpu.memory_space<hbm>>) dst(%arg6 : memref<80x64xi32, #tpu.memory_space<vmem>>)
      tpu.yield
    }) : () -> ()
    "tpu.region"() ({
      %run_scoped3A_73 = tpu.sem_alloc : memref<!tpu.dma_semaphore, #tpu.memory_space<semaphore_mem>>
      %dma_start3A_74 = arith.constant 80 : i32
      %dma_start3A_75 = arith.constant 0 : i32
      %dma_start3A_76 = tpu.memref_slice %arg4[%add3A, %dma_start3A_74, %dma_start3A_75] : memref<32x160x64xi32, #tpu.memory_space<hbm>> -> memref<1x80x64xi32, #tpu.memory_space<hbm>>
      %dma_start3A_77 = tpu.memref_squeeze %dma_start3A_76 : memref<1x80x64xi32, #tpu.memory_space<hbm>> -> memref<80x64xi32, #tpu.memory_space<hbm>>
      %dma_start3A_78 = arith.constant 80 : i32
      %dma_start3A_79 = arith.constant 0 : i32
      %dma_start3A_80 = tpu.memref_slice %arg4[%add3A, %dma_start3A_78, %dma_start3A_79] : memref<32x160x64xi32, #tpu.memory_space<hbm>> -> memref<1x80x64xi32, #tpu.memory_space<hbm>>
      %dma_start3A_81 = tpu.memref_squeeze %dma_start3A_80 : memref<1x80x64xi32, #tpu.memory_space<hbm>> -> memref<80x64xi32, #tpu.memory_space<hbm>>
      tpu.enqueue_dma source(%dma_start3A_81 : memref<80x64xi32, #tpu.memory_space<hbm>>) target(%arg7 : memref<80x64xi32, #tpu.memory_space<vmem>>) target_semaphore(%run_scoped3A_73 : memref<!tpu.dma_semaphore, #tpu.memory_space<semaphore_mem>>)
      %dma_wait3A = arith.constant 80 : i32
      %dma_wait3A_82 = arith.constant 0 : i32
      %dma_wait3A_83 = tpu.memref_slice %arg4[%add3A, %dma_wait3A, %dma_wait3A_82] : memref<32x160x64xi32, #tpu.memory_space<hbm>> -> memref<1x80x64xi32, #tpu.memory_space<hbm>>
      %dma_wait3A_84 = tpu.memref_squeeze %dma_wait3A_83 : memref<1x80x64xi32, #tpu.memory_space<hbm>> -> memref<80x64xi32, #tpu.memory_space<hbm>>
      %dma_wait3A_85 = arith.constant 80 : i32
      %dma_wait3A_86 = arith.constant 0 : i32
      %dma_wait3A_87 = tpu.memref_slice %arg4[%add3A, %dma_wait3A_85, %dma_wait3A_86] : memref<32x160x64xi32, #tpu.memory_space<hbm>> -> memref<1x80x64xi32, #tpu.memory_space<hbm>>
      %dma_wait3A_88 = tpu.memref_squeeze %dma_wait3A_87 : memref<1x80x64xi32, #tpu.memory_space<hbm>> -> memref<80x64xi32, #tpu.memory_space<hbm>>
      tpu.wait_dma2 semaphore(%run_scoped3A_73 : memref<!tpu.dma_semaphore, #tpu.memory_space<semaphore_mem>>) src(%dma_wait3A_88 : memref<80x64xi32, #tpu.memory_space<hbm>>) dst(%arg7 : memref<80x64xi32, #tpu.memory_space<vmem>>)
      tpu.yield
    }) : () -> ()
    %dma_start3A_54 = arith.constant 0 : i32
    %dma_start3A_55 = arith.constant 0 : i32
    %dma_start3A_56 = arith.constant 0 : i32
    %dma_start3A_57 = arith.constant 0 : i32
    %dma_start3A_58 = tpu.memref_slice %arg8[%dma_start3A_55, %dma_start3A_56, %dma_start3A_57] : memref<2x64x128xf32, #tpu.memory_space<vmem>> -> memref<1x64x128xf32, #tpu.memory_space<vmem>>
    %dma_start3A_59 = tpu.memref_squeeze %dma_start3A_58 : memref<1x64x128xf32, #tpu.memory_space<vmem>> -> memref<64x128xf32, #tpu.memory_space<vmem>>
    %dma_start3A_60 = arith.constant 0 : i32
    %dma_start3A_61 = tpu.memref_slice %arg6[%dma_start3A_54, %dma_start3A_60] : memref<80x64xi32, #tpu.memory_space<vmem>> -> memref<1x64xi32, #tpu.memory_space<vmem>>
    %dma_start3A_62 = tpu.memref_squeeze %dma_start3A_61 : memref<1x64xi32, #tpu.memory_space<vmem>> -> memref<64xi32, #tpu.memory_space<vmem>>
    %dma_start3A_63 = arith.constant 0 : i32
    %dma_start3A_64 = arith.constant 0 : i32
    %dma_start3A_65 = tpu.memref_slice %arg2[%dma_start3A_63, %dma_start3A_64] : memref<10240x128xf32, #tpu.memory_space<hbm>> -> memref<10240x128xf32, #tpu.memory_space<hbm>>
    tpu.enqueue_indirect_dma source(%dma_start3A_65 : memref<10240x128xf32, #tpu.memory_space<hbm>>) target(%dma_start3A_59 : memref<64x128xf32, #tpu.memory_space<vmem>>) offsets(%dma_start3A_62 : memref<64xi32, #tpu.memory_space<vmem>>) semaphore(%arg10 : memref<!tpu.dma_semaphore, #tpu.memory_space<semaphore_mem>>)
    %scan3A_66 = arith.constant 0 : i32
    %scan3A_67 = arith.constant 0 : i32
    %scan3A_68 = arith.constant 40 : i32
    %scan3A_69 = arith.addi %scan3A_67, %scan3A_68 : i32
    %scan3A_70 = arith.constant 1 : i32
    scf.for %scan3A_73 = %scan3A_67 to %scan3A_69 step %scan3A_70  : i32 {
      %mul3A_74 = arith.constant 2 : i32
      %mul3A_75 = arith.muli %scan3A_73, %mul3A_74 : i32
      %add3A_76 = arith.constant 0 : i32
      %add3A_77 = arith.addi %mul3A_75, %add3A_76 : i32
      %add3A_78 = arith.constant 1 : i32
      %add3A_79 = arith.addi %add3A_77, %add3A_78 : i32
      %lt3A = arith.constant 80 : i32
      %lt3A_80 = arith.cmpi slt, %add3A_79, %lt3A : i32
      %convert_element_type3A = arith.extui %lt3A_80 : i1 to i32
      %cond3A = arith.constant 0 : i32
      %cond3A_81 = arith.cmpi ne, %convert_element_type3A, %cond3A : i32
      scf.if %cond3A_81 {
        %dma_start3A_116 = arith.constant 1 : i32
        %dma_start3A_117 = arith.constant 0 : i32
        %dma_start3A_118 = arith.constant 0 : i32
        %dma_start3A_119 = tpu.memref_slice %arg8[%dma_start3A_116, %dma_start3A_117, %dma_start3A_118] : memref<2x64x128xf32, #tpu.memory_space<vmem>> -> memref<1x64x128xf32, #tpu.memory_space<vmem>>
        %dma_start3A_120 = tpu.memref_squeeze %dma_start3A_119 : memref<1x64x128xf32, #tpu.memory_space<vmem>> -> memref<64x128xf32, #tpu.memory_space<vmem>>
        %dma_start3A_121 = arith.constant 0 : i32
        %dma_start3A_122 = tpu.memref_slice %arg6[%add3A_79, %dma_start3A_121] : memref<80x64xi32, #tpu.memory_space<vmem>> -> memref<1x64xi32, #tpu.memory_space<vmem>>
        %dma_start3A_123 = tpu.memref_squeeze %dma_start3A_122 : memref<1x64xi32, #tpu.memory_space<vmem>> -> memref<64xi32, #tpu.memory_space<vmem>>
        %dma_start3A_124 = arith.constant 0 : i32
        %dma_start3A_125 = arith.constant 0 : i32
        %dma_start3A_126 = tpu.memref_slice %arg2[%dma_start3A_124, %dma_start3A_125] : memref<10240x128xf32, #tpu.memory_space<hbm>> -> memref<10240x128xf32, #tpu.memory_space<hbm>>
        tpu.enqueue_indirect_dma source(%dma_start3A_126 : memref<10240x128xf32, #tpu.memory_space<hbm>>) target(%dma_start3A_120 : memref<64x128xf32, #tpu.memory_space<vmem>>) offsets(%dma_start3A_123 : memref<64xi32, #tpu.memory_space<vmem>>) semaphore(%arg11 : memref<!tpu.dma_semaphore, #tpu.memory_space<semaphore_mem>>)
      } else {
      }
      %dma_wait3A = arith.constant 0 : i32
      %dma_wait3A_82 = arith.constant 0 : i32
      %dma_wait3A_83 = arith.constant 0 : i32
      %dma_wait3A_84 = tpu.memref_slice %arg8[%dma_wait3A, %dma_wait3A_82, %dma_wait3A_83] : memref<2x64x128xf32, #tpu.memory_space<vmem>> -> memref<1x64x128xf32, #tpu.memory_space<vmem>>
      %dma_wait3A_85 = tpu.memref_squeeze %dma_wait3A_84 : memref<1x64x128xf32, #tpu.memory_space<vmem>> -> memref<64x128xf32, #tpu.memory_space<vmem>>
      %dma_wait3A_86 = arith.constant 0 : i32
      %dma_wait3A_87 = tpu.memref_slice %arg6[%add3A_77, %dma_wait3A_86] : memref<80x64xi32, #tpu.memory_space<vmem>> -> memref<1x64xi32, #tpu.memory_space<vmem>>
      %dma_wait3A_88 = tpu.memref_squeeze %dma_wait3A_87 : memref<1x64xi32, #tpu.memory_space<vmem>> -> memref<64xi32, #tpu.memory_space<vmem>>
      %dma_wait3A_89 = arith.constant 0 : i32
      %dma_wait3A_90 = arith.constant 0 : i32
      %dma_wait3A_91 = tpu.memref_slice %arg2[%dma_wait3A_89, %dma_wait3A_90] : memref<10240x128xf32, #tpu.memory_space<hbm>> -> memref<10240x128xf32, #tpu.memory_space<hbm>>
      tpu.wait_indirect_dma semaphore(%arg10 : memref<!tpu.dma_semaphore, #tpu.memory_space<semaphore_mem>>) src(%dma_wait3A_91 : memref<10240x128xf32, #tpu.memory_space<hbm>>) dst(%dma_wait3A_85 : memref<64x128xf32, #tpu.memory_space<vmem>>)
      %run_scoped3A_92 = arith.constant 0 : i32
      "tpu.region"() ({
        %run_scoped3A_116 = tpu.sem_alloc : memref<!tpu.dma_semaphore, #tpu.memory_space<semaphore_mem>>
        %dma_start3A_117 = arith.constant 0 : i32
        %dma_start3A_118 = arith.constant 0 : i32
        %dma_start3A_119 = tpu.memref_slice %arg8[%run_scoped3A_92, %dma_start3A_117, %dma_start3A_118] : memref<2x64x128xf32, #tpu.memory_space<vmem>> -> memref<1x64x128xf32, #tpu.memory_space<vmem>>
        %dma_start3A_120 = tpu.memref_squeeze %dma_start3A_119 : memref<1x64x128xf32, #tpu.memory_space<vmem>> -> memref<64x128xf32, #tpu.memory_space<vmem>>
        %dma_start3A_121 = arith.constant 0 : i32
        %dma_start3A_122 = tpu.memref_slice %arg7[%add3A_77, %dma_start3A_121] : memref<80x64xi32, #tpu.memory_space<vmem>> -> memref<1x64xi32, #tpu.memory_space<vmem>>
        %dma_start3A_123 = tpu.memref_squeeze %dma_start3A_122 : memref<1x64xi32, #tpu.memory_space<vmem>> -> memref<64xi32, #tpu.memory_space<vmem>>
        %dma_start3A_124 = arith.constant 0 : i32
        %dma_start3A_125 = arith.constant 0 : i32
        %dma_start3A_126 = tpu.memref_slice %arg9[%dma_start3A_124, %dma_start3A_125] : memref<10240x128xf32, #tpu.memory_space<vmem_shared>> -> memref<10240x128xf32, #tpu.memory_space<vmem_shared>>
        tpu.enqueue_indirect_dma source(%dma_start3A_120 : memref<64x128xf32, #tpu.memory_space<vmem>>) target(%dma_start3A_126 : memref<10240x128xf32, #tpu.memory_space<vmem_shared>>) offsets(%dma_start3A_123 : memref<64xi32, #tpu.memory_space<vmem>>) semaphore(%run_scoped3A_116 : memref<!tpu.dma_semaphore, #tpu.memory_space<semaphore_mem>>) {add = true}
        %dma_wait3A_127 = arith.constant 0 : i32
        %dma_wait3A_128 = arith.constant 0 : i32
        %dma_wait3A_129 = tpu.memref_slice %arg8[%run_scoped3A_92, %dma_wait3A_127, %dma_wait3A_128] : memref<2x64x128xf32, #tpu.memory_space<vmem>> -> memref<1x64x128xf32, #tpu.memory_space<vmem>>
        %dma_wait3A_130 = tpu.memref_squeeze %dma_wait3A_129 : memref<1x64x128xf32, #tpu.memory_space<vmem>> -> memref<64x128xf32, #tpu.memory_space<vmem>>
        %dma_wait3A_131 = arith.constant 0 : i32
        %dma_wait3A_132 = tpu.memref_slice %arg7[%add3A_77, %dma_wait3A_131] : memref<80x64xi32, #tpu.memory_space<vmem>> -> memref<1x64xi32, #tpu.memory_space<vmem>>
        %dma_wait3A_133 = tpu.memref_squeeze %dma_wait3A_132 : memref<1x64xi32, #tpu.memory_space<vmem>> -> memref<64xi32, #tpu.memory_space<vmem>>
        %dma_wait3A_134 = arith.constant 0 : i32
        %dma_wait3A_135 = arith.constant 0 : i32
        %dma_wait3A_136 = tpu.memref_slice %arg9[%dma_wait3A_134, %dma_wait3A_135] : memref<10240x128xf32, #tpu.memory_space<vmem_shared>> -> memref<10240x128xf32, #tpu.memory_space<vmem_shared>>
        tpu.wait_indirect_dma semaphore(%run_scoped3A_116 : memref<!tpu.dma_semaphore, #tpu.memory_space<semaphore_mem>>) src(%dma_wait3A_130 : memref<64x128xf32, #tpu.memory_space<vmem>>) dst(%dma_wait3A_136 : memref<10240x128xf32, #tpu.memory_space<vmem_shared>>)
        tpu.yield
      }) : () -> ()
      %mul3A_93 = arith.constant 2 : i32
      %mul3A_94 = arith.muli %scan3A_73, %mul3A_93 : i32
      %add3A_95 = arith.constant 1 : i32
      %add3A_96 = arith.addi %mul3A_94, %add3A_95 : i32
      %add3A_97 = arith.constant 1 : i32
      %add3A_98 = arith.addi %add3A_96, %add3A_97 : i32
      %lt3A_99 = arith.constant 80 : i32
      %lt3A_100 = arith.cmpi slt, %add3A_98, %lt3A_99 : i32
      %convert_element_type3A_101 = arith.extui %lt3A_100 : i1 to i32
      %cond3A_102 = arith.constant 0 : i32
      %cond3A_103 = arith.cmpi ne, %convert_element_type3A_101, %cond3A_102 : i32
      scf.if %cond3A_103 {
        %dma_start3A_116 = arith.constant 0 : i32
        %dma_start3A_117 = arith.constant 0 : i32
        %dma_start3A_118 = arith.constant 0 : i32
        %dma_start3A_119 = tpu.memref_slice %arg8[%dma_start3A_116, %dma_start3A_117, %dma_start3A_118] : memref<2x64x128xf32, #tpu.memory_space<vmem>> -> memref<1x64x128xf32, #tpu.memory_space<vmem>>
        %dma_start3A_120 = tpu.memref_squeeze %dma_start3A_119 : memref<1x64x128xf32, #tpu.memory_space<vmem>> -> memref<64x128xf32, #tpu.memory_space<vmem>>
        %dma_start3A_121 = arith.constant 0 : i32
        %dma_start3A_122 = tpu.memref_slice %arg6[%add3A_98, %dma_start3A_121] : memref<80x64xi32, #tpu.memory_space<vmem>> -> memref<1x64xi32, #tpu.memory_space<vmem>>
        %dma_start3A_123 = tpu.memref_squeeze %dma_start3A_122 : memref<1x64xi32, #tpu.memory_space<vmem>> -> memref<64xi32, #tpu.memory_space<vmem>>
        %dma_start3A_124 = arith.constant 0 : i32
        %dma_start3A_125 = arith.constant 0 : i32
        %dma_start3A_126 = tpu.memref_slice %arg2[%dma_start3A_124, %dma_start3A_125] : memref<10240x128xf32, #tpu.memory_space<hbm>> -> memref<10240x128xf32, #tpu.memory_space<hbm>>
        tpu.enqueue_indirect_dma source(%dma_start3A_126 : memref<10240x128xf32, #tpu.memory_space<hbm>>) target(%dma_start3A_120 : memref<64x128xf32, #tpu.memory_space<vmem>>) offsets(%dma_start3A_123 : memref<64xi32, #tpu.memory_space<vmem>>) semaphore(%arg10 : memref<!tpu.dma_semaphore, #tpu.memory_space<semaphore_mem>>)
      } else {
      }
      %dma_wait3A_104 = arith.constant 1 : i32
      %dma_wait3A_105 = arith.constant 0 : i32
      %dma_wait3A_106 = arith.constant 0 : i32
      %dma_wait3A_107 = tpu.memref_slice %arg8[%dma_wait3A_104, %dma_wait3A_105, %dma_wait3A_106] : memref<2x64x128xf32, #tpu.memory_space<vmem>> -> memref<1x64x128xf32, #tpu.memory_space<vmem>>
      %dma_wait3A_108 = tpu.memref_squeeze %dma_wait3A_107 : memref<1x64x128xf32, #tpu.memory_space<vmem>> -> memref<64x128xf32, #tpu.memory_space<vmem>>
      %dma_wait3A_109 = arith.constant 0 : i32
      %dma_wait3A_110 = tpu.memref_slice %arg6[%add3A_96, %dma_wait3A_109] : memref<80x64xi32, #tpu.memory_space<vmem>> -> memref<1x64xi32, #tpu.memory_space<vmem>>
      %dma_wait3A_111 = tpu.memref_squeeze %dma_wait3A_110 : memref<1x64xi32, #tpu.memory_space<vmem>> -> memref<64xi32, #tpu.memory_space<vmem>>
      %dma_wait3A_112 = arith.constant 0 : i32
      %dma_wait3A_113 = arith.constant 0 : i32
      %dma_wait3A_114 = tpu.memref_slice %arg2[%dma_wait3A_112, %dma_wait3A_113] : memref<10240x128xf32, #tpu.memory_space<hbm>> -> memref<10240x128xf32, #tpu.memory_space<hbm>>
      tpu.wait_indirect_dma semaphore(%arg11 : memref<!tpu.dma_semaphore, #tpu.memory_space<semaphore_mem>>) src(%dma_wait3A_114 : memref<10240x128xf32, #tpu.memory_space<hbm>>) dst(%dma_wait3A_108 : memref<64x128xf32, #tpu.memory_space<vmem>>)
      %run_scoped3A_115 = arith.constant 1 : i32
      "tpu.region"() ({
        %run_scoped3A_116 = tpu.sem_alloc : memref<!tpu.dma_semaphore, #tpu.memory_space<semaphore_mem>>
        %dma_start3A_117 = arith.constant 0 : i32
        %dma_start3A_118 = arith.constant 0 : i32
        %dma_start3A_119 = tpu.memref_slice %arg8[%run_scoped3A_115, %dma_start3A_117, %dma_start3A_118] : memref<2x64x128xf32, #tpu.memory_space<vmem>> -> memref<1x64x128xf32, #tpu.memory_space<vmem>>
        %dma_start3A_120 = tpu.memref_squeeze %dma_start3A_119 : memref<1x64x128xf32, #tpu.memory_space<vmem>> -> memref<64x128xf32, #tpu.memory_space<vmem>>
        %dma_start3A_121 = arith.constant 0 : i32
        %dma_start3A_122 = tpu.memref_slice %arg7[%add3A_96, %dma_start3A_121] : memref<80x64xi32, #tpu.memory_space<vmem>> -> memref<1x64xi32, #tpu.memory_space<vmem>>
        %dma_start3A_123 = tpu.memref_squeeze %dma_start3A_122 : memref<1x64xi32, #tpu.memory_space<vmem>> -> memref<64xi32, #tpu.memory_space<vmem>>
        %dma_start3A_124 = arith.constant 0 : i32
        %dma_start3A_125 = arith.constant 0 : i32
        %dma_start3A_126 = tpu.memref_slice %arg9[%dma_start3A_124, %dma_start3A_125] : memref<10240x128xf32, #tpu.memory_space<vmem_shared>> -> memref<10240x128xf32, #tpu.memory_space<vmem_shared>>
        tpu.enqueue_indirect_dma source(%dma_start3A_120 : memref<64x128xf32, #tpu.memory_space<vmem>>) target(%dma_start3A_126 : memref<10240x128xf32, #tpu.memory_space<vmem_shared>>) offsets(%dma_start3A_123 : memref<64xi32, #tpu.memory_space<vmem>>) semaphore(%run_scoped3A_116 : memref<!tpu.dma_semaphore, #tpu.memory_space<semaphore_mem>>) {add = true}
        %dma_wait3A_127 = arith.constant 0 : i32
        %dma_wait3A_128 = arith.constant 0 : i32
        %dma_wait3A_129 = tpu.memref_slice %arg8[%run_scoped3A_115, %dma_wait3A_127, %dma_wait3A_128] : memref<2x64x128xf32, #tpu.memory_space<vmem>> -> memref<1x64x128xf32, #tpu.memory_space<vmem>>
        %dma_wait3A_130 = tpu.memref_squeeze %dma_wait3A_129 : memref<1x64x128xf32, #tpu.memory_space<vmem>> -> memref<64x128xf32, #tpu.memory_space<vmem>>
        %dma_wait3A_131 = arith.constant 0 : i32
        %dma_wait3A_132 = tpu.memref_slice %arg7[%add3A_96, %dma_wait3A_131] : memref<80x64xi32, #tpu.memory_space<vmem>> -> memref<1x64xi32, #tpu.memory_space<vmem>>
        %dma_wait3A_133 = tpu.memref_squeeze %dma_wait3A_132 : memref<1x64xi32, #tpu.memory_space<vmem>> -> memref<64xi32, #tpu.memory_space<vmem>>
        %dma_wait3A_134 = arith.constant 0 : i32
        %dma_wait3A_135 = arith.constant 0 : i32
        %dma_wait3A_136 = tpu.memref_slice %arg9[%dma_wait3A_134, %dma_wait3A_135] : memref<10240x128xf32, #tpu.memory_space<vmem_shared>> -> memref<10240x128xf32, #tpu.memory_space<vmem_shared>>
        tpu.wait_indirect_dma semaphore(%run_scoped3A_116 : memref<!tpu.dma_semaphore, #tpu.memory_space<semaphore_mem>>) src(%dma_wait3A_130 : memref<64x128xf32, #tpu.memory_space<vmem>>) dst(%dma_wait3A_136 : memref<10240x128xf32, #tpu.memory_space<vmem_shared>>)
        tpu.yield
      }) : () -> ()
    }
    %scan3A_71 = arith.constant 40 : i32
    %barrier3A_72 = arith.constant 0 : index
    tpu.barrier barrier_id(%barrier3A_72)
    "tpu.region"() ({
      %run_scoped3A_73 = tpu.sem_alloc : memref<!tpu.dma_semaphore, #tpu.memory_space<semaphore_mem>>
      %dma_start3A_74 = arith.constant 0 : i32
      %dma_start3A_75 = tpu.memref_slice %arg5[%arg0, %mul3A_7, %dma_start3A_74] : memref<2x10240x128xf32, #tpu.memory_space<hbm>> -> memref<1x640x128xf32, #tpu.memory_space<hbm>>
      %dma_start3A_76 = tpu.memref_squeeze %dma_start3A_75 : memref<1x640x128xf32, #tpu.memory_space<hbm>> -> memref<640x128xf32, #tpu.memory_space<hbm>>
      %dma_start3A_77 = arith.constant 0 : i32
      %dma_start3A_78 = tpu.memref_slice %arg9[%mul3A_7, %dma_start3A_77] : memref<10240x128xf32, #tpu.memory_space<vmem_shared>> -> memref<640x128xf32, #tpu.memory_space<vmem_shared>>
      tpu.enqueue_dma source(%dma_start3A_78 : memref<640x128xf32, #tpu.memory_space<vmem_shared>>) target(%dma_start3A_76 : memref<640x128xf32, #tpu.memory_space<hbm>>) target_semaphore(%run_scoped3A_73 : memref<!tpu.dma_semaphore, #tpu.memory_space<semaphore_mem>>)
      %dma_wait3A = arith.constant 0 : i32
      %dma_wait3A_79 = tpu.memref_slice %arg5[%arg0, %mul3A_7, %dma_wait3A] : memref<2x10240x128xf32, #tpu.memory_space<hbm>> -> memref<1x640x128xf32, #tpu.memory_space<hbm>>
      %dma_wait3A_80 = tpu.memref_squeeze %dma_wait3A_79 : memref<1x640x128xf32, #tpu.memory_space<hbm>> -> memref<640x128xf32, #tpu.memory_space<hbm>>
      %dma_wait3A_81 = arith.constant 0 : i32
      %dma_wait3A_82 = tpu.memref_slice %arg9[%mul3A_7, %dma_wait3A_81] : memref<10240x128xf32, #tpu.memory_space<vmem_shared>> -> memref<640x128xf32, #tpu.memory_space<vmem_shared>>
      tpu.wait_dma2 semaphore(%run_scoped3A_73 : memref<!tpu.dma_semaphore, #tpu.memory_space<semaphore_mem>>) src(%dma_wait3A_82 : memref<640x128xf32, #tpu.memory_space<vmem_shared>>) dst(%dma_wait3A_80 : memref<640x128xf32, #tpu.memory_space<hbm>>)
      tpu.yield
    }) : () -> ()
    return
  }
}

#map = affine_map<(d0, d1) -> (0, 0)>
#map1 = affine_map<(d0, d1) -> (0, 0, 0)>
module attributes {stable_mosaic.version = 14 : i64} {
  func.func @_edge_sc(%arg0: i32, %arg1: i32, %arg2: memref<10240x128xf32, #tpu.memory_space<hbm>>, %arg3: memref<32x160x64xi32, #tpu.memory_space<hbm>>, %arg4: memref<32x160x64xi32, #tpu.memory_space<hbm>>, %arg5: memref<2x10240x128xf32, #tpu.memory_space<hbm>>, %arg6: memref<80x64xi32, #tpu.memory_space<vmem>>, %arg7: memref<80x64xi32, #tpu.memory_space<vmem>>, %arg8: memref<2x64x128xf32, #tpu.memory_space<vmem>>, %arg9: memref<10240x128xf32, #tpu.memory_space<vmem_shared>>, %arg10: memref<!tpu.dma_semaphore, #tpu.memory_space<semaphore_mem>>, %arg11: memref<!tpu.dma_semaphore, #tpu.memory_space<semaphore_mem>>) attributes {dimension_semantics = [#tpu.dimension_semantics<core_parallel>, #tpu.dimension_semantics<subcore_parallel>], iteration_bounds = array<i64: 2, 16>, scalar_prefetch = 0 : i64, scratch_operands = 6 : i64, tpu.core_type = #tpu.core_type<sc_vector_subcore>, window_params = [{transform_indices = #map}, {transform_indices = #map1}, {transform_indices = #map1}, {transform_indices = #map1}]} {
    %mul3A = arith.constant 2 : i32
    %mul3A_0 = arith.muli %arg1, %mul3A : i32
    %add3A = arith.addi %mul3A_0, %arg0 : i32
    %scan3A = arith.constant 0 : i32
    %scan3A_1 = arith.constant 0 : i32
    %scan3A_2 = arith.constant 64 : i32
    %scan3A_3 = arith.addi %scan3A_1, %scan3A_2 : i32
    %scan3A_4 = arith.constant 1 : i32
    scf.for %scan3A_73 = %scan3A_1 to %scan3A_3 step %scan3A_4  : i32 {
      %broadcast_in_dim3A = arith.constant 0.000000e+00 : f32
      %broadcast_in_dim3A_74 = vector.broadcast %broadcast_in_dim3A : f32 to vector<16xf32>
      %swap3A = arith.constant 0 : i32
      %swap3A_75 = arith.index_cast %swap3A : i32 to index
      %swap3A_76 = arith.index_cast %scan3A_73 : i32 to index
      %swap3A_77 = arith.constant 0 : index
      %swap3A_78 = tpu.vector_load %arg8[%swap3A_75, %swap3A_76, %swap3A_77] {strides = array<i32>} : memref<2x64x128xf32, #tpu.memory_space<vmem>>, vector<16xf32>,
      tpu.vector_store %arg8[%swap3A_75, %swap3A_76, %swap3A_77], %broadcast_in_dim3A_74 {strides = array<i32>} : memref<2x64x128xf32, #tpu.memory_space<vmem>>, vector<16xf32>,
      %broadcast_in_dim3A_79 = arith.constant 0.000000e+00 : f32
      %broadcast_in_dim3A_80 = vector.broadcast %broadcast_in_dim3A_79 : f32 to vector<16xf32>
      %swap3A_81 = arith.constant 0 : i32
      %swap3A_82 = arith.index_cast %swap3A_81 : i32 to index
      %swap3A_83 = arith.index_cast %scan3A_73 : i32 to index
      %swap3A_84 = arith.constant 16 : index
      %swap3A_85 = tpu.vector_load %arg8[%swap3A_82, %swap3A_83, %swap3A_84] {strides = array<i32>} : memref<2x64x128xf32, #tpu.memory_space<vmem>>, vector<16xf32>,
      tpu.vector_store %arg8[%swap3A_82, %swap3A_83, %swap3A_84], %broadcast_in_dim3A_80 {strides = array<i32>} : memref<2x64x128xf32, #tpu.memory_space<vmem>>, vector<16xf32>,
      %broadcast_in_dim3A_86 = arith.constant 0.000000e+00 : f32
      %broadcast_in_dim3A_87 = vector.broadcast %broadcast_in_dim3A_86 : f32 to vector<16xf32>
      %swap3A_88 = arith.constant 0 : i32
      %swap3A_89 = arith.index_cast %swap3A_88 : i32 to index
      %swap3A_90 = arith.index_cast %scan3A_73 : i32 to index
      %swap3A_91 = arith.constant 32 : index
      %swap3A_92 = tpu.vector_load %arg8[%swap3A_89, %swap3A_90, %swap3A_91] {strides = array<i32>} : memref<2x64x128xf32, #tpu.memory_space<vmem>>, vector<16xf32>,
      tpu.vector_store %arg8[%swap3A_89, %swap3A_90, %swap3A_91], %broadcast_in_dim3A_87 {strides = array<i32>} : memref<2x64x128xf32, #tpu.memory_space<vmem>>, vector<16xf32>,
      %broadcast_in_dim3A_93 = arith.constant 0.000000e+00 : f32
      %broadcast_in_dim3A_94 = vector.broadcast %broadcast_in_dim3A_93 : f32 to vector<16xf32>
      %swap3A_95 = arith.constant 0 : i32
      %swap3A_96 = arith.index_cast %swap3A_95 : i32 to index
      %swap3A_97 = arith.index_cast %scan3A_73 : i32 to index
      %swap3A_98 = arith.constant 48 : index
      %swap3A_99 = tpu.vector_load %arg8[%swap3A_96, %swap3A_97, %swap3A_98] {strides = array<i32>} : memref<2x64x128xf32, #tpu.memory_space<vmem>>, vector<16xf32>,
      tpu.vector_store %arg8[%swap3A_96, %swap3A_97, %swap3A_98], %broadcast_in_dim3A_94 {strides = array<i32>} : memref<2x64x128xf32, #tpu.memory_space<vmem>>, vector<16xf32>,
      %broadcast_in_dim3A_100 = arith.constant 0.000000e+00 : f32
      %broadcast_in_dim3A_101 = vector.broadcast %broadcast_in_dim3A_100 : f32 to vector<16xf32>
      %swap3A_102 = arith.constant 0 : i32
      %swap3A_103 = arith.index_cast %swap3A_102 : i32 to index
      %swap3A_104 = arith.index_cast %scan3A_73 : i32 to index
      %swap3A_105 = arith.constant 64 : index
      %swap3A_106 = tpu.vector_load %arg8[%swap3A_103, %swap3A_104, %swap3A_105] {strides = array<i32>} : memref<2x64x128xf32, #tpu.memory_space<vmem>>, vector<16xf32>,
      tpu.vector_store %arg8[%swap3A_103, %swap3A_104, %swap3A_105], %broadcast_in_dim3A_101 {strides = array<i32>} : memref<2x64x128xf32, #tpu.memory_space<vmem>>, vector<16xf32>,
      %broadcast_in_dim3A_107 = arith.constant 0.000000e+00 : f32
      %broadcast_in_dim3A_108 = vector.broadcast %broadcast_in_dim3A_107 : f32 to vector<16xf32>
      %swap3A_109 = arith.constant 0 : i32
      %swap3A_110 = arith.index_cast %swap3A_109 : i32 to index
      %swap3A_111 = arith.index_cast %scan3A_73 : i32 to index
      %swap3A_112 = arith.constant 80 : index
      %swap3A_113 = tpu.vector_load %arg8[%swap3A_110, %swap3A_111, %swap3A_112] {strides = array<i32>} : memref<2x64x128xf32, #tpu.memory_space<vmem>>, vector<16xf32>,
      tpu.vector_store %arg8[%swap3A_110, %swap3A_111, %swap3A_112], %broadcast_in_dim3A_108 {strides = array<i32>} : memref<2x64x128xf32, #tpu.memory_space<vmem>>, vector<16xf32>,
      %broadcast_in_dim3A_114 = arith.constant 0.000000e+00 : f32
      %broadcast_in_dim3A_115 = vector.broadcast %broadcast_in_dim3A_114 : f32 to vector<16xf32>
      %swap3A_116 = arith.constant 0 : i32
      %swap3A_117 = arith.index_cast %swap3A_116 : i32 to index
      %swap3A_118 = arith.index_cast %scan3A_73 : i32 to index
      %swap3A_119 = arith.constant 96 : index
      %swap3A_120 = tpu.vector_load %arg8[%swap3A_117, %swap3A_118, %swap3A_119] {strides = array<i32>} : memref<2x64x128xf32, #tpu.memory_space<vmem>>, vector<16xf32>,
      tpu.vector_store %arg8[%swap3A_117, %swap3A_118, %swap3A_119], %broadcast_in_dim3A_115 {strides = array<i32>} : memref<2x64x128xf32, #tpu.memory_space<vmem>>, vector<16xf32>,
      %broadcast_in_dim3A_121 = arith.constant 0.000000e+00 : f32
      %broadcast_in_dim3A_122 = vector.broadcast %broadcast_in_dim3A_121 : f32 to vector<16xf32>
      %swap3A_123 = arith.constant 0 : i32
      %swap3A_124 = arith.index_cast %swap3A_123 : i32 to index
      %swap3A_125 = arith.index_cast %scan3A_73 : i32 to index
      %swap3A_126 = arith.constant 112 : index
      %swap3A_127 = tpu.vector_load %arg8[%swap3A_124, %swap3A_125, %swap3A_126] {strides = array<i32>} : memref<2x64x128xf32, #tpu.memory_space<vmem>>, vector<16xf32>,
      tpu.vector_store %arg8[%swap3A_124, %swap3A_125, %swap3A_126], %broadcast_in_dim3A_122 {strides = array<i32>} : memref<2x64x128xf32, #tpu.memory_space<vmem>>, vector<16xf32>,
    }
    %scan3A_5 = arith.constant 64 : i32
    %mul3A_6 = arith.constant 640 : i32
    %mul3A_7 = arith.muli %arg1, %mul3A_6 : i32
    %add3A_8 = arith.constant 0 : i32
    %add3A_9 = arith.addi %mul3A_7, %add3A_8 : i32
    %run_scoped3A = arith.constant 0 : i32
    "tpu.region"() ({
      %run_scoped3A_73 = tpu.sem_alloc : memref<!tpu.dma_semaphore, #tpu.memory_space<semaphore_mem>>
      %dma_start3A_74 = arith.constant 0 : i32
      %dma_start3A_75 = arith.constant 0 : i32
      %dma_start3A_76 = tpu.memref_slice %arg8[%run_scoped3A, %dma_start3A_74, %dma_start3A_75] : memref<2x64x128xf32, #tpu.memory_space<vmem>> -> memref<1x64x128xf32, #tpu.memory_space<vmem>>
      %dma_start3A_77 = tpu.memref_squeeze %dma_start3A_76 : memref<1x64x128xf32, #tpu.memory_space<vmem>> -> memref<64x128xf32, #tpu.memory_space<vmem>>
      %dma_start3A_78 = arith.constant 0 : i32
      %dma_start3A_79 = tpu.memref_slice %arg9[%add3A_9, %dma_start3A_78] : memref<10240x128xf32, #tpu.memory_space<vmem_shared>> -> memref<64x128xf32, #tpu.memory_space<vmem_shared>>
      %dma_start3A_80 = arith.constant 0 : i32
      %dma_start3A_81 = tpu.memref_slice %arg9[%add3A_9, %dma_start3A_80] : memref<10240x128xf32, #tpu.memory_space<vmem_shared>> -> memref<64x128xf32, #tpu.memory_space<vmem_shared>>
      %dma_start3A_82 = arith.constant 0 : i32
      %dma_start3A_83 = arith.constant 0 : i32
      %dma_start3A_84 = tpu.memref_slice %arg8[%run_scoped3A, %dma_start3A_82, %dma_start3A_83] : memref<2x64x128xf32, #tpu.memory_space<vmem>> -> memref<1x64x128xf32, #tpu.memory_space<vmem>>
      %dma_start3A_85 = tpu.memref_squeeze %dma_start3A_84 : memref<1x64x128xf32, #tpu.memory_space<vmem>> -> memref<64x128xf32, #tpu.memory_space<vmem>>
      tpu.enqueue_dma source(%dma_start3A_85 : memref<64x128xf32, #tpu.memory_space<vmem>>) target(%dma_start3A_81 : memref<64x128xf32, #tpu.memory_space<vmem_shared>>) target_semaphore(%run_scoped3A_73 : memref<!tpu.dma_semaphore, #tpu.memory_space<semaphore_mem>>)
      %dma_wait3A = arith.constant 0 : i32
      %dma_wait3A_86 = arith.constant 0 : i32
      %dma_wait3A_87 = tpu.memref_slice %arg8[%run_scoped3A, %dma_wait3A, %dma_wait3A_86] : memref<2x64x128xf32, #tpu.memory_space<vmem>> -> memref<1x64x128xf32, #tpu.memory_space<vmem>>
      %dma_wait3A_88 = tpu.memref_squeeze %dma_wait3A_87 : memref<1x64x128xf32, #tpu.memory_space<vmem>> -> memref<64x128xf32, #tpu.memory_space<vmem>>
      %dma_wait3A_89 = arith.constant 0 : i32
      %dma_wait3A_90 = tpu.memref_slice %arg9[%add3A_9, %dma_wait3A_89] : memref<10240x128xf32, #tpu.memory_space<vmem_shared>> -> memref<64x128xf32, #tpu.memory_space<vmem_shared>>
      %dma_wait3A_91 = arith.constant 0 : i32
      %dma_wait3A_92 = tpu.memref_slice %arg9[%add3A_9, %dma_wait3A_91] : memref<10240x128xf32, #tpu.memory_space<vmem_shared>> -> memref<64x128xf32, #tpu.memory_space<vmem_shared>>
      %dma_wait3A_93 = arith.constant 0 : i32
      %dma_wait3A_94 = arith.constant 0 : i32
      %dma_wait3A_95 = tpu.memref_slice %arg8[%run_scoped3A, %dma_wait3A_93, %dma_wait3A_94] : memref<2x64x128xf32, #tpu.memory_space<vmem>> -> memref<1x64x128xf32, #tpu.memory_space<vmem>>
      %dma_wait3A_96 = tpu.memref_squeeze %dma_wait3A_95 : memref<1x64x128xf32, #tpu.memory_space<vmem>> -> memref<64x128xf32, #tpu.memory_space<vmem>>
      tpu.wait_dma2 semaphore(%run_scoped3A_73 : memref<!tpu.dma_semaphore, #tpu.memory_space<semaphore_mem>>) src(%dma_wait3A_96 : memref<64x128xf32, #tpu.memory_space<vmem>>) dst(%dma_wait3A_92 : memref<64x128xf32, #tpu.memory_space<vmem_shared>>)
      tpu.yield
    }) : () -> ()
    %add3A_10 = arith.constant 64 : i32
    %add3A_11 = arith.addi %mul3A_7, %add3A_10 : i32
    %run_scoped3A_12 = arith.constant 0 : i32
    "tpu.region"() ({
      %run_scoped3A_73 = tpu.sem_alloc : memref<!tpu.dma_semaphore, #tpu.memory_space<semaphore_mem>>
      %dma_start3A_74 = arith.constant 0 : i32
      %dma_start3A_75 = arith.constant 0 : i32
      %dma_start3A_76 = tpu.memref_slice %arg8[%run_scoped3A_12, %dma_start3A_74, %dma_start3A_75] : memref<2x64x128xf32, #tpu.memory_space<vmem>> -> memref<1x64x128xf32, #tpu.memory_space<vmem>>
      %dma_start3A_77 = tpu.memref_squeeze %dma_start3A_76 : memref<1x64x128xf32, #tpu.memory_space<vmem>> -> memref<64x128xf32, #tpu.memory_space<vmem>>
      %dma_start3A_78 = arith.constant 0 : i32
      %dma_start3A_79 = tpu.memref_slice %arg9[%add3A_11, %dma_start3A_78] : memref<10240x128xf32, #tpu.memory_space<vmem_shared>> -> memref<64x128xf32, #tpu.memory_space<vmem_shared>>
      %dma_start3A_80 = arith.constant 0 : i32
      %dma_start3A_81 = tpu.memref_slice %arg9[%add3A_11, %dma_start3A_80] : memref<10240x128xf32, #tpu.memory_space<vmem_shared>> -> memref<64x128xf32, #tpu.memory_space<vmem_shared>>
      %dma_start3A_82 = arith.constant 0 : i32
      %dma_start3A_83 = arith.constant 0 : i32
      %dma_start3A_84 = tpu.memref_slice %arg8[%run_scoped3A_12, %dma_start3A_82, %dma_start3A_83] : memref<2x64x128xf32, #tpu.memory_space<vmem>> -> memref<1x64x128xf32, #tpu.memory_space<vmem>>
      %dma_start3A_85 = tpu.memref_squeeze %dma_start3A_84 : memref<1x64x128xf32, #tpu.memory_space<vmem>> -> memref<64x128xf32, #tpu.memory_space<vmem>>
      tpu.enqueue_dma source(%dma_start3A_85 : memref<64x128xf32, #tpu.memory_space<vmem>>) target(%dma_start3A_81 : memref<64x128xf32, #tpu.memory_space<vmem_shared>>) target_semaphore(%run_scoped3A_73 : memref<!tpu.dma_semaphore, #tpu.memory_space<semaphore_mem>>)
      %dma_wait3A = arith.constant 0 : i32
      %dma_wait3A_86 = arith.constant 0 : i32
      %dma_wait3A_87 = tpu.memref_slice %arg8[%run_scoped3A_12, %dma_wait3A, %dma_wait3A_86] : memref<2x64x128xf32, #tpu.memory_space<vmem>> -> memref<1x64x128xf32, #tpu.memory_space<vmem>>
      %dma_wait3A_88 = tpu.memref_squeeze %dma_wait3A_87 : memref<1x64x128xf32, #tpu.memory_space<vmem>> -> memref<64x128xf32, #tpu.memory_space<vmem>>
      %dma_wait3A_89 = arith.constant 0 : i32
      %dma_wait3A_90 = tpu.memref_slice %arg9[%add3A_11, %dma_wait3A_89] : memref<10240x128xf32, #tpu.memory_space<vmem_shared>> -> memref<64x128xf32, #tpu.memory_space<vmem_shared>>
      %dma_wait3A_91 = arith.constant 0 : i32
      %dma_wait3A_92 = tpu.memref_slice %arg9[%add3A_11, %dma_wait3A_91] : memref<10240x128xf32, #tpu.memory_space<vmem_shared>> -> memref<64x128xf32, #tpu.memory_space<vmem_shared>>
      %dma_wait3A_93 = arith.constant 0 : i32
      %dma_wait3A_94 = arith.constant 0 : i32
      %dma_wait3A_95 = tpu.memref_slice %arg8[%run_scoped3A_12, %dma_wait3A_93, %dma_wait3A_94] : memref<2x64x128xf32, #tpu.memory_space<vmem>> -> memref<1x64x128xf32, #tpu.memory_space<vmem>>
      %dma_wait3A_96 = tpu.memref_squeeze %dma_wait3A_95 : memref<1x64x128xf32, #tpu.memory_space<vmem>> -> memref<64x128xf32, #tpu.memory_space<vmem>>
      tpu.wait_dma2 semaphore(%run_scoped3A_73 : memref<!tpu.dma_semaphore, #tpu.memory_space<semaphore_mem>>) src(%dma_wait3A_96 : memref<64x128xf32, #tpu.memory_space<vmem>>) dst(%dma_wait3A_92 : memref<64x128xf32, #tpu.memory_space<vmem_shared>>)
      tpu.yield
    }) : () -> ()
    %add3A_13 = arith.constant 128 : i32
    %add3A_14 = arith.addi %mul3A_7, %add3A_13 : i32
    %run_scoped3A_15 = arith.constant 0 : i32
    "tpu.region"() ({
      %run_scoped3A_73 = tpu.sem_alloc : memref<!tpu.dma_semaphore, #tpu.memory_space<semaphore_mem>>
      %dma_start3A_74 = arith.constant 0 : i32
      %dma_start3A_75 = arith.constant 0 : i32
      %dma_start3A_76 = tpu.memref_slice %arg8[%run_scoped3A_15, %dma_start3A_74, %dma_start3A_75] : memref<2x64x128xf32, #tpu.memory_space<vmem>> -> memref<1x64x128xf32, #tpu.memory_space<vmem>>
      %dma_start3A_77 = tpu.memref_squeeze %dma_start3A_76 : memref<1x64x128xf32, #tpu.memory_space<vmem>> -> memref<64x128xf32, #tpu.memory_space<vmem>>
      %dma_start3A_78 = arith.constant 0 : i32
      %dma_start3A_79 = tpu.memref_slice %arg9[%add3A_14, %dma_start3A_78] : memref<10240x128xf32, #tpu.memory_space<vmem_shared>> -> memref<64x128xf32, #tpu.memory_space<vmem_shared>>
      %dma_start3A_80 = arith.constant 0 : i32
      %dma_start3A_81 = tpu.memref_slice %arg9[%add3A_14, %dma_start3A_80] : memref<10240x128xf32, #tpu.memory_space<vmem_shared>> -> memref<64x128xf32, #tpu.memory_space<vmem_shared>>
      %dma_start3A_82 = arith.constant 0 : i32
      %dma_start3A_83 = arith.constant 0 : i32
      %dma_start3A_84 = tpu.memref_slice %arg8[%run_scoped3A_15, %dma_start3A_82, %dma_start3A_83] : memref<2x64x128xf32, #tpu.memory_space<vmem>> -> memref<1x64x128xf32, #tpu.memory_space<vmem>>
      %dma_start3A_85 = tpu.memref_squeeze %dma_start3A_84 : memref<1x64x128xf32, #tpu.memory_space<vmem>> -> memref<64x128xf32, #tpu.memory_space<vmem>>
      tpu.enqueue_dma source(%dma_start3A_85 : memref<64x128xf32, #tpu.memory_space<vmem>>) target(%dma_start3A_81 : memref<64x128xf32, #tpu.memory_space<vmem_shared>>) target_semaphore(%run_scoped3A_73 : memref<!tpu.dma_semaphore, #tpu.memory_space<semaphore_mem>>)
      %dma_wait3A = arith.constant 0 : i32
      %dma_wait3A_86 = arith.constant 0 : i32
      %dma_wait3A_87 = tpu.memref_slice %arg8[%run_scoped3A_15, %dma_wait3A, %dma_wait3A_86] : memref<2x64x128xf32, #tpu.memory_space<vmem>> -> memref<1x64x128xf32, #tpu.memory_space<vmem>>
      %dma_wait3A_88 = tpu.memref_squeeze %dma_wait3A_87 : memref<1x64x128xf32, #tpu.memory_space<vmem>> -> memref<64x128xf32, #tpu.memory_space<vmem>>
      %dma_wait3A_89 = arith.constant 0 : i32
      %dma_wait3A_90 = tpu.memref_slice %arg9[%add3A_14, %dma_wait3A_89] : memref<10240x128xf32, #tpu.memory_space<vmem_shared>> -> memref<64x128xf32, #tpu.memory_space<vmem_shared>>
      %dma_wait3A_91 = arith.constant 0 : i32
      %dma_wait3A_92 = tpu.memref_slice %arg9[%add3A_14, %dma_wait3A_91] : memref<10240x128xf32, #tpu.memory_space<vmem_shared>> -> memref<64x128xf32, #tpu.memory_space<vmem_shared>>
      %dma_wait3A_93 = arith.constant 0 : i32
      %dma_wait3A_94 = arith.constant 0 : i32
      %dma_wait3A_95 = tpu.memref_slice %arg8[%run_scoped3A_15, %dma_wait3A_93, %dma_wait3A_94] : memref<2x64x128xf32, #tpu.memory_space<vmem>> -> memref<1x64x128xf32, #tpu.memory_space<vmem>>
      %dma_wait3A_96 = tpu.memref_squeeze %dma_wait3A_95 : memref<1x64x128xf32, #tpu.memory_space<vmem>> -> memref<64x128xf32, #tpu.memory_space<vmem>>
      tpu.wait_dma2 semaphore(%run_scoped3A_73 : memref<!tpu.dma_semaphore, #tpu.memory_space<semaphore_mem>>) src(%dma_wait3A_96 : memref<64x128xf32, #tpu.memory_space<vmem>>) dst(%dma_wait3A_92 : memref<64x128xf32, #tpu.memory_space<vmem_shared>>)
      tpu.yield
    }) : () -> ()
    %add3A_16 = arith.constant 192 : i32
    %add3A_17 = arith.addi %mul3A_7, %add3A_16 : i32
    %run_scoped3A_18 = arith.constant 0 : i32
    "tpu.region"() ({
      %run_scoped3A_73 = tpu.sem_alloc : memref<!tpu.dma_semaphore, #tpu.memory_space<semaphore_mem>>
      %dma_start3A_74 = arith.constant 0 : i32
      %dma_start3A_75 = arith.constant 0 : i32
      %dma_start3A_76 = tpu.memref_slice %arg8[%run_scoped3A_18, %dma_start3A_74, %dma_start3A_75] : memref<2x64x128xf32, #tpu.memory_space<vmem>> -> memref<1x64x128xf32, #tpu.memory_space<vmem>>
      %dma_start3A_77 = tpu.memref_squeeze %dma_start3A_76 : memref<1x64x128xf32, #tpu.memory_space<vmem>> -> memref<64x128xf32, #tpu.memory_space<vmem>>
      %dma_start3A_78 = arith.constant 0 : i32
      %dma_start3A_79 = tpu.memref_slice %arg9[%add3A_17, %dma_start3A_78] : memref<10240x128xf32, #tpu.memory_space<vmem_shared>> -> memref<64x128xf32, #tpu.memory_space<vmem_shared>>
      %dma_start3A_80 = arith.constant 0 : i32
      %dma_start3A_81 = tpu.memref_slice %arg9[%add3A_17, %dma_start3A_80] : memref<10240x128xf32, #tpu.memory_space<vmem_shared>> -> memref<64x128xf32, #tpu.memory_space<vmem_shared>>
      %dma_start3A_82 = arith.constant 0 : i32
      %dma_start3A_83 = arith.constant 0 : i32
      %dma_start3A_84 = tpu.memref_slice %arg8[%run_scoped3A_18, %dma_start3A_82, %dma_start3A_83] : memref<2x64x128xf32, #tpu.memory_space<vmem>> -> memref<1x64x128xf32, #tpu.memory_space<vmem>>
      %dma_start3A_85 = tpu.memref_squeeze %dma_start3A_84 : memref<1x64x128xf32, #tpu.memory_space<vmem>> -> memref<64x128xf32, #tpu.memory_space<vmem>>
      tpu.enqueue_dma source(%dma_start3A_85 : memref<64x128xf32, #tpu.memory_space<vmem>>) target(%dma_start3A_81 : memref<64x128xf32, #tpu.memory_space<vmem_shared>>) target_semaphore(%run_scoped3A_73 : memref<!tpu.dma_semaphore, #tpu.memory_space<semaphore_mem>>)
      %dma_wait3A = arith.constant 0 : i32
      %dma_wait3A_86 = arith.constant 0 : i32
      %dma_wait3A_87 = tpu.memref_slice %arg8[%run_scoped3A_18, %dma_wait3A, %dma_wait3A_86] : memref<2x64x128xf32, #tpu.memory_space<vmem>> -> memref<1x64x128xf32, #tpu.memory_space<vmem>>
      %dma_wait3A_88 = tpu.memref_squeeze %dma_wait3A_87 : memref<1x64x128xf32, #tpu.memory_space<vmem>> -> memref<64x128xf32, #tpu.memory_space<vmem>>
      %dma_wait3A_89 = arith.constant 0 : i32
      %dma_wait3A_90 = tpu.memref_slice %arg9[%add3A_17, %dma_wait3A_89] : memref<10240x128xf32, #tpu.memory_space<vmem_shared>> -> memref<64x128xf32, #tpu.memory_space<vmem_shared>>
      %dma_wait3A_91 = arith.constant 0 : i32
      %dma_wait3A_92 = tpu.memref_slice %arg9[%add3A_17, %dma_wait3A_91] : memref<10240x128xf32, #tpu.memory_space<vmem_shared>> -> memref<64x128xf32, #tpu.memory_space<vmem_shared>>
      %dma_wait3A_93 = arith.constant 0 : i32
      %dma_wait3A_94 = arith.constant 0 : i32
      %dma_wait3A_95 = tpu.memref_slice %arg8[%run_scoped3A_18, %dma_wait3A_93, %dma_wait3A_94] : memref<2x64x128xf32, #tpu.memory_space<vmem>> -> memref<1x64x128xf32, #tpu.memory_space<vmem>>
      %dma_wait3A_96 = tpu.memref_squeeze %dma_wait3A_95 : memref<1x64x128xf32, #tpu.memory_space<vmem>> -> memref<64x128xf32, #tpu.memory_space<vmem>>
      tpu.wait_dma2 semaphore(%run_scoped3A_73 : memref<!tpu.dma_semaphore, #tpu.memory_space<semaphore_mem>>) src(%dma_wait3A_96 : memref<64x128xf32, #tpu.memory_space<vmem>>) dst(%dma_wait3A_92 : memref<64x128xf32, #tpu.memory_space<vmem_shared>>)
      tpu.yield
    }) : () -> ()
    %add3A_19 = arith.constant 256 : i32
    %add3A_20 = arith.addi %mul3A_7, %add3A_19 : i32
    %run_scoped3A_21 = arith.constant 0 : i32
    "tpu.region"() ({
      %run_scoped3A_73 = tpu.sem_alloc : memref<!tpu.dma_semaphore, #tpu.memory_space<semaphore_mem>>
      %dma_start3A_74 = arith.constant 0 : i32
      %dma_start3A_75 = arith.constant 0 : i32
      %dma_start3A_76 = tpu.memref_slice %arg8[%run_scoped3A_21, %dma_start3A_74, %dma_start3A_75] : memref<2x64x128xf32, #tpu.memory_space<vmem>> -> memref<1x64x128xf32, #tpu.memory_space<vmem>>
      %dma_start3A_77 = tpu.memref_squeeze %dma_start3A_76 : memref<1x64x128xf32, #tpu.memory_space<vmem>> -> memref<64x128xf32, #tpu.memory_space<vmem>>
      %dma_start3A_78 = arith.constant 0 : i32
      %dma_start3A_79 = tpu.memref_slice %arg9[%add3A_20, %dma_start3A_78] : memref<10240x128xf32, #tpu.memory_space<vmem_shared>> -> memref<64x128xf32, #tpu.memory_space<vmem_shared>>
      %dma_start3A_80 = arith.constant 0 : i32
      %dma_start3A_81 = tpu.memref_slice %arg9[%add3A_20, %dma_start3A_80] : memref<10240x128xf32, #tpu.memory_space<vmem_shared>> -> memref<64x128xf32, #tpu.memory_space<vmem_shared>>
      %dma_start3A_82 = arith.constant 0 : i32
      %dma_start3A_83 = arith.constant 0 : i32
      %dma_start3A_84 = tpu.memref_slice %arg8[%run_scoped3A_21, %dma_start3A_82, %dma_start3A_83] : memref<2x64x128xf32, #tpu.memory_space<vmem>> -> memref<1x64x128xf32, #tpu.memory_space<vmem>>
      %dma_start3A_85 = tpu.memref_squeeze %dma_start3A_84 : memref<1x64x128xf32, #tpu.memory_space<vmem>> -> memref<64x128xf32, #tpu.memory_space<vmem>>
      tpu.enqueue_dma source(%dma_start3A_85 : memref<64x128xf32, #tpu.memory_space<vmem>>) target(%dma_start3A_81 : memref<64x128xf32, #tpu.memory_space<vmem_shared>>) target_semaphore(%run_scoped3A_73 : memref<!tpu.dma_semaphore, #tpu.memory_space<semaphore_mem>>)
      %dma_wait3A = arith.constant 0 : i32
      %dma_wait3A_86 = arith.constant 0 : i32
      %dma_wait3A_87 = tpu.memref_slice %arg8[%run_scoped3A_21, %dma_wait3A, %dma_wait3A_86] : memref<2x64x128xf32, #tpu.memory_space<vmem>> -> memref<1x64x128xf32, #tpu.memory_space<vmem>>
      %dma_wait3A_88 = tpu.memref_squeeze %dma_wait3A_87 : memref<1x64x128xf32, #tpu.memory_space<vmem>> -> memref<64x128xf32, #tpu.memory_space<vmem>>
      %dma_wait3A_89 = arith.constant 0 : i32
      %dma_wait3A_90 = tpu.memref_slice %arg9[%add3A_20, %dma_wait3A_89] : memref<10240x128xf32, #tpu.memory_space<vmem_shared>> -> memref<64x128xf32, #tpu.memory_space<vmem_shared>>
      %dma_wait3A_91 = arith.constant 0 : i32
      %dma_wait3A_92 = tpu.memref_slice %arg9[%add3A_20, %dma_wait3A_91] : memref<10240x128xf32, #tpu.memory_space<vmem_shared>> -> memref<64x128xf32, #tpu.memory_space<vmem_shared>>
      %dma_wait3A_93 = arith.constant 0 : i32
      %dma_wait3A_94 = arith.constant 0 : i32
      %dma_wait3A_95 = tpu.memref_slice %arg8[%run_scoped3A_21, %dma_wait3A_93, %dma_wait3A_94] : memref<2x64x128xf32, #tpu.memory_space<vmem>> -> memref<1x64x128xf32, #tpu.memory_space<vmem>>
      %dma_wait3A_96 = tpu.memref_squeeze %dma_wait3A_95 : memref<1x64x128xf32, #tpu.memory_space<vmem>> -> memref<64x128xf32, #tpu.memory_space<vmem>>
      tpu.wait_dma2 semaphore(%run_scoped3A_73 : memref<!tpu.dma_semaphore, #tpu.memory_space<semaphore_mem>>) src(%dma_wait3A_96 : memref<64x128xf32, #tpu.memory_space<vmem>>) dst(%dma_wait3A_92 : memref<64x128xf32, #tpu.memory_space<vmem_shared>>)
      tpu.yield
    }) : () -> ()
    %add3A_22 = arith.constant 320 : i32
    %add3A_23 = arith.addi %mul3A_7, %add3A_22 : i32
    %run_scoped3A_24 = arith.constant 0 : i32
    "tpu.region"() ({
      %run_scoped3A_73 = tpu.sem_alloc : memref<!tpu.dma_semaphore, #tpu.memory_space<semaphore_mem>>
      %dma_start3A_74 = arith.constant 0 : i32
      %dma_start3A_75 = arith.constant 0 : i32
      %dma_start3A_76 = tpu.memref_slice %arg8[%run_scoped3A_24, %dma_start3A_74, %dma_start3A_75] : memref<2x64x128xf32, #tpu.memory_space<vmem>> -> memref<1x64x128xf32, #tpu.memory_space<vmem>>
      %dma_start3A_77 = tpu.memref_squeeze %dma_start3A_76 : memref<1x64x128xf32, #tpu.memory_space<vmem>> -> memref<64x128xf32, #tpu.memory_space<vmem>>
      %dma_start3A_78 = arith.constant 0 : i32
      %dma_start3A_79 = tpu.memref_slice %arg9[%add3A_23, %dma_start3A_78] : memref<10240x128xf32, #tpu.memory_space<vmem_shared>> -> memref<64x128xf32, #tpu.memory_space<vmem_shared>>
      %dma_start3A_80 = arith.constant 0 : i32
      %dma_start3A_81 = tpu.memref_slice %arg9[%add3A_23, %dma_start3A_80] : memref<10240x128xf32, #tpu.memory_space<vmem_shared>> -> memref<64x128xf32, #tpu.memory_space<vmem_shared>>
      %dma_start3A_82 = arith.constant 0 : i32
      %dma_start3A_83 = arith.constant 0 : i32
      %dma_start3A_84 = tpu.memref_slice %arg8[%run_scoped3A_24, %dma_start3A_82, %dma_start3A_83] : memref<2x64x128xf32, #tpu.memory_space<vmem>> -> memref<1x64x128xf32, #tpu.memory_space<vmem>>
      %dma_start3A_85 = tpu.memref_squeeze %dma_start3A_84 : memref<1x64x128xf32, #tpu.memory_space<vmem>> -> memref<64x128xf32, #tpu.memory_space<vmem>>
      tpu.enqueue_dma source(%dma_start3A_85 : memref<64x128xf32, #tpu.memory_space<vmem>>) target(%dma_start3A_81 : memref<64x128xf32, #tpu.memory_space<vmem_shared>>) target_semaphore(%run_scoped3A_73 : memref<!tpu.dma_semaphore, #tpu.memory_space<semaphore_mem>>)
      %dma_wait3A = arith.constant 0 : i32
      %dma_wait3A_86 = arith.constant 0 : i32
      %dma_wait3A_87 = tpu.memref_slice %arg8[%run_scoped3A_24, %dma_wait3A, %dma_wait3A_86] : memref<2x64x128xf32, #tpu.memory_space<vmem>> -> memref<1x64x128xf32, #tpu.memory_space<vmem>>
      %dma_wait3A_88 = tpu.memref_squeeze %dma_wait3A_87 : memref<1x64x128xf32, #tpu.memory_space<vmem>> -> memref<64x128xf32, #tpu.memory_space<vmem>>
      %dma_wait3A_89 = arith.constant 0 : i32
      %dma_wait3A_90 = tpu.memref_slice %arg9[%add3A_23, %dma_wait3A_89] : memref<10240x128xf32, #tpu.memory_space<vmem_shared>> -> memref<64x128xf32, #tpu.memory_space<vmem_shared>>
      %dma_wait3A_91 = arith.constant 0 : i32
      %dma_wait3A_92 = tpu.memref_slice %arg9[%add3A_23, %dma_wait3A_91] : memref<10240x128xf32, #tpu.memory_space<vmem_shared>> -> memref<64x128xf32, #tpu.memory_space<vmem_shared>>
      %dma_wait3A_93 = arith.constant 0 : i32
      %dma_wait3A_94 = arith.constant 0 : i32
      %dma_wait3A_95 = tpu.memref_slice %arg8[%run_scoped3A_24, %dma_wait3A_93, %dma_wait3A_94] : memref<2x64x128xf32, #tpu.memory_space<vmem>> -> memref<1x64x128xf32, #tpu.memory_space<vmem>>
      %dma_wait3A_96 = tpu.memref_squeeze %dma_wait3A_95 : memref<1x64x128xf32, #tpu.memory_space<vmem>> -> memref<64x128xf32, #tpu.memory_space<vmem>>
      tpu.wait_dma2 semaphore(%run_scoped3A_73 : memref<!tpu.dma_semaphore, #tpu.memory_space<semaphore_mem>>) src(%dma_wait3A_96 : memref<64x128xf32, #tpu.memory_space<vmem>>) dst(%dma_wait3A_92 : memref<64x128xf32, #tpu.memory_space<vmem_shared>>)
      tpu.yield
    }) : () -> ()
    %add3A_25 = arith.constant 384 : i32
    %add3A_26 = arith.addi %mul3A_7, %add3A_25 : i32
    %run_scoped3A_27 = arith.constant 0 : i32
    "tpu.region"() ({
      %run_scoped3A_73 = tpu.sem_alloc : memref<!tpu.dma_semaphore, #tpu.memory_space<semaphore_mem>>
      %dma_start3A_74 = arith.constant 0 : i32
      %dma_start3A_75 = arith.constant 0 : i32
      %dma_start3A_76 = tpu.memref_slice %arg8[%run_scoped3A_27, %dma_start3A_74, %dma_start3A_75] : memref<2x64x128xf32, #tpu.memory_space<vmem>> -> memref<1x64x128xf32, #tpu.memory_space<vmem>>
      %dma_start3A_77 = tpu.memref_squeeze %dma_start3A_76 : memref<1x64x128xf32, #tpu.memory_space<vmem>> -> memref<64x128xf32, #tpu.memory_space<vmem>>
      %dma_start3A_78 = arith.constant 0 : i32
      %dma_start3A_79 = tpu.memref_slice %arg9[%add3A_26, %dma_start3A_78] : memref<10240x128xf32, #tpu.memory_space<vmem_shared>> -> memref<64x128xf32, #tpu.memory_space<vmem_shared>>
      %dma_start3A_80 = arith.constant 0 : i32
      %dma_start3A_81 = tpu.memref_slice %arg9[%add3A_26, %dma_start3A_80] : memref<10240x128xf32, #tpu.memory_space<vmem_shared>> -> memref<64x128xf32, #tpu.memory_space<vmem_shared>>
      %dma_start3A_82 = arith.constant 0 : i32
      %dma_start3A_83 = arith.constant 0 : i32
      %dma_start3A_84 = tpu.memref_slice %arg8[%run_scoped3A_27, %dma_start3A_82, %dma_start3A_83] : memref<2x64x128xf32, #tpu.memory_space<vmem>> -> memref<1x64x128xf32, #tpu.memory_space<vmem>>
      %dma_start3A_85 = tpu.memref_squeeze %dma_start3A_84 : memref<1x64x128xf32, #tpu.memory_space<vmem>> -> memref<64x128xf32, #tpu.memory_space<vmem>>
      tpu.enqueue_dma source(%dma_start3A_85 : memref<64x128xf32, #tpu.memory_space<vmem>>) target(%dma_start3A_81 : memref<64x128xf32, #tpu.memory_space<vmem_shared>>) target_semaphore(%run_scoped3A_73 : memref<!tpu.dma_semaphore, #tpu.memory_space<semaphore_mem>>)
      %dma_wait3A = arith.constant 0 : i32
      %dma_wait3A_86 = arith.constant 0 : i32
      %dma_wait3A_87 = tpu.memref_slice %arg8[%run_scoped3A_27, %dma_wait3A, %dma_wait3A_86] : memref<2x64x128xf32, #tpu.memory_space<vmem>> -> memref<1x64x128xf32, #tpu.memory_space<vmem>>
      %dma_wait3A_88 = tpu.memref_squeeze %dma_wait3A_87 : memref<1x64x128xf32, #tpu.memory_space<vmem>> -> memref<64x128xf32, #tpu.memory_space<vmem>>
      %dma_wait3A_89 = arith.constant 0 : i32
      %dma_wait3A_90 = tpu.memref_slice %arg9[%add3A_26, %dma_wait3A_89] : memref<10240x128xf32, #tpu.memory_space<vmem_shared>> -> memref<64x128xf32, #tpu.memory_space<vmem_shared>>
      %dma_wait3A_91 = arith.constant 0 : i32
      %dma_wait3A_92 = tpu.memref_slice %arg9[%add3A_26, %dma_wait3A_91] : memref<10240x128xf32, #tpu.memory_space<vmem_shared>> -> memref<64x128xf32, #tpu.memory_space<vmem_shared>>
      %dma_wait3A_93 = arith.constant 0 : i32
      %dma_wait3A_94 = arith.constant 0 : i32
      %dma_wait3A_95 = tpu.memref_slice %arg8[%run_scoped3A_27, %dma_wait3A_93, %dma_wait3A_94] : memref<2x64x128xf32, #tpu.memory_space<vmem>> -> memref<1x64x128xf32, #tpu.memory_space<vmem>>
      %dma_wait3A_96 = tpu.memref_squeeze %dma_wait3A_95 : memref<1x64x128xf32, #tpu.memory_space<vmem>> -> memref<64x128xf32, #tpu.memory_space<vmem>>
      tpu.wait_dma2 semaphore(%run_scoped3A_73 : memref<!tpu.dma_semaphore, #tpu.memory_space<semaphore_mem>>) src(%dma_wait3A_96 : memref<64x128xf32, #tpu.memory_space<vmem>>) dst(%dma_wait3A_92 : memref<64x128xf32, #tpu.memory_space<vmem_shared>>)
      tpu.yield
    }) : () -> ()
    %add3A_28 = arith.constant 448 : i32
    %add3A_29 = arith.addi %mul3A_7, %add3A_28 : i32
    %run_scoped3A_30 = arith.constant 0 : i32
    "tpu.region"() ({
      %run_scoped3A_73 = tpu.sem_alloc : memref<!tpu.dma_semaphore, #tpu.memory_space<semaphore_mem>>
      %dma_start3A_74 = arith.constant 0 : i32
      %dma_start3A_75 = arith.constant 0 : i32
      %dma_start3A_76 = tpu.memref_slice %arg8[%run_scoped3A_30, %dma_start3A_74, %dma_start3A_75] : memref<2x64x128xf32, #tpu.memory_space<vmem>> -> memref<1x64x128xf32, #tpu.memory_space<vmem>>
      %dma_start3A_77 = tpu.memref_squeeze %dma_start3A_76 : memref<1x64x128xf32, #tpu.memory_space<vmem>> -> memref<64x128xf32, #tpu.memory_space<vmem>>
      %dma_start3A_78 = arith.constant 0 : i32
      %dma_start3A_79 = tpu.memref_slice %arg9[%add3A_29, %dma_start3A_78] : memref<10240x128xf32, #tpu.memory_space<vmem_shared>> -> memref<64x128xf32, #tpu.memory_space<vmem_shared>>
      %dma_start3A_80 = arith.constant 0 : i32
      %dma_start3A_81 = tpu.memref_slice %arg9[%add3A_29, %dma_start3A_80] : memref<10240x128xf32, #tpu.memory_space<vmem_shared>> -> memref<64x128xf32, #tpu.memory_space<vmem_shared>>
      %dma_start3A_82 = arith.constant 0 : i32
      %dma_start3A_83 = arith.constant 0 : i32
      %dma_start3A_84 = tpu.memref_slice %arg8[%run_scoped3A_30, %dma_start3A_82, %dma_start3A_83] : memref<2x64x128xf32, #tpu.memory_space<vmem>> -> memref<1x64x128xf32, #tpu.memory_space<vmem>>
      %dma_start3A_85 = tpu.memref_squeeze %dma_start3A_84 : memref<1x64x128xf32, #tpu.memory_space<vmem>> -> memref<64x128xf32, #tpu.memory_space<vmem>>
      tpu.enqueue_dma source(%dma_start3A_85 : memref<64x128xf32, #tpu.memory_space<vmem>>) target(%dma_start3A_81 : memref<64x128xf32, #tpu.memory_space<vmem_shared>>) target_semaphore(%run_scoped3A_73 : memref<!tpu.dma_semaphore, #tpu.memory_space<semaphore_mem>>)
      %dma_wait3A = arith.constant 0 : i32
      %dma_wait3A_86 = arith.constant 0 : i32
      %dma_wait3A_87 = tpu.memref_slice %arg8[%run_scoped3A_30, %dma_wait3A, %dma_wait3A_86] : memref<2x64x128xf32, #tpu.memory_space<vmem>> -> memref<1x64x128xf32, #tpu.memory_space<vmem>>
      %dma_wait3A_88 = tpu.memref_squeeze %dma_wait3A_87 : memref<1x64x128xf32, #tpu.memory_space<vmem>> -> memref<64x128xf32, #tpu.memory_space<vmem>>
      %dma_wait3A_89 = arith.constant 0 : i32
      %dma_wait3A_90 = tpu.memref_slice %arg9[%add3A_29, %dma_wait3A_89] : memref<10240x128xf32, #tpu.memory_space<vmem_shared>> -> memref<64x128xf32, #tpu.memory_space<vmem_shared>>
      %dma_wait3A_91 = arith.constant 0 : i32
      %dma_wait3A_92 = tpu.memref_slice %arg9[%add3A_29, %dma_wait3A_91] : memref<10240x128xf32, #tpu.memory_space<vmem_shared>> -> memref<64x128xf32, #tpu.memory_space<vmem_shared>>
      %dma_wait3A_93 = arith.constant 0 : i32
      %dma_wait3A_94 = arith.constant 0 : i32
      %dma_wait3A_95 = tpu.memref_slice %arg8[%run_scoped3A_30, %dma_wait3A_93, %dma_wait3A_94] : memref<2x64x128xf32, #tpu.memory_space<vmem>> -> memref<1x64x128xf32, #tpu.memory_space<vmem>>
      %dma_wait3A_96 = tpu.memref_squeeze %dma_wait3A_95 : memref<1x64x128xf32, #tpu.memory_space<vmem>> -> memref<64x128xf32, #tpu.memory_space<vmem>>
      tpu.wait_dma2 semaphore(%run_scoped3A_73 : memref<!tpu.dma_semaphore, #tpu.memory_space<semaphore_mem>>) src(%dma_wait3A_96 : memref<64x128xf32, #tpu.memory_space<vmem>>) dst(%dma_wait3A_92 : memref<64x128xf32, #tpu.memory_space<vmem_shared>>)
      tpu.yield
    }) : () -> ()
    %add3A_31 = arith.constant 512 : i32
    %add3A_32 = arith.addi %mul3A_7, %add3A_31 : i32
    %run_scoped3A_33 = arith.constant 0 : i32
    "tpu.region"() ({
      %run_scoped3A_73 = tpu.sem_alloc : memref<!tpu.dma_semaphore, #tpu.memory_space<semaphore_mem>>
      %dma_start3A_74 = arith.constant 0 : i32
      %dma_start3A_75 = arith.constant 0 : i32
      %dma_start3A_76 = tpu.memref_slice %arg8[%run_scoped3A_33, %dma_start3A_74, %dma_start3A_75] : memref<2x64x128xf32, #tpu.memory_space<vmem>> -> memref<1x64x128xf32, #tpu.memory_space<vmem>>
      %dma_start3A_77 = tpu.memref_squeeze %dma_start3A_76 : memref<1x64x128xf32, #tpu.memory_space<vmem>> -> memref<64x128xf32, #tpu.memory_space<vmem>>
      %dma_start3A_78 = arith.constant 0 : i32
      %dma_start3A_79 = tpu.memref_slice %arg9[%add3A_32, %dma_start3A_78] : memref<10240x128xf32, #tpu.memory_space<vmem_shared>> -> memref<64x128xf32, #tpu.memory_space<vmem_shared>>
      %dma_start3A_80 = arith.constant 0 : i32
      %dma_start3A_81 = tpu.memref_slice %arg9[%add3A_32, %dma_start3A_80] : memref<10240x128xf32, #tpu.memory_space<vmem_shared>> -> memref<64x128xf32, #tpu.memory_space<vmem_shared>>
      %dma_start3A_82 = arith.constant 0 : i32
      %dma_start3A_83 = arith.constant 0 : i32
      %dma_start3A_84 = tpu.memref_slice %arg8[%run_scoped3A_33, %dma_start3A_82, %dma_start3A_83] : memref<2x64x128xf32, #tpu.memory_space<vmem>> -> memref<1x64x128xf32, #tpu.memory_space<vmem>>
      %dma_start3A_85 = tpu.memref_squeeze %dma_start3A_84 : memref<1x64x128xf32, #tpu.memory_space<vmem>> -> memref<64x128xf32, #tpu.memory_space<vmem>>
      tpu.enqueue_dma source(%dma_start3A_85 : memref<64x128xf32, #tpu.memory_space<vmem>>) target(%dma_start3A_81 : memref<64x128xf32, #tpu.memory_space<vmem_shared>>) target_semaphore(%run_scoped3A_73 : memref<!tpu.dma_semaphore, #tpu.memory_space<semaphore_mem>>)
      %dma_wait3A = arith.constant 0 : i32
      %dma_wait3A_86 = arith.constant 0 : i32
      %dma_wait3A_87 = tpu.memref_slice %arg8[%run_scoped3A_33, %dma_wait3A, %dma_wait3A_86] : memref<2x64x128xf32, #tpu.memory_space<vmem>> -> memref<1x64x128xf32, #tpu.memory_space<vmem>>
      %dma_wait3A_88 = tpu.memref_squeeze %dma_wait3A_87 : memref<1x64x128xf32, #tpu.memory_space<vmem>> -> memref<64x128xf32, #tpu.memory_space<vmem>>
      %dma_wait3A_89 = arith.constant 0 : i32
      %dma_wait3A_90 = tpu.memref_slice %arg9[%add3A_32, %dma_wait3A_89] : memref<10240x128xf32, #tpu.memory_space<vmem_shared>> -> memref<64x128xf32, #tpu.memory_space<vmem_shared>>
      %dma_wait3A_91 = arith.constant 0 : i32
      %dma_wait3A_92 = tpu.memref_slice %arg9[%add3A_32, %dma_wait3A_91] : memref<10240x128xf32, #tpu.memory_space<vmem_shared>> -> memref<64x128xf32, #tpu.memory_space<vmem_shared>>
      %dma_wait3A_93 = arith.constant 0 : i32
      %dma_wait3A_94 = arith.constant 0 : i32
      %dma_wait3A_95 = tpu.memref_slice %arg8[%run_scoped3A_33, %dma_wait3A_93, %dma_wait3A_94] : memref<2x64x128xf32, #tpu.memory_space<vmem>> -> memref<1x64x128xf32, #tpu.memory_space<vmem>>
      %dma_wait3A_96 = tpu.memref_squeeze %dma_wait3A_95 : memref<1x64x128xf32, #tpu.memory_space<vmem>> -> memref<64x128xf32, #tpu.memory_space<vmem>>
      tpu.wait_dma2 semaphore(%run_scoped3A_73 : memref<!tpu.dma_semaphore, #tpu.memory_space<semaphore_mem>>) src(%dma_wait3A_96 : memref<64x128xf32, #tpu.memory_space<vmem>>) dst(%dma_wait3A_92 : memref<64x128xf32, #tpu.memory_space<vmem_shared>>)
      tpu.yield
    }) : () -> ()
    %add3A_34 = arith.constant 576 : i32
    %add3A_35 = arith.addi %mul3A_7, %add3A_34 : i32
    %run_scoped3A_36 = arith.constant 0 : i32
    "tpu.region"() ({
      %run_scoped3A_73 = tpu.sem_alloc : memref<!tpu.dma_semaphore, #tpu.memory_space<semaphore_mem>>
      %dma_start3A_74 = arith.constant 0 : i32
      %dma_start3A_75 = arith.constant 0 : i32
      %dma_start3A_76 = tpu.memref_slice %arg8[%run_scoped3A_36, %dma_start3A_74, %dma_start3A_75] : memref<2x64x128xf32, #tpu.memory_space<vmem>> -> memref<1x64x128xf32, #tpu.memory_space<vmem>>
      %dma_start3A_77 = tpu.memref_squeeze %dma_start3A_76 : memref<1x64x128xf32, #tpu.memory_space<vmem>> -> memref<64x128xf32, #tpu.memory_space<vmem>>
      %dma_start3A_78 = arith.constant 0 : i32
      %dma_start3A_79 = tpu.memref_slice %arg9[%add3A_35, %dma_start3A_78] : memref<10240x128xf32, #tpu.memory_space<vmem_shared>> -> memref<64x128xf32, #tpu.memory_space<vmem_shared>>
      %dma_start3A_80 = arith.constant 0 : i32
      %dma_start3A_81 = tpu.memref_slice %arg9[%add3A_35, %dma_start3A_80] : memref<10240x128xf32, #tpu.memory_space<vmem_shared>> -> memref<64x128xf32, #tpu.memory_space<vmem_shared>>
      %dma_start3A_82 = arith.constant 0 : i32
      %dma_start3A_83 = arith.constant 0 : i32
      %dma_start3A_84 = tpu.memref_slice %arg8[%run_scoped3A_36, %dma_start3A_82, %dma_start3A_83] : memref<2x64x128xf32, #tpu.memory_space<vmem>> -> memref<1x64x128xf32, #tpu.memory_space<vmem>>
      %dma_start3A_85 = tpu.memref_squeeze %dma_start3A_84 : memref<1x64x128xf32, #tpu.memory_space<vmem>> -> memref<64x128xf32, #tpu.memory_space<vmem>>
      tpu.enqueue_dma source(%dma_start3A_85 : memref<64x128xf32, #tpu.memory_space<vmem>>) target(%dma_start3A_81 : memref<64x128xf32, #tpu.memory_space<vmem_shared>>) target_semaphore(%run_scoped3A_73 : memref<!tpu.dma_semaphore, #tpu.memory_space<semaphore_mem>>)
      %dma_wait3A = arith.constant 0 : i32
      %dma_wait3A_86 = arith.constant 0 : i32
      %dma_wait3A_87 = tpu.memref_slice %arg8[%run_scoped3A_36, %dma_wait3A, %dma_wait3A_86] : memref<2x64x128xf32, #tpu.memory_space<vmem>> -> memref<1x64x128xf32, #tpu.memory_space<vmem>>
      %dma_wait3A_88 = tpu.memref_squeeze %dma_wait3A_87 : memref<1x64x128xf32, #tpu.memory_space<vmem>> -> memref<64x128xf32, #tpu.memory_space<vmem>>
      %dma_wait3A_89 = arith.constant 0 : i32
      %dma_wait3A_90 = tpu.memref_slice %arg9[%add3A_35, %dma_wait3A_89] : memref<10240x128xf32, #tpu.memory_space<vmem_shared>> -> memref<64x128xf32, #tpu.memory_space<vmem_shared>>
      %dma_wait3A_91 = arith.constant 0 : i32
      %dma_wait3A_92 = tpu.memref_slice %arg9[%add3A_35, %dma_wait3A_91] : memref<10240x128xf32, #tpu.memory_space<vmem_shared>> -> memref<64x128xf32, #tpu.memory_space<vmem_shared>>
      %dma_wait3A_93 = arith.constant 0 : i32
      %dma_wait3A_94 = arith.constant 0 : i32
      %dma_wait3A_95 = tpu.memref_slice %arg8[%run_scoped3A_36, %dma_wait3A_93, %dma_wait3A_94] : memref<2x64x128xf32, #tpu.memory_space<vmem>> -> memref<1x64x128xf32, #tpu.memory_space<vmem>>
      %dma_wait3A_96 = tpu.memref_squeeze %dma_wait3A_95 : memref<1x64x128xf32, #tpu.memory_space<vmem>> -> memref<64x128xf32, #tpu.memory_space<vmem>>
      tpu.wait_dma2 semaphore(%run_scoped3A_73 : memref<!tpu.dma_semaphore, #tpu.memory_space<semaphore_mem>>) src(%dma_wait3A_96 : memref<64x128xf32, #tpu.memory_space<vmem>>) dst(%dma_wait3A_92 : memref<64x128xf32, #tpu.memory_space<vmem_shared>>)
      tpu.yield
    }) : () -> ()
    %barrier3A = arith.constant 0 : index
    tpu.barrier barrier_id(%barrier3A)
    "tpu.region"() ({
      %run_scoped3A_73 = tpu.sem_alloc : memref<!tpu.dma_semaphore, #tpu.memory_space<semaphore_mem>>
      %dma_start3A_74 = arith.constant 0 : i32
      %dma_start3A_75 = arith.constant 0 : i32
      %dma_start3A_76 = tpu.memref_slice %arg3[%add3A, %dma_start3A_74, %dma_start3A_75] : memref<32x160x64xi32, #tpu.memory_space<hbm>> -> memref<1x80x64xi32, #tpu.memory_space<hbm>>
      %dma_start3A_77 = tpu.memref_squeeze %dma_start3A_76 : memref<1x80x64xi32, #tpu.memory_space<hbm>> -> memref<80x64xi32, #tpu.memory_space<hbm>>
      %dma_start3A_78 = arith.constant 0 : i32
      %dma_start3A_79 = arith.constant 0 : i32
      %dma_start3A_80 = tpu.memref_slice %arg3[%add3A, %dma_start3A_78, %dma_start3A_79] : memref<32x160x64xi32, #tpu.memory_space<hbm>> -> memref<1x80x64xi32, #tpu.memory_space<hbm>>
      %dma_start3A_81 = tpu.memref_squeeze %dma_start3A_80 : memref<1x80x64xi32, #tpu.memory_space<hbm>> -> memref<80x64xi32, #tpu.memory_space<hbm>>
      tpu.enqueue_dma source(%dma_start3A_81 : memref<80x64xi32, #tpu.memory_space<hbm>>) target(%arg6 : memref<80x64xi32, #tpu.memory_space<vmem>>) target_semaphore(%run_scoped3A_73 : memref<!tpu.dma_semaphore, #tpu.memory_space<semaphore_mem>>)
      %dma_wait3A = arith.constant 0 : i32
      %dma_wait3A_82 = arith.constant 0 : i32
      %dma_wait3A_83 = tpu.memref_slice %arg3[%add3A, %dma_wait3A, %dma_wait3A_82] : memref<32x160x64xi32, #tpu.memory_space<hbm>> -> memref<1x80x64xi32, #tpu.memory_space<hbm>>
      %dma_wait3A_84 = tpu.memref_squeeze %dma_wait3A_83 : memref<1x80x64xi32, #tpu.memory_space<hbm>> -> memref<80x64xi32, #tpu.memory_space<hbm>>
      %dma_wait3A_85 = arith.constant 0 : i32
      %dma_wait3A_86 = arith.constant 0 : i32
      %dma_wait3A_87 = tpu.memref_slice %arg3[%add3A, %dma_wait3A_85, %dma_wait3A_86] : memref<32x160x64xi32, #tpu.memory_space<hbm>> -> memref<1x80x64xi32, #tpu.memory_space<hbm>>
      %dma_wait3A_88 = tpu.memref_squeeze %dma_wait3A_87 : memref<1x80x64xi32, #tpu.memory_space<hbm>> -> memref<80x64xi32, #tpu.memory_space<hbm>>
      tpu.wait_dma2 semaphore(%run_scoped3A_73 : memref<!tpu.dma_semaphore, #tpu.memory_space<semaphore_mem>>) src(%dma_wait3A_88 : memref<80x64xi32, #tpu.memory_space<hbm>>) dst(%arg6 : memref<80x64xi32, #tpu.memory_space<vmem>>)
      tpu.yield
    }) : () -> ()
    "tpu.region"() ({
      %run_scoped3A_73 = tpu.sem_alloc : memref<!tpu.dma_semaphore, #tpu.memory_space<semaphore_mem>>
      %dma_start3A_74 = arith.constant 0 : i32
      %dma_start3A_75 = arith.constant 0 : i32
      %dma_start3A_76 = tpu.memref_slice %arg4[%add3A, %dma_start3A_74, %dma_start3A_75] : memref<32x160x64xi32, #tpu.memory_space<hbm>> -> memref<1x80x64xi32, #tpu.memory_space<hbm>>
      %dma_start3A_77 = tpu.memref_squeeze %dma_start3A_76 : memref<1x80x64xi32, #tpu.memory_space<hbm>> -> memref<80x64xi32, #tpu.memory_space<hbm>>
      %dma_start3A_78 = arith.constant 0 : i32
      %dma_start3A_79 = arith.constant 0 : i32
      %dma_start3A_80 = tpu.memref_slice %arg4[%add3A, %dma_start3A_78, %dma_start3A_79] : memref<32x160x64xi32, #tpu.memory_space<hbm>> -> memref<1x80x64xi32, #tpu.memory_space<hbm>>
      %dma_start3A_81 = tpu.memref_squeeze %dma_start3A_80 : memref<1x80x64xi32, #tpu.memory_space<hbm>> -> memref<80x64xi32, #tpu.memory_space<hbm>>
      tpu.enqueue_dma source(%dma_start3A_81 : memref<80x64xi32, #tpu.memory_space<hbm>>) target(%arg7 : memref<80x64xi32, #tpu.memory_space<vmem>>) target_semaphore(%run_scoped3A_73 : memref<!tpu.dma_semaphore, #tpu.memory_space<semaphore_mem>>)
      %dma_wait3A = arith.constant 0 : i32
      %dma_wait3A_82 = arith.constant 0 : i32
      %dma_wait3A_83 = tpu.memref_slice %arg4[%add3A, %dma_wait3A, %dma_wait3A_82] : memref<32x160x64xi32, #tpu.memory_space<hbm>> -> memref<1x80x64xi32, #tpu.memory_space<hbm>>
      %dma_wait3A_84 = tpu.memref_squeeze %dma_wait3A_83 : memref<1x80x64xi32, #tpu.memory_space<hbm>> -> memref<80x64xi32, #tpu.memory_space<hbm>>
      %dma_wait3A_85 = arith.constant 0 : i32
      %dma_wait3A_86 = arith.constant 0 : i32
      %dma_wait3A_87 = tpu.memref_slice %arg4[%add3A, %dma_wait3A_85, %dma_wait3A_86] : memref<32x160x64xi32, #tpu.memory_space<hbm>> -> memref<1x80x64xi32, #tpu.memory_space<hbm>>
      %dma_wait3A_88 = tpu.memref_squeeze %dma_wait3A_87 : memref<1x80x64xi32, #tpu.memory_space<hbm>> -> memref<80x64xi32, #tpu.memory_space<hbm>>
      tpu.wait_dma2 semaphore(%run_scoped3A_73 : memref<!tpu.dma_semaphore, #tpu.memory_space<semaphore_mem>>) src(%dma_wait3A_88 : memref<80x64xi32, #tpu.memory_space<hbm>>) dst(%arg7 : memref<80x64xi32, #tpu.memory_space<vmem>>)
      tpu.yield
    }) : () -> ()
    %dma_start3A = arith.constant 0 : i32
    %dma_start3A_37 = arith.constant 0 : i32
    %dma_start3A_38 = arith.constant 0 : i32
    %dma_start3A_39 = arith.constant 0 : i32
    %dma_start3A_40 = tpu.memref_slice %arg8[%dma_start3A_37, %dma_start3A_38, %dma_start3A_39] : memref<2x64x128xf32, #tpu.memory_space<vmem>> -> memref<1x64x128xf32, #tpu.memory_space<vmem>>
    %dma_start3A_41 = tpu.memref_squeeze %dma_start3A_40 : memref<1x64x128xf32, #tpu.memory_space<vmem>> -> memref<64x128xf32, #tpu.memory_space<vmem>>
    %dma_start3A_42 = arith.constant 0 : i32
    %dma_start3A_43 = tpu.memref_slice %arg6[%dma_start3A, %dma_start3A_42] : memref<80x64xi32, #tpu.memory_space<vmem>> -> memref<1x64xi32, #tpu.memory_space<vmem>>
    %dma_start3A_44 = tpu.memref_squeeze %dma_start3A_43 : memref<1x64xi32, #tpu.memory_space<vmem>> -> memref<64xi32, #tpu.memory_space<vmem>>
    %dma_start3A_45 = arith.constant 0 : i32
    %dma_start3A_46 = arith.constant 0 : i32
    %dma_start3A_47 = tpu.memref_slice %arg2[%dma_start3A_45, %dma_start3A_46] : memref<10240x128xf32, #tpu.memory_space<hbm>> -> memref<10240x128xf32, #tpu.memory_space<hbm>>
    tpu.enqueue_indirect_dma source(%dma_start3A_47 : memref<10240x128xf32, #tpu.memory_space<hbm>>) target(%dma_start3A_41 : memref<64x128xf32, #tpu.memory_space<vmem>>) offsets(%dma_start3A_44 : memref<64xi32, #tpu.memory_space<vmem>>) semaphore(%arg10 : memref<!tpu.dma_semaphore, #tpu.memory_space<semaphore_mem>>)
    %scan3A_48 = arith.constant 0 : i32
    %scan3A_49 = arith.constant 0 : i32
    %scan3A_50 = arith.constant 40 : i32
    %scan3A_51 = arith.addi %scan3A_49, %scan3A_50 : i32
    %scan3A_52 = arith.constant 1 : i32
    scf.for %scan3A_73 = %scan3A_49 to %scan3A_51 step %scan3A_52  : i32 {
      %mul3A_74 = arith.constant 2 : i32
      %mul3A_75 = arith.muli %scan3A_73, %mul3A_74 : i32
      %add3A_76 = arith.constant 0 : i32
      %add3A_77 = arith.addi %mul3A_75, %add3A_76 : i32
      %add3A_78 = arith.constant 1 : i32
      %add3A_79 = arith.addi %add3A_77, %add3A_78 : i32
      %lt3A = arith.constant 80 : i32
      %lt3A_80 = arith.cmpi slt, %add3A_79, %lt3A : i32
      %convert_element_type3A = arith.extui %lt3A_80 : i1 to i32
      %cond3A = arith.constant 0 : i32
      %cond3A_81 = arith.cmpi ne, %convert_element_type3A, %cond3A : i32
      scf.if %cond3A_81 {
        %dma_start3A_116 = arith.constant 1 : i32
        %dma_start3A_117 = arith.constant 0 : i32
        %dma_start3A_118 = arith.constant 0 : i32
        %dma_start3A_119 = tpu.memref_slice %arg8[%dma_start3A_116, %dma_start3A_117, %dma_start3A_118] : memref<2x64x128xf32, #tpu.memory_space<vmem>> -> memref<1x64x128xf32, #tpu.memory_space<vmem>>
        %dma_start3A_120 = tpu.memref_squeeze %dma_start3A_119 : memref<1x64x128xf32, #tpu.memory_space<vmem>> -> memref<64x128xf32, #tpu.memory_space<vmem>>
        %dma_start3A_121 = arith.constant 0 : i32
        %dma_start3A_122 = tpu.memref_slice %arg6[%add3A_79, %dma_start3A_121] : memref<80x64xi32, #tpu.memory_space<vmem>> -> memref<1x64xi32, #tpu.memory_space<vmem>>
        %dma_start3A_123 = tpu.memref_squeeze %dma_start3A_122 : memref<1x64xi32, #tpu.memory_space<vmem>> -> memref<64xi32, #tpu.memory_space<vmem>>
        %dma_start3A_124 = arith.constant 0 : i32
        %dma_start3A_125 = arith.constant 0 : i32
        %dma_start3A_126 = tpu.memref_slice %arg2[%dma_start3A_124, %dma_start3A_125] : memref<10240x128xf32, #tpu.memory_space<hbm>> -> memref<10240x128xf32, #tpu.memory_space<hbm>>
        tpu.enqueue_indirect_dma source(%dma_start3A_126 : memref<10240x128xf32, #tpu.memory_space<hbm>>) target(%dma_start3A_120 : memref<64x128xf32, #tpu.memory_space<vmem>>) offsets(%dma_start3A_123 : memref<64xi32, #tpu.memory_space<vmem>>) semaphore(%arg11 : memref<!tpu.dma_semaphore, #tpu.memory_space<semaphore_mem>>)
      } else {
      }
      %dma_wait3A = arith.constant 0 : i32
      %dma_wait3A_82 = arith.constant 0 : i32
      %dma_wait3A_83 = arith.constant 0 : i32
      %dma_wait3A_84 = tpu.memref_slice %arg8[%dma_wait3A, %dma_wait3A_82, %dma_wait3A_83] : memref<2x64x128xf32, #tpu.memory_space<vmem>> -> memref<1x64x128xf32, #tpu.memory_space<vmem>>
      %dma_wait3A_85 = tpu.memref_squeeze %dma_wait3A_84 : memref<1x64x128xf32, #tpu.memory_space<vmem>> -> memref<64x128xf32, #tpu.memory_space<vmem>>
      %dma_wait3A_86 = arith.constant 0 : i32
      %dma_wait3A_87 = tpu.memref_slice %arg6[%add3A_77, %dma_wait3A_86] : memref<80x64xi32, #tpu.memory_space<vmem>> -> memref<1x64xi32, #tpu.memory_space<vmem>>
      %dma_wait3A_88 = tpu.memref_squeeze %dma_wait3A_87 : memref<1x64xi32, #tpu.memory_space<vmem>> -> memref<64xi32, #tpu.memory_space<vmem>>
      %dma_wait3A_89 = arith.constant 0 : i32
      %dma_wait3A_90 = arith.constant 0 : i32
      %dma_wait3A_91 = tpu.memref_slice %arg2[%dma_wait3A_89, %dma_wait3A_90] : memref<10240x128xf32, #tpu.memory_space<hbm>> -> memref<10240x128xf32, #tpu.memory_space<hbm>>
      tpu.wait_indirect_dma semaphore(%arg10 : memref<!tpu.dma_semaphore, #tpu.memory_space<semaphore_mem>>) src(%dma_wait3A_91 : memref<10240x128xf32, #tpu.memory_space<hbm>>) dst(%dma_wait3A_85 : memref<64x128xf32, #tpu.memory_space<vmem>>)
      %run_scoped3A_92 = arith.constant 0 : i32
      "tpu.region"() ({
        %run_scoped3A_116 = tpu.sem_alloc : memref<!tpu.dma_semaphore, #tpu.memory_space<semaphore_mem>>
        %dma_start3A_117 = arith.constant 0 : i32
        %dma_start3A_118 = arith.constant 0 : i32
        %dma_start3A_119 = tpu.memref_slice %arg8[%run_scoped3A_92, %dma_start3A_117, %dma_start3A_118] : memref<2x64x128xf32, #tpu.memory_space<vmem>> -> memref<1x64x128xf32, #tpu.memory_space<vmem>>
        %dma_start3A_120 = tpu.memref_squeeze %dma_start3A_119 : memref<1x64x128xf32, #tpu.memory_space<vmem>> -> memref<64x128xf32, #tpu.memory_space<vmem>>
        %dma_start3A_121 = arith.constant 0 : i32
        %dma_start3A_122 = tpu.memref_slice %arg7[%add3A_77, %dma_start3A_121] : memref<80x64xi32, #tpu.memory_space<vmem>> -> memref<1x64xi32, #tpu.memory_space<vmem>>
        %dma_start3A_123 = tpu.memref_squeeze %dma_start3A_122 : memref<1x64xi32, #tpu.memory_space<vmem>> -> memref<64xi32, #tpu.memory_space<vmem>>
        %dma_start3A_124 = arith.constant 0 : i32
        %dma_start3A_125 = arith.constant 0 : i32
        %dma_start3A_126 = tpu.memref_slice %arg9[%dma_start3A_124, %dma_start3A_125] : memref<10240x128xf32, #tpu.memory_space<vmem_shared>> -> memref<10240x128xf32, #tpu.memory_space<vmem_shared>>
        tpu.enqueue_indirect_dma source(%dma_start3A_120 : memref<64x128xf32, #tpu.memory_space<vmem>>) target(%dma_start3A_126 : memref<10240x128xf32, #tpu.memory_space<vmem_shared>>) offsets(%dma_start3A_123 : memref<64xi32, #tpu.memory_space<vmem>>) semaphore(%run_scoped3A_116 : memref<!tpu.dma_semaphore, #tpu.memory_space<semaphore_mem>>) {add = true}
        %dma_wait3A_127 = arith.constant 0 : i32
        %dma_wait3A_128 = arith.constant 0 : i32
        %dma_wait3A_129 = tpu.memref_slice %arg8[%run_scoped3A_92, %dma_wait3A_127, %dma_wait3A_128] : memref<2x64x128xf32, #tpu.memory_space<vmem>> -> memref<1x64x128xf32, #tpu.memory_space<vmem>>
        %dma_wait3A_130 = tpu.memref_squeeze %dma_wait3A_129 : memref<1x64x128xf32, #tpu.memory_space<vmem>> -> memref<64x128xf32, #tpu.memory_space<vmem>>
        %dma_wait3A_131 = arith.constant 0 : i32
        %dma_wait3A_132 = tpu.memref_slice %arg7[%add3A_77, %dma_wait3A_131] : memref<80x64xi32, #tpu.memory_space<vmem>> -> memref<1x64xi32, #tpu.memory_space<vmem>>
        %dma_wait3A_133 = tpu.memref_squeeze %dma_wait3A_132 : memref<1x64xi32, #tpu.memory_space<vmem>> -> memref<64xi32, #tpu.memory_space<vmem>>
        %dma_wait3A_134 = arith.constant 0 : i32
        %dma_wait3A_135 = arith.constant 0 : i32
        %dma_wait3A_136 = tpu.memref_slice %arg9[%dma_wait3A_134, %dma_wait3A_135] : memref<10240x128xf32, #tpu.memory_space<vmem_shared>> -> memref<10240x128xf32, #tpu.memory_space<vmem_shared>>
        tpu.wait_indirect_dma semaphore(%run_scoped3A_116 : memref<!tpu.dma_semaphore, #tpu.memory_space<semaphore_mem>>) src(%dma_wait3A_130 : memref<64x128xf32, #tpu.memory_space<vmem>>) dst(%dma_wait3A_136 : memref<10240x128xf32, #tpu.memory_space<vmem_shared>>)
        tpu.yield
      }) : () -> ()
      %mul3A_93 = arith.constant 2 : i32
      %mul3A_94 = arith.muli %scan3A_73, %mul3A_93 : i32
      %add3A_95 = arith.constant 1 : i32
      %add3A_96 = arith.addi %mul3A_94, %add3A_95 : i32
      %add3A_97 = arith.constant 1 : i32
      %add3A_98 = arith.addi %add3A_96, %add3A_97 : i32
      %lt3A_99 = arith.constant 80 : i32
      %lt3A_100 = arith.cmpi slt, %add3A_98, %lt3A_99 : i32
      %convert_element_type3A_101 = arith.extui %lt3A_100 : i1 to i32
      %cond3A_102 = arith.constant 0 : i32
      %cond3A_103 = arith.cmpi ne, %convert_element_type3A_101, %cond3A_102 : i32
      scf.if %cond3A_103 {
        %dma_start3A_116 = arith.constant 0 : i32
        %dma_start3A_117 = arith.constant 0 : i32
        %dma_start3A_118 = arith.constant 0 : i32
        %dma_start3A_119 = tpu.memref_slice %arg8[%dma_start3A_116, %dma_start3A_117, %dma_start3A_118] : memref<2x64x128xf32, #tpu.memory_space<vmem>> -> memref<1x64x128xf32, #tpu.memory_space<vmem>>
        %dma_start3A_120 = tpu.memref_squeeze %dma_start3A_119 : memref<1x64x128xf32, #tpu.memory_space<vmem>> -> memref<64x128xf32, #tpu.memory_space<vmem>>
        %dma_start3A_121 = arith.constant 0 : i32
        %dma_start3A_122 = tpu.memref_slice %arg6[%add3A_98, %dma_start3A_121] : memref<80x64xi32, #tpu.memory_space<vmem>> -> memref<1x64xi32, #tpu.memory_space<vmem>>
        %dma_start3A_123 = tpu.memref_squeeze %dma_start3A_122 : memref<1x64xi32, #tpu.memory_space<vmem>> -> memref<64xi32, #tpu.memory_space<vmem>>
        %dma_start3A_124 = arith.constant 0 : i32
        %dma_start3A_125 = arith.constant 0 : i32
        %dma_start3A_126 = tpu.memref_slice %arg2[%dma_start3A_124, %dma_start3A_125] : memref<10240x128xf32, #tpu.memory_space<hbm>> -> memref<10240x128xf32, #tpu.memory_space<hbm>>
        tpu.enqueue_indirect_dma source(%dma_start3A_126 : memref<10240x128xf32, #tpu.memory_space<hbm>>) target(%dma_start3A_120 : memref<64x128xf32, #tpu.memory_space<vmem>>) offsets(%dma_start3A_123 : memref<64xi32, #tpu.memory_space<vmem>>) semaphore(%arg10 : memref<!tpu.dma_semaphore, #tpu.memory_space<semaphore_mem>>)
      } else {
      }
      %dma_wait3A_104 = arith.constant 1 : i32
      %dma_wait3A_105 = arith.constant 0 : i32
      %dma_wait3A_106 = arith.constant 0 : i32
      %dma_wait3A_107 = tpu.memref_slice %arg8[%dma_wait3A_104, %dma_wait3A_105, %dma_wait3A_106] : memref<2x64x128xf32, #tpu.memory_space<vmem>> -> memref<1x64x128xf32, #tpu.memory_space<vmem>>
      %dma_wait3A_108 = tpu.memref_squeeze %dma_wait3A_107 : memref<1x64x128xf32, #tpu.memory_space<vmem>> -> memref<64x128xf32, #tpu.memory_space<vmem>>
      %dma_wait3A_109 = arith.constant 0 : i32
      %dma_wait3A_110 = tpu.memref_slice %arg6[%add3A_96, %dma_wait3A_109] : memref<80x64xi32, #tpu.memory_space<vmem>> -> memref<1x64xi32, #tpu.memory_space<vmem>>
      %dma_wait3A_111 = tpu.memref_squeeze %dma_wait3A_110 : memref<1x64xi32, #tpu.memory_space<vmem>> -> memref<64xi32, #tpu.memory_space<vmem>>
      %dma_wait3A_112 = arith.constant 0 : i32
      %dma_wait3A_113 = arith.constant 0 : i32
      %dma_wait3A_114 = tpu.memref_slice %arg2[%dma_wait3A_112, %dma_wait3A_113] : memref<10240x128xf32, #tpu.memory_space<hbm>> -> memref<10240x128xf32, #tpu.memory_space<hbm>>
      tpu.wait_indirect_dma semaphore(%arg11 : memref<!tpu.dma_semaphore, #tpu.memory_space<semaphore_mem>>) src(%dma_wait3A_114 : memref<10240x128xf32, #tpu.memory_space<hbm>>) dst(%dma_wait3A_108 : memref<64x128xf32, #tpu.memory_space<vmem>>)
      %run_scoped3A_115 = arith.constant 1 : i32
      "tpu.region"() ({
        %run_scoped3A_116 = tpu.sem_alloc : memref<!tpu.dma_semaphore, #tpu.memory_space<semaphore_mem>>
        %dma_start3A_117 = arith.constant 0 : i32
        %dma_start3A_118 = arith.constant 0 : i32
        %dma_start3A_119 = tpu.memref_slice %arg8[%run_scoped3A_115, %dma_start3A_117, %dma_start3A_118] : memref<2x64x128xf32, #tpu.memory_space<vmem>> -> memref<1x64x128xf32, #tpu.memory_space<vmem>>
        %dma_start3A_120 = tpu.memref_squeeze %dma_start3A_119 : memref<1x64x128xf32, #tpu.memory_space<vmem>> -> memref<64x128xf32, #tpu.memory_space<vmem>>
        %dma_start3A_121 = arith.constant 0 : i32
        %dma_start3A_122 = tpu.memref_slice %arg7[%add3A_96, %dma_start3A_121] : memref<80x64xi32, #tpu.memory_space<vmem>> -> memref<1x64xi32, #tpu.memory_space<vmem>>
        %dma_start3A_123 = tpu.memref_squeeze %dma_start3A_122 : memref<1x64xi32, #tpu.memory_space<vmem>> -> memref<64xi32, #tpu.memory_space<vmem>>
        %dma_start3A_124 = arith.constant 0 : i32
        %dma_start3A_125 = arith.constant 0 : i32
        %dma_start3A_126 = tpu.memref_slice %arg9[%dma_start3A_124, %dma_start3A_125] : memref<10240x128xf32, #tpu.memory_space<vmem_shared>> -> memref<10240x128xf32, #tpu.memory_space<vmem_shared>>
        tpu.enqueue_indirect_dma source(%dma_start3A_120 : memref<64x128xf32, #tpu.memory_space<vmem>>) target(%dma_start3A_126 : memref<10240x128xf32, #tpu.memory_space<vmem_shared>>) offsets(%dma_start3A_123 : memref<64xi32, #tpu.memory_space<vmem>>) semaphore(%run_scoped3A_116 : memref<!tpu.dma_semaphore, #tpu.memory_space<semaphore_mem>>) {add = true}
        %dma_wait3A_127 = arith.constant 0 : i32
        %dma_wait3A_128 = arith.constant 0 : i32
        %dma_wait3A_129 = tpu.memref_slice %arg8[%run_scoped3A_115, %dma_wait3A_127, %dma_wait3A_128] : memref<2x64x128xf32, #tpu.memory_space<vmem>> -> memref<1x64x128xf32, #tpu.memory_space<vmem>>
        %dma_wait3A_130 = tpu.memref_squeeze %dma_wait3A_129 : memref<1x64x128xf32, #tpu.memory_space<vmem>> -> memref<64x128xf32, #tpu.memory_space<vmem>>
        %dma_wait3A_131 = arith.constant 0 : i32
        %dma_wait3A_132 = tpu.memref_slice %arg7[%add3A_96, %dma_wait3A_131] : memref<80x64xi32, #tpu.memory_space<vmem>> -> memref<1x64xi32, #tpu.memory_space<vmem>>
        %dma_wait3A_133 = tpu.memref_squeeze %dma_wait3A_132 : memref<1x64xi32, #tpu.memory_space<vmem>> -> memref<64xi32, #tpu.memory_space<vmem>>
        %dma_wait3A_134 = arith.constant 0 : i32
        %dma_wait3A_135 = arith.constant 0 : i32
        %dma_wait3A_136 = tpu.memref_slice %arg9[%dma_wait3A_134, %dma_wait3A_135] : memref<10240x128xf32, #tpu.memory_space<vmem_shared>> -> memref<10240x128xf32, #tpu.memory_space<vmem_shared>>
        tpu.wait_indirect_dma semaphore(%run_scoped3A_116 : memref<!tpu.dma_semaphore, #tpu.memory_space<semaphore_mem>>) src(%dma_wait3A_130 : memref<64x128xf32, #tpu.memory_space<vmem>>) dst(%dma_wait3A_136 : memref<10240x128xf32, #tpu.memory_space<vmem_shared>>)
        tpu.yield
      }) : () -> ()
    }
    %scan3A_53 = arith.constant 40 : i32
    "tpu.region"() ({
      %run_scoped3A_73 = tpu.sem_alloc : memref<!tpu.dma_semaphore, #tpu.memory_space<semaphore_mem>>
      %dma_start3A_74 = arith.constant 80 : i32
      %dma_start3A_75 = arith.constant 0 : i32
      %dma_start3A_76 = tpu.memref_slice %arg3[%add3A, %dma_start3A_74, %dma_start3A_75] : memref<32x160x64xi32, #tpu.memory_space<hbm>> -> memref<1x80x64xi32, #tpu.memory_space<hbm>>
      %dma_start3A_77 = tpu.memref_squeeze %dma_start3A_76 : memref<1x80x64xi32, #tpu.memory_space<hbm>> -> memref<80x64xi32, #tpu.memory_space<hbm>>
      %dma_start3A_78 = arith.constant 80 : i32
      %dma_start3A_79 = arith.constant 0 : i32
      %dma_start3A_80 = tpu.memref_slice %arg3[%add3A, %dma_start3A_78, %dma_start3A_79] : memref<32x160x64xi32, #tpu.memory_space<hbm>> -> memref<1x80x64xi32, #tpu.memory_space<hbm>>
      %dma_start3A_81 = tpu.memref_squeeze %dma_start3A_80 : memref<1x80x64xi32, #tpu.memory_space<hbm>> -> memref<80x64xi32, #tpu.memory_space<hbm>>
      tpu.enqueue_dma source(%dma_start3A_81 : memref<80x64xi32, #tpu.memory_space<hbm>>) target(%arg6 : memref<80x64xi32, #tpu.memory_space<vmem>>) target_semaphore(%run_scoped3A_73 : memref<!tpu.dma_semaphore, #tpu.memory_space<semaphore_mem>>)
      %dma_wait3A = arith.constant 80 : i32
      %dma_wait3A_82 = arith.constant 0 : i32
      %dma_wait3A_83 = tpu.memref_slice %arg3[%add3A, %dma_wait3A, %dma_wait3A_82] : memref<32x160x64xi32, #tpu.memory_space<hbm>> -> memref<1x80x64xi32, #tpu.memory_space<hbm>>
      %dma_wait3A_84 = tpu.memref_squeeze %dma_wait3A_83 : memref<1x80x64xi32, #tpu.memory_space<hbm>> -> memref<80x64xi32, #tpu.memory_space<hbm>>
      %dma_wait3A_85 = arith.constant 80 : i32
      %dma_wait3A_86 = arith.constant 0 : i32
      %dma_wait3A_87 = tpu.memref_slice %arg3[%add3A, %dma_wait3A_85, %dma_wait3A_86] : memref<32x160x64xi32, #tpu.memory_space<hbm>> -> memref<1x80x64xi32, #tpu.memory_space<hbm>>
      %dma_wait3A_88 = tpu.memref_squeeze %dma_wait3A_87 : memref<1x80x64xi32, #tpu.memory_space<hbm>> -> memref<80x64xi32, #tpu.memory_space<hbm>>
      tpu.wait_dma2 semaphore(%run_scoped3A_73 : memref<!tpu.dma_semaphore, #tpu.memory_space<semaphore_mem>>) src(%dma_wait3A_88 : memref<80x64xi32, #tpu.memory_space<hbm>>) dst(%arg6 : memref<80x64xi32, #tpu.memory_space<vmem>>)
      tpu.yield
    }) : () -> ()
    "tpu.region"() ({
      %run_scoped3A_73 = tpu.sem_alloc : memref<!tpu.dma_semaphore, #tpu.memory_space<semaphore_mem>>
      %dma_start3A_74 = arith.constant 80 : i32
      %dma_start3A_75 = arith.constant 0 : i32
      %dma_start3A_76 = tpu.memref_slice %arg4[%add3A, %dma_start3A_74, %dma_start3A_75] : memref<32x160x64xi32, #tpu.memory_space<hbm>> -> memref<1x80x64xi32, #tpu.memory_space<hbm>>
      %dma_start3A_77 = tpu.memref_squeeze %dma_start3A_76 : memref<1x80x64xi32, #tpu.memory_space<hbm>> -> memref<80x64xi32, #tpu.memory_space<hbm>>
      %dma_start3A_78 = arith.constant 80 : i32
      %dma_start3A_79 = arith.constant 0 : i32
      %dma_start3A_80 = tpu.memref_slice %arg4[%add3A, %dma_start3A_78, %dma_start3A_79] : memref<32x160x64xi32, #tpu.memory_space<hbm>> -> memref<1x80x64xi32, #tpu.memory_space<hbm>>
      %dma_start3A_81 = tpu.memref_squeeze %dma_start3A_80 : memref<1x80x64xi32, #tpu.memory_space<hbm>> -> memref<80x64xi32, #tpu.memory_space<hbm>>
      tpu.enqueue_dma source(%dma_start3A_81 : memref<80x64xi32, #tpu.memory_space<hbm>>) target(%arg7 : memref<80x64xi32, #tpu.memory_space<vmem>>) target_semaphore(%run_scoped3A_73 : memref<!tpu.dma_semaphore, #tpu.memory_space<semaphore_mem>>)
      %dma_wait3A = arith.constant 80 : i32
      %dma_wait3A_82 = arith.constant 0 : i32
      %dma_wait3A_83 = tpu.memref_slice %arg4[%add3A, %dma_wait3A, %dma_wait3A_82] : memref<32x160x64xi32, #tpu.memory_space<hbm>> -> memref<1x80x64xi32, #tpu.memory_space<hbm>>
      %dma_wait3A_84 = tpu.memref_squeeze %dma_wait3A_83 : memref<1x80x64xi32, #tpu.memory_space<hbm>> -> memref<80x64xi32, #tpu.memory_space<hbm>>
      %dma_wait3A_85 = arith.constant 80 : i32
      %dma_wait3A_86 = arith.constant 0 : i32
      %dma_wait3A_87 = tpu.memref_slice %arg4[%add3A, %dma_wait3A_85, %dma_wait3A_86] : memref<32x160x64xi32, #tpu.memory_space<hbm>> -> memref<1x80x64xi32, #tpu.memory_space<hbm>>
      %dma_wait3A_88 = tpu.memref_squeeze %dma_wait3A_87 : memref<1x80x64xi32, #tpu.memory_space<hbm>> -> memref<80x64xi32, #tpu.memory_space<hbm>>
      tpu.wait_dma2 semaphore(%run_scoped3A_73 : memref<!tpu.dma_semaphore, #tpu.memory_space<semaphore_mem>>) src(%dma_wait3A_88 : memref<80x64xi32, #tpu.memory_space<hbm>>) dst(%arg7 : memref<80x64xi32, #tpu.memory_space<vmem>>)
      tpu.yield
    }) : () -> ()
    %dma_start3A_54 = arith.constant 0 : i32
    %dma_start3A_55 = arith.constant 0 : i32
    %dma_start3A_56 = arith.constant 0 : i32
    %dma_start3A_57 = arith.constant 0 : i32
    %dma_start3A_58 = tpu.memref_slice %arg8[%dma_start3A_55, %dma_start3A_56, %dma_start3A_57] : memref<2x64x128xf32, #tpu.memory_space<vmem>> -> memref<1x64x128xf32, #tpu.memory_space<vmem>>
    %dma_start3A_59 = tpu.memref_squeeze %dma_start3A_58 : memref<1x64x128xf32, #tpu.memory_space<vmem>> -> memref<64x128xf32, #tpu.memory_space<vmem>>
    %dma_start3A_60 = arith.constant 0 : i32
    %dma_start3A_61 = tpu.memref_slice %arg6[%dma_start3A_54, %dma_start3A_60] : memref<80x64xi32, #tpu.memory_space<vmem>> -> memref<1x64xi32, #tpu.memory_space<vmem>>
    %dma_start3A_62 = tpu.memref_squeeze %dma_start3A_61 : memref<1x64xi32, #tpu.memory_space<vmem>> -> memref<64xi32, #tpu.memory_space<vmem>>
    %dma_start3A_63 = arith.constant 0 : i32
    %dma_start3A_64 = arith.constant 0 : i32
    %dma_start3A_65 = tpu.memref_slice %arg2[%dma_start3A_63, %dma_start3A_64] : memref<10240x128xf32, #tpu.memory_space<hbm>> -> memref<10240x128xf32, #tpu.memory_space<hbm>>
    tpu.enqueue_indirect_dma source(%dma_start3A_65 : memref<10240x128xf32, #tpu.memory_space<hbm>>) target(%dma_start3A_59 : memref<64x128xf32, #tpu.memory_space<vmem>>) offsets(%dma_start3A_62 : memref<64xi32, #tpu.memory_space<vmem>>) semaphore(%arg10 : memref<!tpu.dma_semaphore, #tpu.memory_space<semaphore_mem>>)
    %scan3A_66 = arith.constant 0 : i32
    %scan3A_67 = arith.constant 0 : i32
    %scan3A_68 = arith.constant 40 : i32
    %scan3A_69 = arith.addi %scan3A_67, %scan3A_68 : i32
    %scan3A_70 = arith.constant 1 : i32
    scf.for %scan3A_73 = %scan3A_67 to %scan3A_69 step %scan3A_70  : i32 {
      %mul3A_74 = arith.constant 2 : i32
      %mul3A_75 = arith.muli %scan3A_73, %mul3A_74 : i32
      %add3A_76 = arith.constant 0 : i32
      %add3A_77 = arith.addi %mul3A_75, %add3A_76 : i32
      %add3A_78 = arith.constant 1 : i32
      %add3A_79 = arith.addi %add3A_77, %add3A_78 : i32
      %lt3A = arith.constant 80 : i32
      %lt3A_80 = arith.cmpi slt, %add3A_79, %lt3A : i32
      %convert_element_type3A = arith.extui %lt3A_80 : i1 to i32
      %cond3A = arith.constant 0 : i32
      %cond3A_81 = arith.cmpi ne, %convert_element_type3A, %cond3A : i32
      scf.if %cond3A_81 {
        %dma_start3A_116 = arith.constant 1 : i32
        %dma_start3A_117 = arith.constant 0 : i32
        %dma_start3A_118 = arith.constant 0 : i32
        %dma_start3A_119 = tpu.memref_slice %arg8[%dma_start3A_116, %dma_start3A_117, %dma_start3A_118] : memref<2x64x128xf32, #tpu.memory_space<vmem>> -> memref<1x64x128xf32, #tpu.memory_space<vmem>>
        %dma_start3A_120 = tpu.memref_squeeze %dma_start3A_119 : memref<1x64x128xf32, #tpu.memory_space<vmem>> -> memref<64x128xf32, #tpu.memory_space<vmem>>
        %dma_start3A_121 = arith.constant 0 : i32
        %dma_start3A_122 = tpu.memref_slice %arg6[%add3A_79, %dma_start3A_121] : memref<80x64xi32, #tpu.memory_space<vmem>> -> memref<1x64xi32, #tpu.memory_space<vmem>>
        %dma_start3A_123 = tpu.memref_squeeze %dma_start3A_122 : memref<1x64xi32, #tpu.memory_space<vmem>> -> memref<64xi32, #tpu.memory_space<vmem>>
        %dma_start3A_124 = arith.constant 0 : i32
        %dma_start3A_125 = arith.constant 0 : i32
        %dma_start3A_126 = tpu.memref_slice %arg2[%dma_start3A_124, %dma_start3A_125] : memref<10240x128xf32, #tpu.memory_space<hbm>> -> memref<10240x128xf32, #tpu.memory_space<hbm>>
        tpu.enqueue_indirect_dma source(%dma_start3A_126 : memref<10240x128xf32, #tpu.memory_space<hbm>>) target(%dma_start3A_120 : memref<64x128xf32, #tpu.memory_space<vmem>>) offsets(%dma_start3A_123 : memref<64xi32, #tpu.memory_space<vmem>>) semaphore(%arg11 : memref<!tpu.dma_semaphore, #tpu.memory_space<semaphore_mem>>)
      } else {
      }
      %dma_wait3A = arith.constant 0 : i32
      %dma_wait3A_82 = arith.constant 0 : i32
      %dma_wait3A_83 = arith.constant 0 : i32
      %dma_wait3A_84 = tpu.memref_slice %arg8[%dma_wait3A, %dma_wait3A_82, %dma_wait3A_83] : memref<2x64x128xf32, #tpu.memory_space<vmem>> -> memref<1x64x128xf32, #tpu.memory_space<vmem>>
      %dma_wait3A_85 = tpu.memref_squeeze %dma_wait3A_84 : memref<1x64x128xf32, #tpu.memory_space<vmem>> -> memref<64x128xf32, #tpu.memory_space<vmem>>
      %dma_wait3A_86 = arith.constant 0 : i32
      %dma_wait3A_87 = tpu.memref_slice %arg6[%add3A_77, %dma_wait3A_86] : memref<80x64xi32, #tpu.memory_space<vmem>> -> memref<1x64xi32, #tpu.memory_space<vmem>>
      %dma_wait3A_88 = tpu.memref_squeeze %dma_wait3A_87 : memref<1x64xi32, #tpu.memory_space<vmem>> -> memref<64xi32, #tpu.memory_space<vmem>>
      %dma_wait3A_89 = arith.constant 0 : i32
      %dma_wait3A_90 = arith.constant 0 : i32
      %dma_wait3A_91 = tpu.memref_slice %arg2[%dma_wait3A_89, %dma_wait3A_90] : memref<10240x128xf32, #tpu.memory_space<hbm>> -> memref<10240x128xf32, #tpu.memory_space<hbm>>
      tpu.wait_indirect_dma semaphore(%arg10 : memref<!tpu.dma_semaphore, #tpu.memory_space<semaphore_mem>>) src(%dma_wait3A_91 : memref<10240x128xf32, #tpu.memory_space<hbm>>) dst(%dma_wait3A_85 : memref<64x128xf32, #tpu.memory_space<vmem>>)
      %run_scoped3A_92 = arith.constant 0 : i32
      "tpu.region"() ({
        %run_scoped3A_116 = tpu.sem_alloc : memref<!tpu.dma_semaphore, #tpu.memory_space<semaphore_mem>>
        %dma_start3A_117 = arith.constant 0 : i32
        %dma_start3A_118 = arith.constant 0 : i32
        %dma_start3A_119 = tpu.memref_slice %arg8[%run_scoped3A_92, %dma_start3A_117, %dma_start3A_118] : memref<2x64x128xf32, #tpu.memory_space<vmem>> -> memref<1x64x128xf32, #tpu.memory_space<vmem>>
        %dma_start3A_120 = tpu.memref_squeeze %dma_start3A_119 : memref<1x64x128xf32, #tpu.memory_space<vmem>> -> memref<64x128xf32, #tpu.memory_space<vmem>>
        %dma_start3A_121 = arith.constant 0 : i32
        %dma_start3A_122 = tpu.memref_slice %arg7[%add3A_77, %dma_start3A_121] : memref<80x64xi32, #tpu.memory_space<vmem>> -> memref<1x64xi32, #tpu.memory_space<vmem>>
        %dma_start3A_123 = tpu.memref_squeeze %dma_start3A_122 : memref<1x64xi32, #tpu.memory_space<vmem>> -> memref<64xi32, #tpu.memory_space<vmem>>
        %dma_start3A_124 = arith.constant 0 : i32
        %dma_start3A_125 = arith.constant 0 : i32
        %dma_start3A_126 = tpu.memref_slice %arg9[%dma_start3A_124, %dma_start3A_125] : memref<10240x128xf32, #tpu.memory_space<vmem_shared>> -> memref<10240x128xf32, #tpu.memory_space<vmem_shared>>
        tpu.enqueue_indirect_dma source(%dma_start3A_120 : memref<64x128xf32, #tpu.memory_space<vmem>>) target(%dma_start3A_126 : memref<10240x128xf32, #tpu.memory_space<vmem_shared>>) offsets(%dma_start3A_123 : memref<64xi32, #tpu.memory_space<vmem>>) semaphore(%run_scoped3A_116 : memref<!tpu.dma_semaphore, #tpu.memory_space<semaphore_mem>>) {add = true}
        %dma_wait3A_127 = arith.constant 0 : i32
        %dma_wait3A_128 = arith.constant 0 : i32
        %dma_wait3A_129 = tpu.memref_slice %arg8[%run_scoped3A_92, %dma_wait3A_127, %dma_wait3A_128] : memref<2x64x128xf32, #tpu.memory_space<vmem>> -> memref<1x64x128xf32, #tpu.memory_space<vmem>>
        %dma_wait3A_130 = tpu.memref_squeeze %dma_wait3A_129 : memref<1x64x128xf32, #tpu.memory_space<vmem>> -> memref<64x128xf32, #tpu.memory_space<vmem>>
        %dma_wait3A_131 = arith.constant 0 : i32
        %dma_wait3A_132 = tpu.memref_slice %arg7[%add3A_77, %dma_wait3A_131] : memref<80x64xi32, #tpu.memory_space<vmem>> -> memref<1x64xi32, #tpu.memory_space<vmem>>
        %dma_wait3A_133 = tpu.memref_squeeze %dma_wait3A_132 : memref<1x64xi32, #tpu.memory_space<vmem>> -> memref<64xi32, #tpu.memory_space<vmem>>
        %dma_wait3A_134 = arith.constant 0 : i32
        %dma_wait3A_135 = arith.constant 0 : i32
        %dma_wait3A_136 = tpu.memref_slice %arg9[%dma_wait3A_134, %dma_wait3A_135] : memref<10240x128xf32, #tpu.memory_space<vmem_shared>> -> memref<10240x128xf32, #tpu.memory_space<vmem_shared>>
        tpu.wait_indirect_dma semaphore(%run_scoped3A_116 : memref<!tpu.dma_semaphore, #tpu.memory_space<semaphore_mem>>) src(%dma_wait3A_130 : memref<64x128xf32, #tpu.memory_space<vmem>>) dst(%dma_wait3A_136 : memref<10240x128xf32, #tpu.memory_space<vmem_shared>>)
        tpu.yield
      }) : () -> ()
      %mul3A_93 = arith.constant 2 : i32
      %mul3A_94 = arith.muli %scan3A_73, %mul3A_93 : i32
      %add3A_95 = arith.constant 1 : i32
      %add3A_96 = arith.addi %mul3A_94, %add3A_95 : i32
      %add3A_97 = arith.constant 1 : i32
      %add3A_98 = arith.addi %add3A_96, %add3A_97 : i32
      %lt3A_99 = arith.constant 80 : i32
      %lt3A_100 = arith.cmpi slt, %add3A_98, %lt3A_99 : i32
      %convert_element_type3A_101 = arith.extui %lt3A_100 : i1 to i32
      %cond3A_102 = arith.constant 0 : i32
      %cond3A_103 = arith.cmpi ne, %convert_element_type3A_101, %cond3A_102 : i32
      scf.if %cond3A_103 {
        %dma_start3A_116 = arith.constant 0 : i32
        %dma_start3A_117 = arith.constant 0 : i32
        %dma_start3A_118 = arith.constant 0 : i32
        %dma_start3A_119 = tpu.memref_slice %arg8[%dma_start3A_116, %dma_start3A_117, %dma_start3A_118] : memref<2x64x128xf32, #tpu.memory_space<vmem>> -> memref<1x64x128xf32, #tpu.memory_space<vmem>>
        %dma_start3A_120 = tpu.memref_squeeze %dma_start3A_119 : memref<1x64x128xf32, #tpu.memory_space<vmem>> -> memref<64x128xf32, #tpu.memory_space<vmem>>
        %dma_start3A_121 = arith.constant 0 : i32
        %dma_start3A_122 = tpu.memref_slice %arg6[%add3A_98, %dma_start3A_121] : memref<80x64xi32, #tpu.memory_space<vmem>> -> memref<1x64xi32, #tpu.memory_space<vmem>>
        %dma_start3A_123 = tpu.memref_squeeze %dma_start3A_122 : memref<1x64xi32, #tpu.memory_space<vmem>> -> memref<64xi32, #tpu.memory_space<vmem>>
        %dma_start3A_124 = arith.constant 0 : i32
        %dma_start3A_125 = arith.constant 0 : i32
        %dma_start3A_126 = tpu.memref_slice %arg2[%dma_start3A_124, %dma_start3A_125] : memref<10240x128xf32, #tpu.memory_space<hbm>> -> memref<10240x128xf32, #tpu.memory_space<hbm>>
        tpu.enqueue_indirect_dma source(%dma_start3A_126 : memref<10240x128xf32, #tpu.memory_space<hbm>>) target(%dma_start3A_120 : memref<64x128xf32, #tpu.memory_space<vmem>>) offsets(%dma_start3A_123 : memref<64xi32, #tpu.memory_space<vmem>>) semaphore(%arg10 : memref<!tpu.dma_semaphore, #tpu.memory_space<semaphore_mem>>)
      } else {
      }
      %dma_wait3A_104 = arith.constant 1 : i32
      %dma_wait3A_105 = arith.constant 0 : i32
      %dma_wait3A_106 = arith.constant 0 : i32
      %dma_wait3A_107 = tpu.memref_slice %arg8[%dma_wait3A_104, %dma_wait3A_105, %dma_wait3A_106] : memref<2x64x128xf32, #tpu.memory_space<vmem>> -> memref<1x64x128xf32, #tpu.memory_space<vmem>>
      %dma_wait3A_108 = tpu.memref_squeeze %dma_wait3A_107 : memref<1x64x128xf32, #tpu.memory_space<vmem>> -> memref<64x128xf32, #tpu.memory_space<vmem>>
      %dma_wait3A_109 = arith.constant 0 : i32
      %dma_wait3A_110 = tpu.memref_slice %arg6[%add3A_96, %dma_wait3A_109] : memref<80x64xi32, #tpu.memory_space<vmem>> -> memref<1x64xi32, #tpu.memory_space<vmem>>
      %dma_wait3A_111 = tpu.memref_squeeze %dma_wait3A_110 : memref<1x64xi32, #tpu.memory_space<vmem>> -> memref<64xi32, #tpu.memory_space<vmem>>
      %dma_wait3A_112 = arith.constant 0 : i32
      %dma_wait3A_113 = arith.constant 0 : i32
      %dma_wait3A_114 = tpu.memref_slice %arg2[%dma_wait3A_112, %dma_wait3A_113] : memref<10240x128xf32, #tpu.memory_space<hbm>> -> memref<10240x128xf32, #tpu.memory_space<hbm>>
      tpu.wait_indirect_dma semaphore(%arg11 : memref<!tpu.dma_semaphore, #tpu.memory_space<semaphore_mem>>) src(%dma_wait3A_114 : memref<10240x128xf32, #tpu.memory_space<hbm>>) dst(%dma_wait3A_108 : memref<64x128xf32, #tpu.memory_space<vmem>>)
      %run_scoped3A_115 = arith.constant 1 : i32
      "tpu.region"() ({
        %run_scoped3A_116 = tpu.sem_alloc : memref<!tpu.dma_semaphore, #tpu.memory_space<semaphore_mem>>
        %dma_start3A_117 = arith.constant 0 : i32
        %dma_start3A_118 = arith.constant 0 : i32
        %dma_start3A_119 = tpu.memref_slice %arg8[%run_scoped3A_115, %dma_start3A_117, %dma_start3A_118] : memref<2x64x128xf32, #tpu.memory_space<vmem>> -> memref<1x64x128xf32, #tpu.memory_space<vmem>>
        %dma_start3A_120 = tpu.memref_squeeze %dma_start3A_119 : memref<1x64x128xf32, #tpu.memory_space<vmem>> -> memref<64x128xf32, #tpu.memory_space<vmem>>
        %dma_start3A_121 = arith.constant 0 : i32
        %dma_start3A_122 = tpu.memref_slice %arg7[%add3A_96, %dma_start3A_121] : memref<80x64xi32, #tpu.memory_space<vmem>> -> memref<1x64xi32, #tpu.memory_space<vmem>>
        %dma_start3A_123 = tpu.memref_squeeze %dma_start3A_122 : memref<1x64xi32, #tpu.memory_space<vmem>> -> memref<64xi32, #tpu.memory_space<vmem>>
        %dma_start3A_124 = arith.constant 0 : i32
        %dma_start3A_125 = arith.constant 0 : i32
        %dma_start3A_126 = tpu.memref_slice %arg9[%dma_start3A_124, %dma_start3A_125] : memref<10240x128xf32, #tpu.memory_space<vmem_shared>> -> memref<10240x128xf32, #tpu.memory_space<vmem_shared>>
        tpu.enqueue_indirect_dma source(%dma_start3A_120 : memref<64x128xf32, #tpu.memory_space<vmem>>) target(%dma_start3A_126 : memref<10240x128xf32, #tpu.memory_space<vmem_shared>>) offsets(%dma_start3A_123 : memref<64xi32, #tpu.memory_space<vmem>>) semaphore(%run_scoped3A_116 : memref<!tpu.dma_semaphore, #tpu.memory_space<semaphore_mem>>) {add = true}
        %dma_wait3A_127 = arith.constant 0 : i32
        %dma_wait3A_128 = arith.constant 0 : i32
        %dma_wait3A_129 = tpu.memref_slice %arg8[%run_scoped3A_115, %dma_wait3A_127, %dma_wait3A_128] : memref<2x64x128xf32, #tpu.memory_space<vmem>> -> memref<1x64x128xf32, #tpu.memory_space<vmem>>
        %dma_wait3A_130 = tpu.memref_squeeze %dma_wait3A_129 : memref<1x64x128xf32, #tpu.memory_space<vmem>> -> memref<64x128xf32, #tpu.memory_space<vmem>>
        %dma_wait3A_131 = arith.constant 0 : i32
        %dma_wait3A_132 = tpu.memref_slice %arg7[%add3A_96, %dma_wait3A_131] : memref<80x64xi32, #tpu.memory_space<vmem>> -> memref<1x64xi32, #tpu.memory_space<vmem>>
        %dma_wait3A_133 = tpu.memref_squeeze %dma_wait3A_132 : memref<1x64xi32, #tpu.memory_space<vmem>> -> memref<64xi32, #tpu.memory_space<vmem>>
        %dma_wait3A_134 = arith.constant 0 : i32
        %dma_wait3A_135 = arith.constant 0 : i32
        %dma_wait3A_136 = tpu.memref_slice %arg9[%dma_wait3A_134, %dma_wait3A_135] : memref<10240x128xf32, #tpu.memory_space<vmem_shared>> -> memref<10240x128xf32, #tpu.memory_space<vmem_shared>>
        tpu.wait_indirect_dma semaphore(%run_scoped3A_116 : memref<!tpu.dma_semaphore, #tpu.memory_space<semaphore_mem>>) src(%dma_wait3A_130 : memref<64x128xf32, #tpu.memory_space<vmem>>) dst(%dma_wait3A_136 : memref<10240x128xf32, #tpu.memory_space<vmem_shared>>)
        tpu.yield
      }) : () -> ()
    }
    %scan3A_71 = arith.constant 40 : i32
    %barrier3A_72 = arith.constant 0 : index
    tpu.barrier barrier_id(%barrier3A_72)
    "tpu.region"() ({
      %run_scoped3A_73 = tpu.sem_alloc : memref<!tpu.dma_semaphore, #tpu.memory_space<semaphore_mem>>
      %dma_start3A_74 = arith.constant 0 : i32
      %dma_start3A_75 = tpu.memref_slice %arg5[%arg0, %mul3A_7, %dma_start3A_74] : memref<2x10240x128xf32, #tpu.memory_space<hbm>> -> memref<1x640x128xf32, #tpu.memory_space<hbm>>
      %dma_start3A_76 = tpu.memref_squeeze %dma_start3A_75 : memref<1x640x128xf32, #tpu.memory_space<hbm>> -> memref<640x128xf32, #tpu.memory_space<hbm>>
      %dma_start3A_77 = arith.constant 0 : i32
      %dma_start3A_78 = tpu.memref_slice %arg9[%mul3A_7, %dma_start3A_77] : memref<10240x128xf32, #tpu.memory_space<vmem_shared>> -> memref<640x128xf32, #tpu.memory_space<vmem_shared>>
      tpu.enqueue_dma source(%dma_start3A_78 : memref<640x128xf32, #tpu.memory_space<vmem_shared>>) target(%dma_start3A_76 : memref<640x128xf32, #tpu.memory_space<hbm>>) target_semaphore(%run_scoped3A_73 : memref<!tpu.dma_semaphore, #tpu.memory_space<semaphore_mem>>)
      %dma_wait3A = arith.constant 0 : i32
      %dma_wait3A_79 = tpu.memref_slice %arg5[%arg0, %mul3A_7, %dma_wait3A] : memref<2x10240x128xf32, #tpu.memory_space<hbm>> -> memref<1x640x128xf32, #tpu.memory_space<hbm>>
      %dma_wait3A_80 = tpu.memref_squeeze %dma_wait3A_79 : memref<1x640x128xf32, #tpu.memory_space<hbm>> -> memref<640x128xf32, #tpu.memory_space<hbm>>
      %dma_wait3A_81 = arith.constant 0 : i32
      %dma_wait3A_82 = tpu.memref_slice %arg9[%mul3A_7, %dma_wait3A_81] : memref<10240x128xf32, #tpu.memory_space<vmem_shared>> -> memref<640x128xf32, #tpu.memory_space<vmem_shared>>
      tpu.wait_dma2 semaphore(%run_scoped3A_73 : memref<!tpu.dma_semaphore, #tpu.memory_space<semaphore_mem>>) src(%dma_wait3A_82 : memref<640x128xf32, #tpu.memory_space<vmem_shared>>) dst(%dma_wait3A_80 : memref<640x128xf32, #tpu.memory_space<hbm>>)
      tpu.yield
    }) : () -> ()
    return
  }
}

module attributes {stable_mosaic.version = 14 : i64} {
  func.func @_prep_body(%arg0: i32, %arg1: memref<256x128xf32, #tpu.memory_space<vmem>>, %arg2: memref<128x128xf32, #tpu.memory_space<vmem>>, %arg3: memref<32x256xf32, #tpu.memory_space<vmem>>, %arg4: memref<256x128xf32, #tpu.memory_space<vmem>>) attributes {dimension_semantics = [#tpu.dimension_semantics<arbitrary>], iteration_bounds = array<i64: 40>, scalar_prefetch = 0 : i64, scratch_operands = 0 : i64, tpu.core_type = #tpu.core_type<tc>, window_params = [{transform_indices = @transform_0, window_bounds = array<i64: 256, 128>}, {pipeline_mode = #tpu.pipeline_mode<synchronous>, transform_indices = @transform_1, window_bounds = array<i64: 128, 128>}, {transform_indices = @transform_2, window_bounds = array<i64: 32, 256>}, {transform_indices = @transform_3, window_bounds = array<i64: 256, 128>}]} {
    %get3A = arith.constant 0 : index
    %get3A_0 = arith.constant 0 : index
    %get3A_1 = vector.load %arg1[%get3A, %get3A_0] : memref<256x128xf32, #tpu.memory_space<vmem>>, vector<256x128xf32>
    %get3A_2 = arith.constant 0 : index
    %get3A_3 = arith.constant 0 : index
    %get3A_4 = vector.load %arg2[%get3A_2, %get3A_3] : memref<128x128xf32, #tpu.memory_space<vmem>>, vector<128x128xf32>
    %dot_general3A = arith.constant dense<0.000000e+00> : vector<256x128xf32>
    %dot_general3A_5 = tpu.matmul %get3A_1, %get3A_4, %dot_general3A {dimension_numbers = #tpu.dot_dimension_numbers<[1], [0], [0], [1], [0, 0, 1, 1], [], []>, transpose_lhs_hint = false} : vector<256x128xf32>, vector<128x128xf32>, vector<256x128xf32> -> vector<256x128xf32>
    %get3A_6 = arith.constant 0 : index
    %get3A_7 = arith.constant 0 : index
    %get3A_8 = vector.load %arg3[%get3A_6, %get3A_7] : memref<32x256xf32, #tpu.memory_space<vmem>>, vector<32x256xf32>
    %reduce_sum3A = arith.constant dense<0.000000e+00> : vector<256xf32>
    %reduce_sum3A_9 = vector.multi_reduction <add>, %get3A_8, %reduce_sum3A [0] : vector<32x256xf32> to vector<256xf32>
    %add3A = arith.constant 1.000000e+00 : f32
    %add3A_10 = vector.broadcast %add3A : f32 to vector<256xf32>
    %add3A_11 = arith.addf %add3A_10, %reduce_sum3A_9 : vector<256xf32>
    %sqrt3A = math.sqrt %add3A_11 : vector<256xf32>
    %div3A = arith.constant 1.000000e+00 : f32
    %div3A_12 = vector.broadcast %div3A : f32 to vector<256xf32>
    %div3A_13 = arith.divf %div3A_12, %sqrt3A : vector<256xf32>
    %broadcast_in_dim3A = vector.shape_cast %div3A_13 : vector<256xf32> to vector<256x1xf32>
    %mul3A = arith.constant 256 : i32
    %mul3A_14 = arith.muli %arg0, %mul3A : i32
    %iota3A = tpu.iota {dimensions = array<i32: 0>} : vector<256x1xi32>
    %add3A_15 = vector.broadcast %mul3A_14 : i32 to vector<256x1xi32>
    %add3A_16 = arith.addi %add3A_15, %iota3A : vector<256x1xi32>
    %lt3A = arith.constant 10000 : i32
    %lt3A_17 = vector.broadcast %lt3A : i32 to vector<256x1xi32>
    %lt3A_18 = arith.cmpi slt, %add3A_16, %lt3A_17 : vector<256x1xi32>
    %jit3A = arith.constant 0.000000e+00 : f32
    %broadcast_in_dim3A_19 = vector.broadcast %jit3A : f32 to vector<256x1xf32>
    %select_n3A = arith.select %lt3A_18, %broadcast_in_dim3A, %broadcast_in_dim3A_19 : vector<256x1xi1>, vector<256x1xf32>
    %mul3A_20 = vector.broadcast %select_n3A : vector<256x1xf32> to vector<256x128xf32>
    %mul3A_21 = arith.mulf %dot_general3A_5, %mul3A_20 : vector<256x128xf32>
    %swap3A = arith.constant 0 : index
    %swap3A_22 = arith.constant 0 : index
    %swap3A_23 = vector.load %arg4[%swap3A, %swap3A_22] : memref<256x128xf32, #tpu.memory_space<vmem>>, vector<256x128xf32>
    tpu.vector_store %arg4[%swap3A, %swap3A_22], %mul3A_21 {strides = array<i32>} : memref<256x128xf32, #tpu.memory_space<vmem>>, vector<256x128xf32>,
    return
  }
  func.func @transform_0(%arg0: i32) -> (i32, i32) {
    %c0_i32 = arith.constant 0 : i32
    %c0_i32_0 = arith.constant 0 : i32
    return %arg0, %c0_i32 : i32, i32
  }
  func.func @transform_1(%arg0: i32) -> (i32, i32) {
    %c0_i32 = arith.constant 0 : i32
    %c0_i32_0 = arith.constant 0 : i32
    %c0_i32_1 = arith.constant 0 : i32
    return %c0_i32, %c0_i32_0 : i32, i32
  }
  func.func @transform_2(%arg0: i32) -> (i32, i32) {
    %c0_i32 = arith.constant 0 : i32
    %c0_i32_0 = arith.constant 0 : i32
    return %c0_i32, %arg0 : i32, i32
  }
  func.func @transform_3(%arg0: i32) -> (i32, i32) {
    %c0_i32 = arith.constant 0 : i32
    %c0_i32_0 = arith.constant 0 : i32
    return %arg0, %c0_i32 : i32, i32
  }
}

module attributes {stable_mosaic.version = 14 : i64} {
  func.func @_mid_body(%arg0: i32, %arg1: memref<2x256x128xf32, #tpu.memory_space<vmem>>, %arg2: memref<256x128xf32, #tpu.memory_space<vmem>>, %arg3: memref<32x256xf32, #tpu.memory_space<vmem>>, %arg4: memref<1x128xf32, #tpu.memory_space<vmem>>, %arg5: memref<128x128xf32, #tpu.memory_space<vmem>>, %arg6: memref<256x128xf32, #tpu.memory_space<vmem>>) attributes {dimension_semantics = [#tpu.dimension_semantics<arbitrary>], iteration_bounds = array<i64: 40>, scalar_prefetch = 0 : i64, scratch_operands = 0 : i64, tpu.core_type = #tpu.core_type<tc>, window_params = [{transform_indices = @transform_0, window_bounds = array<i64: 2, 256, 128>}, {transform_indices = @transform_1, window_bounds = array<i64: 256, 128>}, {transform_indices = @transform_2, window_bounds = array<i64: 32, 256>}, {pipeline_mode = #tpu.pipeline_mode<synchronous>, transform_indices = @transform_3, window_bounds = array<i64: 1, 128>}, {pipeline_mode = #tpu.pipeline_mode<synchronous>, transform_indices = @transform_4, window_bounds = array<i64: 128, 128>}, {transform_indices = @transform_5, window_bounds = array<i64: 256, 128>}]} {
    %get3A = arith.constant 0 : index
    %get3A_0 = arith.constant 0 : index
    %get3A_1 = vector.load %arg3[%get3A, %get3A_0] : memref<32x256xf32, #tpu.memory_space<vmem>>, vector<32x256xf32>
    %reduce_sum3A = arith.constant dense<0.000000e+00> : vector<256xf32>
    %reduce_sum3A_2 = vector.multi_reduction <add>, %get3A_1, %reduce_sum3A [0] : vector<32x256xf32> to vector<256xf32>
    %add3A = arith.constant 1.000000e+00 : f32
    %add3A_3 = vector.broadcast %add3A : f32 to vector<256xf32>
    %add3A_4 = arith.addf %add3A_3, %reduce_sum3A_2 : vector<256xf32>
    %sqrt3A = math.sqrt %add3A_4 : vector<256xf32>
    %div3A = arith.constant 1.000000e+00 : f32
    %div3A_5 = vector.broadcast %div3A : f32 to vector<256xf32>
    %div3A_6 = arith.divf %div3A_5, %sqrt3A : vector<256xf32>
    %broadcast_in_dim3A = vector.shape_cast %div3A_6 : vector<256xf32> to vector<256x1xf32>
    %mul3A = arith.constant 256 : i32
    %mul3A_7 = arith.muli %arg0, %mul3A : i32
    %iota3A = tpu.iota {dimensions = array<i32: 0>} : vector<256x1xi32>
    %add3A_8 = vector.broadcast %mul3A_7 : i32 to vector<256x1xi32>
    %add3A_9 = arith.addi %add3A_8, %iota3A : vector<256x1xi32>
    %lt3A = arith.constant 10000 : i32
    %lt3A_10 = vector.broadcast %lt3A : i32 to vector<256x1xi32>
    %lt3A_11 = arith.cmpi slt, %add3A_9, %lt3A_10 : vector<256x1xi32>
    %jit3A = arith.constant 0.000000e+00 : f32
    %broadcast_in_dim3A_12 = vector.broadcast %jit3A : f32 to vector<256x1xf32>
    %select_n3A = arith.select %lt3A_11, %broadcast_in_dim3A, %broadcast_in_dim3A_12 : vector<256x1xi1>, vector<256x1xf32>
    %get3A_13 = arith.constant 0 : index
    %get3A_14 = arith.constant 0 : index
    %get3A_15 = arith.constant 0 : index
    %get3A_16 = vector.load %arg1[%get3A_13, %get3A_14, %get3A_15] : memref<2x256x128xf32, #tpu.memory_space<vmem>>, vector<1x256x128xf32>
    %get3A_17 = vector.shape_cast %get3A_16 : vector<1x256x128xf32> to vector<256x128xf32>
    %get3A_18 = arith.constant 1 : index
    %get3A_19 = arith.constant 0 : index
    %get3A_20 = arith.constant 0 : index
    %get3A_21 = vector.load %arg1[%get3A_18, %get3A_19, %get3A_20] : memref<2x256x128xf32, #tpu.memory_space<vmem>>, vector<1x256x128xf32>
    %get3A_22 = vector.shape_cast %get3A_21 : vector<1x256x128xf32> to vector<256x128xf32>
    %add3A_23 = arith.addf %get3A_17, %get3A_22 : vector<256x128xf32>
    %get3A_24 = arith.constant 0 : index
    %get3A_25 = arith.constant 0 : index
    %get3A_26 = vector.load %arg2[%get3A_24, %get3A_25] : memref<256x128xf32, #tpu.memory_space<vmem>>, vector<256x128xf32>
    %add3A_27 = arith.addf %add3A_23, %get3A_26 : vector<256x128xf32>
    %mul3A_28 = vector.broadcast %select_n3A : vector<256x1xf32> to vector<256x128xf32>
    %mul3A_29 = arith.mulf %add3A_27, %mul3A_28 : vector<256x128xf32>
    %get3A_30 = arith.constant 0 : index
    %get3A_31 = arith.constant 0 : index
    %get3A_32 = vector.load %arg4[%get3A_30, %get3A_31] : memref<1x128xf32, #tpu.memory_space<vmem>>, vector<1x128xf32>
    %add3A_33 = vector.broadcast %get3A_32 : vector<1x128xf32> to vector<256x128xf32>
    %add3A_34 = arith.addf %mul3A_29, %add3A_33 : vector<256x128xf32>
    %max3A = arith.constant 0.000000e+00 : f32
    %max3A_35 = vector.broadcast %max3A : f32 to vector<256x128xf32>
    %max3A_36 = arith.maximumf %add3A_34, %max3A_35 : vector<256x128xf32>
    %get3A_37 = arith.constant 0 : index
    %get3A_38 = arith.constant 0 : index
    %get3A_39 = vector.load %arg5[%get3A_37, %get3A_38] : memref<128x128xf32, #tpu.memory_space<vmem>>, vector<128x128xf32>
    %dot_general3A = arith.constant dense<0.000000e+00> : vector<256x128xf32>
    %dot_general3A_40 = tpu.matmul %max3A_36, %get3A_39, %dot_general3A {dimension_numbers = #tpu.dot_dimension_numbers<[1], [0], [0], [1], [0, 0, 1, 1], [], []>, transpose_lhs_hint = false} : vector<256x128xf32>, vector<128x128xf32>, vector<256x128xf32> -> vector<256x128xf32>
    %mul3A_41 = vector.broadcast %select_n3A : vector<256x1xf32> to vector<256x128xf32>
    %mul3A_42 = arith.mulf %dot_general3A_40, %mul3A_41 : vector<256x128xf32>
    %swap3A = arith.constant 0 : index
    %swap3A_43 = arith.constant 0 : index
    %swap3A_44 = vector.load %arg6[%swap3A, %swap3A_43] : memref<256x128xf32, #tpu.memory_space<vmem>>, vector<256x128xf32>
    tpu.vector_store %arg6[%swap3A, %swap3A_43], %mul3A_42 {strides = array<i32>} : memref<256x128xf32, #tpu.memory_space<vmem>>, vector<256x128xf32>,
    return
  }
  func.func @transform_0(%arg0: i32) -> (i32, i32, i32) {
    %c0_i32 = arith.constant 0 : i32
    %c0_i32_0 = arith.constant 0 : i32
    %c0_i32_1 = arith.constant 0 : i32
    return %c0_i32, %arg0, %c0_i32_0 : i32, i32, i32
  }
  func.func @transform_1(%arg0: i32) -> (i32, i32) {
    %c0_i32 = arith.constant 0 : i32
    %c0_i32_0 = arith.constant 0 : i32
    return %arg0, %c0_i32 : i32, i32
  }
  func.func @transform_2(%arg0: i32) -> (i32, i32) {
    %c0_i32 = arith.constant 0 : i32
    %c0_i32_0 = arith.constant 0 : i32
    return %c0_i32, %arg0 : i32, i32
  }
  func.func @transform_3(%arg0: i32) -> (i32, i32) {
    %c0_i32 = arith.constant 0 : i32
    %c0_i32_0 = arith.constant 0 : i32
    %c0_i32_1 = arith.constant 0 : i32
    return %c0_i32, %c0_i32_0 : i32, i32
  }
  func.func @transform_4(%arg0: i32) -> (i32, i32) {
    %c0_i32 = arith.constant 0 : i32
    %c0_i32_0 = arith.constant 0 : i32
    %c0_i32_1 = arith.constant 0 : i32
    return %c0_i32, %c0_i32_0 : i32, i32
  }
  func.func @transform_5(%arg0: i32) -> (i32, i32) {
    %c0_i32 = arith.constant 0 : i32
    %c0_i32_0 = arith.constant 0 : i32
    return %arg0, %c0_i32 : i32, i32
  }
}

module attributes {stable_mosaic.version = 14 : i64} {
  func.func @_final_body(%arg0: i32, %arg1: memref<2x256x128xf32, #tpu.memory_space<vmem>>, %arg2: memref<256x128xf32, #tpu.memory_space<vmem>>, %arg3: memref<32x256xf32, #tpu.memory_space<vmem>>, %arg4: memref<1x128xf32, #tpu.memory_space<vmem>>, %arg5: memref<256x128xf32, #tpu.memory_space<vmem>>) attributes {dimension_semantics = [#tpu.dimension_semantics<arbitrary>], iteration_bounds = array<i64: 40>, scalar_prefetch = 0 : i64, scratch_operands = 0 : i64, tpu.core_type = #tpu.core_type<tc>, window_params = [{transform_indices = @transform_0, window_bounds = array<i64: 2, 256, 128>}, {transform_indices = @transform_1, window_bounds = array<i64: 256, 128>}, {transform_indices = @transform_2, window_bounds = array<i64: 32, 256>}, {pipeline_mode = #tpu.pipeline_mode<synchronous>, transform_indices = @transform_3, window_bounds = array<i64: 1, 128>}, {transform_indices = @transform_4, window_bounds = array<i64: 256, 128>}]} {
    %get3A = arith.constant 0 : index
    %get3A_0 = arith.constant 0 : index
    %get3A_1 = vector.load %arg3[%get3A, %get3A_0] : memref<32x256xf32, #tpu.memory_space<vmem>>, vector<32x256xf32>
    %reduce_sum3A = arith.constant dense<0.000000e+00> : vector<256xf32>
    %reduce_sum3A_2 = vector.multi_reduction <add>, %get3A_1, %reduce_sum3A [0] : vector<32x256xf32> to vector<256xf32>
    %add3A = arith.constant 1.000000e+00 : f32
    %add3A_3 = vector.broadcast %add3A : f32 to vector<256xf32>
    %add3A_4 = arith.addf %add3A_3, %reduce_sum3A_2 : vector<256xf32>
    %sqrt3A = math.sqrt %add3A_4 : vector<256xf32>
    %div3A = arith.constant 1.000000e+00 : f32
    %div3A_5 = vector.broadcast %div3A : f32 to vector<256xf32>
    %div3A_6 = arith.divf %div3A_5, %sqrt3A : vector<256xf32>
    %broadcast_in_dim3A = vector.shape_cast %div3A_6 : vector<256xf32> to vector<256x1xf32>
    %mul3A = arith.constant 256 : i32
    %mul3A_7 = arith.muli %arg0, %mul3A : i32
    %iota3A = tpu.iota {dimensions = array<i32: 0>} : vector<256x1xi32>
    %add3A_8 = vector.broadcast %mul3A_7 : i32 to vector<256x1xi32>
    %add3A_9 = arith.addi %add3A_8, %iota3A : vector<256x1xi32>
    %lt3A = arith.constant 10000 : i32
    %lt3A_10 = vector.broadcast %lt3A : i32 to vector<256x1xi32>
    %lt3A_11 = arith.cmpi slt, %add3A_9, %lt3A_10 : vector<256x1xi32>
    %jit3A = arith.constant 0.000000e+00 : f32
    %broadcast_in_dim3A_12 = vector.broadcast %jit3A : f32 to vector<256x1xf32>
    %select_n3A = arith.select %lt3A_11, %broadcast_in_dim3A, %broadcast_in_dim3A_12 : vector<256x1xi1>, vector<256x1xf32>
    %get3A_13 = arith.constant 0 : index
    %get3A_14 = arith.constant 0 : index
    %get3A_15 = arith.constant 0 : index
    %get3A_16 = vector.load %arg1[%get3A_13, %get3A_14, %get3A_15] : memref<2x256x128xf32, #tpu.memory_space<vmem>>, vector<1x256x128xf32>
    %get3A_17 = vector.shape_cast %get3A_16 : vector<1x256x128xf32> to vector<256x128xf32>
    %get3A_18 = arith.constant 1 : index
    %get3A_19 = arith.constant 0 : index
    %get3A_20 = arith.constant 0 : index
    %get3A_21 = vector.load %arg1[%get3A_18, %get3A_19, %get3A_20] : memref<2x256x128xf32, #tpu.memory_space<vmem>>, vector<1x256x128xf32>
    %get3A_22 = vector.shape_cast %get3A_21 : vector<1x256x128xf32> to vector<256x128xf32>
    %add3A_23 = arith.addf %get3A_17, %get3A_22 : vector<256x128xf32>
    %get3A_24 = arith.constant 0 : index
    %get3A_25 = arith.constant 0 : index
    %get3A_26 = vector.load %arg2[%get3A_24, %get3A_25] : memref<256x128xf32, #tpu.memory_space<vmem>>, vector<256x128xf32>
    %add3A_27 = arith.addf %add3A_23, %get3A_26 : vector<256x128xf32>
    %mul3A_28 = vector.broadcast %select_n3A : vector<256x1xf32> to vector<256x128xf32>
    %mul3A_29 = arith.mulf %add3A_27, %mul3A_28 : vector<256x128xf32>
    %get3A_30 = arith.constant 0 : index
    %get3A_31 = arith.constant 0 : index
    %get3A_32 = vector.load %arg4[%get3A_30, %get3A_31] : memref<1x128xf32, #tpu.memory_space<vmem>>, vector<1x128xf32>
    %add3A_33 = vector.broadcast %get3A_32 : vector<1x128xf32> to vector<256x128xf32>
    %add3A_34 = arith.addf %mul3A_29, %add3A_33 : vector<256x128xf32>
    %swap3A = arith.constant 0 : index
    %swap3A_35 = arith.constant 0 : index
    %swap3A_36 = vector.load %arg5[%swap3A, %swap3A_35] : memref<256x128xf32, #tpu.memory_space<vmem>>, vector<256x128xf32>
    tpu.vector_store %arg5[%swap3A, %swap3A_35], %add3A_34 {strides = array<i32>} : memref<256x128xf32, #tpu.memory_space<vmem>>, vector<256x128xf32>,
    return
  }
  func.func @transform_0(%arg0: i32) -> (i32, i32, i32) {
    %c0_i32 = arith.constant 0 : i32
    %c0_i32_0 = arith.constant 0 : i32
    %c0_i32_1 = arith.constant 0 : i32
    return %c0_i32, %arg0, %c0_i32_0 : i32, i32, i32
  }
  func.func @transform_1(%arg0: i32) -> (i32, i32) {
    %c0_i32 = arith.constant 0 : i32
    %c0_i32_0 = arith.constant 0 : i32
    return %arg0, %c0_i32 : i32, i32
  }
  func.func @transform_2(%arg0: i32) -> (i32, i32) {
    %c0_i32 = arith.constant 0 : i32
    %c0_i32_0 = arith.constant 0 : i32
    return %c0_i32, %arg0 : i32, i32
  }
  func.func @transform_3(%arg0: i32) -> (i32, i32) {
    %c0_i32 = arith.constant 0 : i32
    %c0_i32_0 = arith.constant 0 : i32
    %c0_i32_1 = arith.constant 0 : i32
    return %c0_i32, %c0_i32_0 : i32, i32
  }
  func.func @transform_4(%arg0: i32) -> (i32, i32) {
    %c0_i32 = arith.constant 0 : i32
    %c0_i32_0 = arith.constant 0 : i32
    return %arg0, %c0_i32 : i32, i32
  }
}

</mosaic_0001>

<sc_bundles>
// kernel: kernel.11.cloned.1.call-start
scs
__scs_entry_jumppad:
0x0: {  	(pc) =	sbr.rel $0x88, $3  }
0x1: {  	(tag) =	ssettag $0x0;
	lr =	simm.s32 $0x1  }
0x2: {  	[smem:$0x3F9B] =	sst lr;
	_ =	strace $0xD0000000  }
0x3: {  	_ = 	snop  }
0x4: {  	_ = 	snop  }
0x5: {  	_ = 	snop  }
0x6: {  	_ = 	snop  }
0x7: {  	_ = 	snop  }
__scs_overlays_trampoline_lowered:
0x8: {  	[smem:$0x3FAA] =	sst s0  }
0x9: {  	[smem:$0x3FAB] =	sst s1  }
0xa: {  	[smem:$0x3FAC] =	sst s2  }
0xb: {  	[smem:$0x3FAD] =	sst s3  }
0xc: {  	[smem:$0x3FAE] =	sst s4  }
0xd: {  	[smem:$0x3FAF] =	sst s5  }
0xe: {  	[smem:$0x3FB0] =	sst s6  }
0xf: {  	[smem:$0x3FB1] =	sst s7  }
0x10: {  	[smem:$0x3FB2] =	sst s8  }
0x11: {  	[smem:$0x3FB3] =	sst s9;
	s0 =	simm.s32 @!p0 $0x0  }
0x12: {  	s1 =	sld [smem:$0x3F99];
	s0 =	simm.s32 @p0 $0x1  }
0x13: {  	[smem:$0x3FB4] =	sst s0;
	s0 =	simm.s32 @!p1 $0x0  }
0x14: {  	s2 =	sld [smem:$0x3F98];
	s0 =	simm.s32 @p1 $0x1  }
0x15: {  	[smem:$0x3FB5] =	sst s0;
	s0 =	simm.s32 @!p2 $0x0  }
0x16: {  	s3 =	sld [smem:$0x3FDB];
	s0 =	simm.s32 @p2 $0x1  }
0x17: {  	s4 =	simm.s32 $0x1BF5;
	[smem:$0x3FB7] =	sst s0  }
0x18: {  	s0 =	sld [smem:$0x3F9A];
	_ =	swait.ge [sflag:s4], $0x0  }
0x19: {  	s7 =	sld [smem:$0x3F9B]  }
0x1a: {  	s8 =	sadd.s32 $0xFFFFE003, lr  }
0x1b: {  	s9 =	sadd.s32 $0xFFFFFEF7, lr;
	s5 =	simm.s32 $0xFFFFFFFF;
	p2 =	slt.u32 s8, $0xFFFFF086  }
0x1c: {  	p1 =	slt.u32 s9, $0xF7A;
	s5 =	simm.s32 @!p2 $0x0  }
0x1d: {  	s5 =	simm.s32 @p1 $0x1;
	p0 =	seq.s32 s7, s2  }
0x1e: {  	s7 =	smul.u32 @!p0 $0xF7A, s2;
	p2 =	seq.s32 @!p0 s5, $0x0  }
0x1f: {  	s9 =	smul.u32 $0xF7A, s1;
	s8 =	simm.s32 @!p0 $0x1BF5;
	p2 =	por !p2, p0  }
0x20: {  	[sflag:s8] =	ssyncset.s32 @!p0 $0xFFFFF086;
	s6 =	sadd.s32 @!p0 s3, s7;
	s7 =	simm.s32 @!p0 $0x108  }
0x21: {  	s3 =	sadd.s32 s3, s9;
	s6 =	sadd.s32 @!p0 $0x88, s6;
	s7 =	simm.s32 @p2 $0x1082  }
0x22: {  	[simem:s7], [sflag:s8] =	dma.local @!p0 [hbm:s6], $0xF7A  }
0x23: {  	s9 =	sor.u32 $0xD0000000, s2;
	s6 =	simm.s32 $0x108;
	_ =	swait.ge @!p0 [sflag:s8], $0x0  }
0x24: {  	s3 =	sadd.s32 $0x88, s3;
	s6 =	simm.s32 @!p1 $0x1082;
	[sflag:s4] =	ssyncset.s32 $0xFFFFF086  }
0x25: {  	[simem:s6], [sflag:s4] =	dma.local [hbm:s3], $0xF7A  }
0x26: {  	[smem:$0x3F9B] =	sst s1;
	(tag) =	ssettag s2;
	_ =	strace s9  }
0x27: {  	s1 =	sld [smem:$0x3FAB]  }
0x28: {  	s2 =	sld [smem:$0x3FAC]  }
0x29: {  	s4 =	sld [smem:$0x3FAE]  }
0x2a: {  	p0 =	seq.s32 s5, $0x0;
	s5 =	sld [smem:$0x3FAF]  }
0x2b: {  	s6 =	sld [smem:$0x3FB0]  }
0x2c: {  	s7 =	sld [smem:$0x3FB1]  }
0x2d: {  	s3 =	simm.s32 $0x108;
	s8 =	sld [smem:$0x3FB2]  }
0x2e: {  	s3 =	simm.s32 @!p0 $0x1082;
	s9 =	sld [smem:$0x3FB3]  }
0x2f: {  	lr =	sadd.s32 s0, s3;
	s0 =	sld [smem:$0x3FAA]  }
0x30: {  	s3 =	sld [smem:$0x3FAD]  }
0x31: {  	[smem:$0x3FB6] =	sst s10  }
0x32: {  	s10 =	sld [smem:$0x3FB4];
	_ =	sdelay $0x3  }
0x33: {  	p0 =	seq.s32 s10, $0x1;
	s10 =	sld [smem:$0x3FB6];
	_ =	sdelay $0x3  }
0x34: {  	[smem:$0x3FB6] =	sst s10  }
0x35: {  	s10 =	sld [smem:$0x3FB5];
	_ =	sdelay $0x3  }
0x36: {  	p1 =	seq.s32 s10, $0x1;
	s10 =	sld [smem:$0x3FB6];
	_ =	sdelay $0x3  }
0x37: {  	[smem:$0x3FB6] =	sst s10  }
0x38: {  	s10 =	sld [smem:$0x3FB7]  }
0x39: {  	_ = 	snop;
	(pc) =	sbr.ind lr, $3  }
0x3a: {  	_ = 	snop  }
0x3b: {  	_ = 	snop  }
0x3c: {  	p2 =	seq.s32 s10, $0x1;
	s10 =	sld [smem:$0x3FB6]  }
0x3d: {  	_ =	shalt  }
0x3e: {  	_ =	shalt  }
0x3f: {  	_ =	shalt  }
0x40: {  	_ =	shalt  }
0x41: {  	_ =	shalt  }
0x42: {  	_ =	shalt  }
0x43: {  	_ =	shalt  }
0x44: {  	_ =	shalt  }
0x45: {  	_ =	shalt  }
0x46: {  	_ =	shalt  }
0x47: {  	_ =	shalt  }
0x48: {  	_ =	shalt  }
0x49: {  	_ =	shalt  }
0x4a: {  	_ =	shalt  }
0x4b: {  	_ =	shalt  }
0x4c: {  	_ =	shalt  }
0x4d: {  	_ =	shalt  }
0x4e: {  	_ =	shalt  }
0x4f: {  	_ =	shalt  }
0x50: {  	_ =	shalt  }
0x51: {  	_ =	shalt  }
0x52: {  	_ =	shalt  }
0x53: {  	_ =	shalt  }
0x54: {  	_ =	shalt  }
0x55: {  	_ =	shalt  }
0x56: {  	_ =	shalt  }
0x57: {  	_ =	shalt  }
0x58: {  	_ =	shalt  }
0x59: {  	_ =	shalt  }
0x5a: {  	_ =	shalt  }
0x5b: {  	_ =	shalt  }
0x5c: {  	_ =	shalt  }
0x5d: {  	_ =	shalt  }
0x5e: {  	_ =	shalt  }
0x5f: {  	_ =	shalt  }
0x60: {  	_ =	shalt  }
0x61: {  	_ =	shalt  }
0x62: {  	_ =	shalt  }
0x63: {  	_ =	shalt  }
0x64: {  	_ =	shalt  }
0x65: {  	_ =	shalt  }
0x66: {  	_ =	shalt  }
0x67: {  	_ =	shalt  }
0x68: {  	_ =	shalt  }
0x69: {  	_ =	shalt  }
0x6a: {  	_ =	shalt  }
0x6b: {  	_ =	shalt  }
0x6c: {  	_ =	shalt  }
0x6d: {  	_ =	shalt  }
0x6e: {  	_ =	shalt  }
0x6f: {  	_ =	shalt  }
0x70: {  	_ =	shalt  }
0x71: {  	_ =	shalt  }
0x72: {  	_ =	shalt  }
0x73: {  	_ =	shalt  }
0x74: {  	_ =	shalt  }
0x75: {  	_ =	shalt  }
0x76: {  	_ =	shalt  }
0x77: {  	_ =	shalt  }
0x78: {  	_ =	shalt  }
0x79: {  	_ =	shalt  }
0x7a: {  	_ =	shalt  }
0x7b: {  	_ =	shalt  }
0x7c: {  	_ =	shalt  }
0x7d: {  	_ =	shalt  }
0x7e: {  	_ =	shalt  }
0x7f: {  	_ =	shalt  }
0x80: {  	_ =	shalt  }
0x81: {  	_ =	shalt  }
0x82: {  	_ =	shalt  }
0x83: {  	_ =	shalt  }
0x84: {  	_ =	shalt  }
0x85: {  	_ =	shalt  }
0x86: {  	_ =	shalt  }
0x87: {  	_ =	shalt  }
.Lfunc_end0:
.L_simem_size_0:
called_computation.1_lowered:
.L_overlay_start_0:
0x88: {  	s2 =	sld [smem:$0x3FD9]  }
0x89: {  	s3 =	sld [smem:$0x3FFE];
	_ =	sdelay $0x1  }
0x8a: {  	s1 =	srdreg.scid  }
0x8b: {  	s0 =	sand.u32 $0x1, s1  }
0x8c: {  	s17 =	sshll.u32 s0, $0xA;
	s2 =	sadd.s32 s3, s2  }
0x8d: {  	s2 =	sadd.s32 s2, s17  }
0x8e: {  	[smem:$0x3FC2] =	sst s2  }
0x8f: {  	_ = 	snop  }
0x90: {  	s2 =	sld [smem:$0x3FD0];
	(tm) =	ssettm $0x1  }
0x91: {  	s18 =	sld [smem:$0x3FFB];
	_ =	sdelay $0x3  }
0x92: {  	_ =	strace s18  }
0x93: {  	s3 =	sld [smem:$0x3FFC];
	_ =	sdelay $0x3  }
0x94: {  	_ =	strace s3  }
0x95: {  	s3 =	sld [smem:$0x3FFD];
	_ =	sdelay $0x3  }
0x96: {  	_ =	strace s3  }
0x97: {  	_ =	strace $0x8FFFFFFF  }
0x98: {  	s19 =	sld [smem:$0x3FDB];
	_ =	sdelay $0x1  }
0x99: {  	s4 =	simm.s32 $_scs_section_size  }
0x9a: {  	s5 =	simm.s32 $_size__tile_overlayer_lowered;
	s6 =	simm.s32 $_tile_overlayer_lowered  }
0x9b: {  	s22 =	simm.s32 $0x1BFF;
	s21 =	sshll.u32 s6, $0x1;
	s3 =	sadd.s32 s4, s19  }
0x9c: {  	s7 =	simm.s32 $0x0;
	s20 =	sshll.u32 s5, $0x1;
	s5 =	sadd.s32 s21, s3  }
0x9d: {  	[timem:s7], [sflag:s22] =	dma.local [hbm:s5], s20  }
0x9e: {  	_ =	swait.ge [sflag:s22], s20  }
0x9f: {  	s4 =	ssub.s32 $0x0, s20;
	[sflag:s22] =	ssyncset.done $0x0  }
0xa0: {  	[sflag:s22] =	ssyncadd.s32 s4;
	_ =	sdelay $0x1  }
0xa1: {  	s23 =	simm.s32 $0x1B8B  }
0xa2: {  	_ =	swait.ge [sflag:s23], $0x1  }
0xa3: {  	[sflag:s23] =	ssyncset.done $0x0  }
0xa4: {  	s25 =	simm.s32 $0x1B8E;
	s24 =	sld [smem:$0x3FFE];
	[sflag:s23] =	ssyncadd.s32 $0xFFFFFFFF  }
0xa5: {  	s26 =	simm.s32 $execute0_lowered;
	[smem:$0x3FD2] =	sst s25  }
0xa6: {  	s5 =	sshll.u32 s26, $0x1;
	_ =	strace $0x80000049;
	[dreg:$0x1] =	wrdreg $0xFFFFFFFF  }
0xa7: {  	s28 =	simm.s32 $_size_execute0_lowered;
	s3 =	sadd.s32 s3, s5;
	[dreg:$0x0] =	wrdreg $0x0  }
0xa8: {  	s5 =	sshll.u32 s28, $0x1;
	[dreg:$0x2] =	wrdreg s3  }
0xa9: {  	[dreg:$0x3] =	wrdreg s5  }
0xaa: {  	[dreg:$0x4] =	wrdreg $0xC0  }
0xab: {  	_ =	task [dreg:s7], $0x5FFFF  }
0xac: {  	[dreg:$0x1] =	wrdreg $0xFFFFFFFF  }
0xad: {  	[dreg:$0x0] =	wrdreg $0x60  }
0xae: {  	[dreg:$0x2] =	wrdreg s24  }
0xaf: {  	[dreg:$0x3] =	wrdreg s2  }
0xb0: {  	[dreg:$0x4] =	wrdreg $0x90000  }
0xb1: {  	[dreg:$0x5] =	wrdreg $0x9  }
0xb2: {  	_ =	task.clear_ibuf [dreg:s7], $0x6FFFF;
	_ =	strace $0x90000049  }
0xb3: {  	s29 =	simm.s32 $0x9;
	_ =	strace $0x8000004B  }
0xb4: {  	_ =	swait.ge [sflag:s29], $0x1  }
0xb5: {  	[sflag:s29] =	ssyncadd.s32 $0xFFFFFFFF  }
0xb6: {  	_ =	strace $0x9000004B  }
0xb7: {  	_ =	sfence  }
0xb8: {  	s30 =	sld [smem:$0x0];
	_ =	sdelay $0x2  }
0xb9: {  	s31 =	sshll.u32 s1, $0xD;
	s1 =	sshrl.u32 s1, $0x2  }
0xba: {  	s3 =	sand.u32 $0x4000, s31;
	s1 =	sadd.s32 s1, s30  }
0xbb: {  	s0 =	sor.u32 s3, s0;
	s1 =	sshll.u32 s1, $0x11  }
0xbc: {  	s0 =	sor.u32 s1, s0  }
0xbd: {  	s0 =	sadd.s32 $0x8F2B, s0  }
0xbe: {  	[sflag:s0] =	ssyncadd.remote.s32 $0x1  }
0xbf: {  	_ =	sfence.sel $0xFFFF  }
0xc0: {  	[dreg:$0x0] =	wrdreg $0xFFFFFFFF;
	(pc) =	sbr.abs _section_cstart, $3  }
0xc1: {  	[dreg:$0x1] =	wrdreg $0xFFFFFFFF  }
0xc2: {  	_ =	task.clear_ibuf [dreg:s7], $0x2FFFF;
	_ =	strace $0x9FFFFFFF  }
0xc3: {  	(tm) =	ssettm $0x7FFFFFFF  }
tec
execute0_lowered:
.L_overlay_start_1:
0x0: {  	(tag) =	ssettag $0x1  }
0x1: {  	s0 =	rddreg [dreg:$0x0]  }
0x2: {  	s1 =	rddreg [dreg:$0x1]  }
0x3: {  	s3 =	srdreg.scid;
	s2 =	rddreg [dreg:$0x2]  }
0x4: {  	s9 =	stileid.u32;
	s21 =	simm.s32 $0x5000;
	s28 =	simm.s32 $0x2  }
0x5: {  	s29 =	simm.s32 $0x2780;
	s30 =	simm.s32 $0x4F00;
	s31 =	simm.s32 $0x4F80  }
0x6: {  	s6 =	sand.u32 $0x1, s3;
	s3 =	simm.s32 $0x0;
	s5 =	smul.u32 $0x14000, s9  }
0x7: {  	s7 =	smul.u32 $0x50000, s9;
	s18 =	sadd.s32 $0x16200, s0;
	s9 =	sshll.u32 s9, $0x1  }
0x8: {  	s4 =	smul.u32 $0x140000, s6;
	[smem:$0x7FF] =	sst s3;
	s8 =	ssub.s32 $0x2, s6  }
0x9: {  	s9 =	sor.u32 s6, s9;
	_ =	strace $0x8000004A;
	s22 =	sshrl.u32 s7, $0x2  }
0xa: {  	s23 =	sshrl.u32 s8, $0x1;
	s14 =	smul.u32 $0x5000, s9;
	s5 =	sadd.s32 s5, s4  }
0xb: {  	s4 =	sadd.s32 $0x2A200, s0;
	s20 =	ssub.s32 s8, s23;
	s23 =	simm.s32 $0x2800  }
0xc: {  	s5 =	sshrl.u32 s5, $0x3;
	s16 =	sshrl.u32 s14, $0x3;
	s20 =	smax.u32 s20, $0x1  }
0xd: {  	s0 =	sadd.s32 s5, s0;
	s5 =	sadd.s32 s22, s2;
	s15 =	sadd.s32 s1, s16  }
0xe: {  	s19 =	sadd.s32 $0x500, s16;
	s16 =	sadd.s32 s18, s16;
	s22 =	simm.s32 $0x3  }
0xf: {  	s24 =	sadd.s32 $0x2000, s5;
	s25 =	sadd.s32 $0x4000, s5;
	s26 =	sadd.s32 $0x6000, s5  }
0x10: {  	s9 =	sadd.s32 $0x8000, s5;
	s10 =	sadd.s32 $0xA000, s5;
	s11 =	sadd.s32 $0xC000, s5  }
0x11: {  	s12 =	sadd.s32 $0xE000, s5;
	s13 =	sadd.s32 $0x10000, s5;
	[dreg:$0x4] =	wrdreg s24  }
0x12: {  	s14 =	sadd.s32 $0x12000, s5;
	s17 =	sadd.s32 s1, s19;
	[dreg:$0x5] =	wrdreg s25  }
0x13: {  	s18 =	sadd.s32 s18, s19;
	s19 =	sadd.s32 $0x52200, s0;
	[dreg:$0x6] =	wrdreg s26  }
0x14: {  	v0 =	vimm.f32 $0.0e+00;
	s24 =	simm.s32 $0x40;
	s25 =	simm.s32 $0x7000;
	s26 =	simm.s32 $0x1  }
.LBB2_1:
0x15: {  	s0 =	simm.s32 $0x0;
	s1 =	simm.s32 $0x200  }
.LBB2_2:
0x16: {  	p0 =	sne.s32 s1, $0x7E00;
	[tilespmem:s0+$0x5070] =	vst v0  }
0x17: {  	[tilespmem:s0+$0x5000] =	vst v0  }
0x18: {  	[tilespmem:s0+$0x5010] =	vst v0  }
.Ltmp0:
0x19: {  	[tilespmem:s0+$0x5020] =	vst v0;
	(pc) =	sbr.rel @p0 .LBB2_2-.Ltmp0, $4  }
0x1a: {  	[tilespmem:s0+$0x5030] =	vst v0  }
0x1b: {  	[tilespmem:s0+$0x5040] =	vst v0  }
0x1c: {  	[tilespmem:s0+$0x5050] =	vst v0  }
0x1d: {  	[tilespmem:s0+$0x5060] =	vst v0;
	s0 =	sshra.s32 s1, $0x2;
	s1 =	sadd.s32 $0x200, s1  }
0x1e: {  	[tilespmem:s0+$0x5070] =	vst v0  }
0x1f: {  	[tilespmem:s0+$0x5000] =	vst v0  }
0x20: {  	[tilespmem:s0+$0x5010] =	vst v0  }
0x21: {  	[tilespmem:s0+$0x5020] =	vst v0  }
0x22: {  	[tilespmem:s0+$0x5030] =	vst v0  }
0x23: {  	[tilespmem:s0+$0x5040] =	vst v0  }
0x24: {  	[tilespmem:s0+$0x5050] =	vst v0  }
0x25: {  	[tilespmem:s0+$0x5060] =	vst v0  }
0x26: {  	[spmem:s5] =	stream.linear.scatter [tilespmem:s21], [sflag:$0x3], $0x2000, $0x38;
	[tilespmem:$0x1D000] =	vst v63  }
0x27: {  	_ =	swait.ge [sflag:s22], $0x2000  }
0x28: {  	[sflag:s22] =	ssyncset.done $0x0  }
0x29: {  	s1 =	rddreg [dreg:$0x4];
	[sflag:s22] =	ssyncadd.s32 $0xFFFFE000  }
0x2a: {  	[spmem:s1] =	stream.linear.scatter [tilespmem:s21], [sflag:$0x3], $0x2000, $0x38;
	[tilespmem:$0x1D000] =	vst v63  }
0x2b: {  	_ =	swait.ge [sflag:s22], $0x2000  }
0x2c: {  	[sflag:s22] =	ssyncset.done $0x0  }
0x2d: {  	s6 =	rddreg [dreg:$0x5];
	[sflag:s22] =	ssyncadd.s32 $0xFFFFE000  }
0x2e: {  	[spmem:s6] =	stream.linear.scatter [tilespmem:s21], [sflag:$0x3], $0x2000, $0x38;
	[tilespmem:$0x1D000] =	vst v63  }
0x2f: {  	_ =	swait.ge [sflag:s22], $0x2000  }
0x30: {  	[sflag:s22] =	ssyncset.done $0x0  }
0x31: {  	s7 =	rddreg [dreg:$0x6];
	[sflag:s22] =	ssyncadd.s32 $0xFFFFE000  }
0x32: {  	[spmem:s7] =	stream.linear.scatter [tilespmem:s21], [sflag:$0x3], $0x2000, $0x38;
	[tilespmem:$0x1D000] =	vst v63  }
0x33: {  	_ =	swait.ge [sflag:s22], $0x2000  }
0x34: {  	[sflag:s22] =	ssyncset.done $0x0  }
0x35: {  	[sflag:s22] =	ssyncadd.s32 $0xFFFFE000  }
0x36: {  	[spmem:s9] =	stream.linear.scatter [tilespmem:s21], [sflag:$0x3], $0x2000, $0x38;
	[tilespmem:$0x1D000] =	vst v63  }
0x37: {  	_ =	swait.ge [sflag:s22], $0x2000  }
0x38: {  	[sflag:s22] =	ssyncset.done $0x0  }
0x39: {  	[sflag:s22] =	ssyncadd.s32 $0xFFFFE000  }
0x3a: {  	[spmem:s10] =	stream.linear.scatter [tilespmem:s21], [sflag:$0x3], $0x2000, $0x38;
	[tilespmem:$0x1D000] =	vst v63  }
0x3b: {  	_ =	swait.ge [sflag:s22], $0x2000  }
0x3c: {  	[sflag:s22] =	ssyncset.done $0x0  }
0x3d: {  	[sflag:s22] =	ssyncadd.s32 $0xFFFFE000  }
0x3e: {  	[spmem:s11] =	stream.linear.scatter [tilespmem:s21], [sflag:$0x3], $0x2000, $0x38;
	[tilespmem:$0x1D000] =	vst v63  }
0x3f: {  	_ =	swait.ge [sflag:s22], $0x2000  }
0x40: {  	[sflag:s22] =	ssyncset.done $0x0  }
0x41: {  	[sflag:s22] =	ssyncadd.s32 $0xFFFFE000  }
0x42: {  	[spmem:s12] =	stream.linear.scatter [tilespmem:s21], [sflag:$0x3], $0x2000, $0x38;
	[tilespmem:$0x1D000] =	vst v63  }
0x43: {  	_ =	swait.ge [sflag:s22], $0x2000  }
0x44: {  	[sflag:s22] =	ssyncset.done $0x0  }
0x45: {  	[sflag:s22] =	ssyncadd.s32 $0xFFFFE000  }
0x46: {  	[spmem:s13] =	stream.linear.scatter [tilespmem:s21], [sflag:$0x3], $0x2000, $0x38;
	[tilespmem:$0x1D000] =	vst v63  }
0x47: {  	_ =	swait.ge [sflag:s22], $0x2000  }
0x48: {  	[sflag:s22] =	ssyncset.done $0x0  }
0x49: {  	[sflag:s22] =	ssyncadd.s32 $0xFFFFE000  }
0x4a: {  	[spmem:s14] =	stream.linear.scatter [tilespmem:s21], [sflag:$0x3], $0x2000, $0x38;
	[tilespmem:$0x1D000] =	vst v63  }
0x4b: {  	_ =	swait.ge [sflag:s22], $0x2000  }
0x4c: {  	[sflag:s22] =	ssyncset.done $0x0  }
0x4d: {  	[sflag:s22] =	ssyncadd.s32 $0xFFFFE000  }
0x4e: {  	s8 =	simm.s32 $0x0;
	[bflag:$0x0] =	sbarrier.arrive $0xFFFF  }
0x4f: {  	[tilespmem:s8], [sflag:$0x3] =	stream.linear.gather [hbm4b:s15+s8], $0x2800, $0x38;
	[tilespmem:$0x1D000] =	vst v63  }
0x50: {  	_ =	swait.ge [sflag:s22], $0x2800  }
0x51: {  	[sflag:s22] =	ssyncset.done $0x0  }
0x52: {  	[sflag:s22] =	ssyncadd.s32 $0xFFFFD800  }
0x53: {  	[tilespmem:s23], [sflag:$0x3] =	stream.linear.gather [hbm4b:s16+s8], $0x2800, $0x38;
	[tilespmem:$0x1D000] =	vst v63  }
0x54: {  	_ =	swait.ge [sflag:s22], $0x2800  }
0x55: {  	[sflag:s22] =	ssyncset.done $0x0  }
0x56: {  	[sflag:s22] =	ssyncadd.s32 $0xFFFFD800  }
0x57: {  	[tilespmem:s21], [sflag:$0x1] =	stream.indirect.gather [hbm4b:s4+s24], $0x80, s8, s24, $0xb8;
	[tilespmem:$0x1D000] =	vst v63  }
0x58: {  	s1 =	simm.s32 $0x80  }
0x59: {  	[tilespmem:s25], [sflag:$0x2] =	stream.indirect.gather [hbm4b:s4+s24], $0x80, s1, s24, $0xb8;
	[tilespmem:$0x1D000] =	vst v63  }
0x5a: {  	_ =	swait.ge [sflag:s26], $0x2000  }
0x5b: {  	[sflag:s26] =	ssyncset.done $0x0  }
0x5c: {  	s6 =	simm.s32 $0x2800;
	[sflag:s26] =	ssyncadd.s32 $0xFFFFE000  }
0x5d: {  	[spmem:s2] =	stream.indirect.scatter.add.f32 [tilespmem:s21], [sflag:$0x3], $0x80, s6, s24, $0xb8;
	[tilespmem:$0x1D000] =	vst v63  }
0x5e: {  	_ =	swait.ge [sflag:s22], $0x2000  }
0x5f: {  	[sflag:s22] =	ssyncset.done $0x0  }
0x60: {  	s7 =	simm.s32 $0x100;
	[sflag:s22] =	ssyncadd.s32 $0xFFFFE000  }
0x61: {  	[tilespmem:s21], [sflag:$0x1] =	stream.indirect.gather [hbm4b:s4+s24], $0x80, s7, s24, $0xb8;
	[tilespmem:$0x1D000] =	vst v63  }
0x62: {  	_ =	swait.ge [sflag:s28], $0x2000  }
0x63: {  	[sflag:s28] =	ssyncset.done $0x0  }
0x64: {  	s8 =	simm.s32 $0x2880;
	[sflag:s28] =	ssyncadd.s32 $0xFFFFE000  }
0x65: {  	[spmem:s2] =	stream.indirect.scatter.add.f32 [tilespmem:s25], [sflag:$0x3], $0x80, s8, s24, $0xb8;
	[tilespmem:$0x1D000] =	vst v63  }
0x66: {  	_ =	swait.ge [sflag:s22], $0x2000  }
0x67: {  	s0 =	simm.s32 $0x100;
	s1 =	simm.s32 $0x800;
	[sflag:s22] =	ssyncset.done $0x0  }
.LBB2_4:
0x68: {  	s6 =	sadd.s32 $0x80, s0  }
0x69: {  	[sflag:s22] =	ssyncadd.s32 $0xFFFFE000;
	s7 =	smov.u32 s1;
	s8 =	sadd.s32 $0x400, s1  }
0x6a: {  	[tilespmem:s25], [sflag:$0x2] =	stream.indirect.gather [hbm4b:s4+s24], $0x80, s6, s24, $0xb8;
	[tilespmem:$0x1D000] =	vst v63  }
0x6b: {  	p0 =	sne.s32 s1, $0x9800;
	_ =	swait.ge [sflag:s26], $0x2000  }
0x6c: {  	[sflag:s26] =	ssyncset.done $0x0  }
0x6d: {  	s1 =	sadd.s32 $0x2800, s0;
	[sflag:s26] =	ssyncadd.s32 $0xFFFFE000  }
0x6e: {  	[spmem:s2] =	stream.indirect.scatter.add.f32 [tilespmem:s21], [sflag:$0x3], $0x80, s1, s24, $0xb8;
	[tilespmem:$0x1D000] =	vst v63  }
0x6f: {  	_ =	swait.ge [sflag:s22], $0x2000  }
0x70: {  	[sflag:s22] =	ssyncset.done $0x0  }
0x71: {  	s1 =	sadd.s32 $0x100, s0;
	[sflag:s22] =	ssyncadd.s32 $0xFFFFE000  }
0x72: {  	[tilespmem:s21], [sflag:$0x1] =	stream.indirect.gather [hbm4b:s4+s24], $0x80, s1, s24, $0xb8;
	[tilespmem:$0x1D000] =	vst v63  }
0x73: {  	_ =	swait.ge [sflag:s28], $0x2000  }
.Ltmp1:
0x74: {  	[sflag:s28] =	ssyncset.done $0x0;
	(pc) =	sbr.rel @p0 .LBB2_4-.Ltmp1, $4  }
0x75: {  	s0 =	sadd.s32 $0x2880, s0;
	[sflag:s28] =	ssyncadd.s32 $0xFFFFE000  }
0x76: {  	[spmem:s2] =	stream.indirect.scatter.add.f32 [tilespmem:s25], [sflag:$0x3], $0x80, s0, s24, $0xb8;
	[tilespmem:$0x1D000] =	vst v63  }
0x77: {  	_ =	swait.ge [sflag:s22], $0x2000  }
0x78: {  	s1 =	smov.u32 s8;
	s0 =	sshra.s32 s7, $0x2;
	[sflag:s22] =	ssyncset.done $0x0  }
0x79: {  	s1 =	sadd.s32 $0x80, s0;
	[sflag:s22] =	ssyncadd.s32 $0xFFFFE000  }
0x7a: {  	[tilespmem:s25], [sflag:$0x2] =	stream.indirect.gather [hbm4b:s4+s24], $0x80, s1, s24, $0xb8;
	[tilespmem:$0x1D000] =	vst v63  }
0x7b: {  	_ =	swait.ge [sflag:s26], $0x2000  }
0x7c: {  	[sflag:s26] =	ssyncset.done $0x0  }
0x7d: {  	s8 =	sadd.s32 $0x2800, s0;
	[sflag:s26] =	ssyncadd.s32 $0xFFFFE000  }
0x7e: {  	[spmem:s2] =	stream.indirect.scatter.add.f32 [tilespmem:s21], [sflag:$0x3], $0x80, s8, s24, $0xb8;
	[tilespmem:$0x1D000] =	vst v63  }
0x7f: {  	_ =	swait.ge [sflag:s22], $0x2000  }
0x80: {  	[sflag:s22] =	ssyncset.done $0x0  }
0x81: {  	s6 =	sadd.s32 $0x100, s0;
	[sflag:s22] =	ssyncadd.s32 $0xFFFFE000  }
0x82: {  	[tilespmem:s21], [sflag:$0x1] =	stream.indirect.gather [hbm4b:s4+s24], $0x80, s6, s24, $0xb8;
	[tilespmem:$0x1D000] =	vst v63  }
0x83: {  	_ =	swait.ge [sflag:s28], $0x2000  }
0x84: {  	[sflag:s28] =	ssyncset.done $0x0  }
0x85: {  	s7 =	sadd.s32 $0x2880, s0;
	[sflag:s28] =	ssyncadd.s32 $0xFFFFE000  }
0x86: {  	[spmem:s2] =	stream.indirect.scatter.add.f32 [tilespmem:s25], [sflag:$0x3], $0x80, s7, s24, $0xb8;
	[tilespmem:$0x1D000] =	vst v63  }
0x87: {  	_ =	swait.ge [sflag:s22], $0x2000  }
0x88: {  	[sflag:s22] =	ssyncset.done $0x0  }
0x89: {  	[sflag:s22] =	ssyncadd.s32 $0xFFFFE000  }
0x8a: {  	[tilespmem:s25], [sflag:$0x2] =	stream.indirect.gather [hbm4b:s4+s24], $0x80, s29, s24, $0xb8;
	[tilespmem:$0x1D000] =	vst v63  }
0x8b: {  	_ =	swait.ge [sflag:s26], $0x2000  }
0x8c: {  	[sflag:s26] =	ssyncset.done $0x0  }
0x8d: {  	[sflag:s26] =	ssyncadd.s32 $0xFFFFE000  }
0x8e: {  	[spmem:s2] =	stream.indirect.scatter.add.f32 [tilespmem:s21], [sflag:$0x3], $0x80, s30, s24, $0xb8;
	[tilespmem:$0x1D000] =	vst v63  }
0x8f: {  	_ =	swait.ge [sflag:s22], $0x2000  }
0x90: {  	[sflag:s22] =	ssyncset.done $0x0  }
0x91: {  	[sflag:s22] =	ssyncadd.s32 $0xFFFFE000  }
0x92: {  	_ =	swait.ge [sflag:s28], $0x2000  }
0x93: {  	[sflag:s28] =	ssyncset.done $0x0  }
0x94: {  	[sflag:s28] =	ssyncadd.s32 $0xFFFFE000  }
0x95: {  	[spmem:s2] =	stream.indirect.scatter.add.f32 [tilespmem:s25], [sflag:$0x3], $0x80, s31, s24, $0xb8;
	[tilespmem:$0x1D000] =	vst v63  }
0x96: {  	_ =	swait.ge [sflag:s22], $0x2000  }
0x97: {  	[sflag:s22] =	ssyncset.done $0x0  }
0x98: {  	s8 =	simm.s32 $0x0;
	[sflag:s22] =	ssyncadd.s32 $0xFFFFE000  }
0x99: {  	[tilespmem:s8], [sflag:$0x3] =	stream.linear.gather [hbm4b:s17+s8], $0x2800, $0x38;
	[tilespmem:$0x1D000] =	vst v63  }
0x9a: {  	_ =	swait.ge [sflag:s22], $0x2800  }
0x9b: {  	[sflag:s22] =	ssyncset.done $0x0  }
0x9c: {  	[sflag:s22] =	ssyncadd.s32 $0xFFFFD800  }
0x9d: {  	[tilespmem:s23], [sflag:$0x3] =	stream.linear.gather [hbm4b:s18+s8], $0x2800, $0x38;
	[tilespmem:$0x1D000] =	vst v63  }
0x9e: {  	_ =	swait.ge [sflag:s22], $0x2800  }
0x9f: {  	[sflag:s22] =	ssyncset.done $0x0  }
0xa0: {  	[sflag:s22] =	ssyncadd.s32 $0xFFFFD800  }
0xa1: {  	[tilespmem:s21], [sflag:$0x1] =	stream.indirect.gather [hbm4b:s4+s24], $0x80, s8, s24, $0xb8;
	[tilespmem:$0x1D000] =	vst v63  }
0xa2: {  	s1 =	simm.s32 $0x80  }
0xa3: {  	[tilespmem:s25], [sflag:$0x2] =	stream.indirect.gather [hbm4b:s4+s24], $0x80, s1, s24, $0xb8;
	[tilespmem:$0x1D000] =	vst v63  }
0xa4: {  	_ =	swait.ge [sflag:s26], $0x2000  }
0xa5: {  	[sflag:s26] =	ssyncset.done $0x0  }
0xa6: {  	s6 =	simm.s32 $0x2800;
	[sflag:s26] =	ssyncadd.s32 $0xFFFFE000  }
0xa7: {  	[spmem:s2] =	stream.indirect.scatter.add.f32 [tilespmem:s21], [sflag:$0x3], $0x80, s6, s24, $0xb8;
	[tilespmem:$0x1D000] =	vst v63  }
0xa8: {  	_ =	swait.ge [sflag:s22], $0x2000  }
0xa9: {  	[sflag:s22] =	ssyncset.done $0x0  }
0xaa: {  	s7 =	simm.s32 $0x100;
	[sflag:s22] =	ssyncadd.s32 $0xFFFFE000  }
0xab: {  	[tilespmem:s21], [sflag:$0x1] =	stream.indirect.gather [hbm4b:s4+s24], $0x80, s7, s24, $0xb8;
	[tilespmem:$0x1D000] =	vst v63  }
0xac: {  	_ =	swait.ge [sflag:s28], $0x2000  }
0xad: {  	[sflag:s28] =	ssyncset.done $0x0  }
0xae: {  	s8 =	simm.s32 $0x2880;
	[sflag:s28] =	ssyncadd.s32 $0xFFFFE000  }
0xaf: {  	[spmem:s2] =	stream.indirect.scatter.add.f32 [tilespmem:s25], [sflag:$0x3], $0x80, s8, s24, $0xb8;
	[tilespmem:$0x1D000] =	vst v63  }
0xb0: {  	_ =	swait.ge [sflag:s22], $0x2000  }
0xb1: {  	s0 =	simm.s32 $0x100;
	s1 =	simm.s32 $0x800;
	[sflag:s22] =	ssyncset.done $0x0  }
.LBB2_6:
0xb2: {  	s6 =	sadd.s32 $0x80, s0  }
0xb3: {  	[sflag:s22] =	ssyncadd.s32 $0xFFFFE000;
	s7 =	smov.u32 s1;
	s8 =	sadd.s32 $0x400, s1  }
0xb4: {  	[tilespmem:s25], [sflag:$0x2] =	stream.indirect.gather [hbm4b:s4+s24], $0x80, s6, s24, $0xb8;
	[tilespmem:$0x1D000] =	vst v63  }
0xb5: {  	p0 =	sne.s32 s1, $0x9800;
	_ =	swait.ge [sflag:s26], $0x2000  }
0xb6: {  	[sflag:s26] =	ssyncset.done $0x0  }
0xb7: {  	s1 =	sadd.s32 $0x2800, s0;
	[sflag:s26] =	ssyncadd.s32 $0xFFFFE000  }
0xb8: {  	[spmem:s2] =	stream.indirect.scatter.add.f32 [tilespmem:s21], [sflag:$0x3], $0x80, s1, s24, $0xb8;
	[tilespmem:$0x1D000] =	vst v63  }
0xb9: {  	_ =	swait.ge [sflag:s22], $0x2000  }
0xba: {  	[sflag:s22] =	ssyncset.done $0x0  }
0xbb: {  	s1 =	sadd.s32 $0x100, s0;
	[sflag:s22] =	ssyncadd.s32 $0xFFFFE000  }
0xbc: {  	[tilespmem:s21], [sflag:$0x1] =	stream.indirect.gather [hbm4b:s4+s24], $0x80, s1, s24, $0xb8;
	[tilespmem:$0x1D000] =	vst v63  }
0xbd: {  	_ =	swait.ge [sflag:s28], $0x2000  }
.Ltmp2:
0xbe: {  	[sflag:s28] =	ssyncset.done $0x0;
	(pc) =	sbr.rel @p0 .LBB2_6-.Ltmp2, $4  }
0xbf: {  	s0 =	sadd.s32 $0x2880, s0;
	[sflag:s28] =	ssyncadd.s32 $0xFFFFE000  }
0xc0: {  	[spmem:s2] =	stream.indirect.scatter.add.f32 [tilespmem:s25], [sflag:$0x3], $0x80, s0, s24, $0xb8;
	[tilespmem:$0x1D000] =	vst v63  }
0xc1: {  	_ =	swait.ge [sflag:s22], $0x2000  }
0xc2: {  	s1 =	smov.u32 s8;
	s0 =	sshra.s32 s7, $0x2;
	[sflag:s22] =	ssyncset.done $0x0  }
0xc3: {  	s1 =	sadd.s32 $0x80, s0;
	[sflag:s22] =	ssyncadd.s32 $0xFFFFE000  }
0xc4: {  	[tilespmem:s25], [sflag:$0x2] =	stream.indirect.gather [hbm4b:s4+s24], $0x80, s1, s24, $0xb8;
	[tilespmem:$0x1D000] =	vst v63  }
0xc5: {  	_ =	swait.ge [sflag:s26], $0x2000  }
0xc6: {  	[sflag:s26] =	ssyncset.done $0x0  }
0xc7: {  	s7 =	sadd.s32 $0x2800, s0;
	[sflag:s26] =	ssyncadd.s32 $0xFFFFE000  }
0xc8: {  	[spmem:s2] =	stream.indirect.scatter.add.f32 [tilespmem:s21], [sflag:$0x3], $0x80, s7, s24, $0xb8;
	[tilespmem:$0x1D000] =	vst v63  }
0xc9: {  	_ =	swait.ge [sflag:s22], $0x2000  }
0xca: {  	[sflag:s22] =	ssyncset.done $0x0  }
0xcb: {  	s8 =	sadd.s32 $0x100, s0;
	[sflag:s22] =	ssyncadd.s32 $0xFFFFE000  }
0xcc: {  	[tilespmem:s21], [sflag:$0x1] =	stream.indirect.gather [hbm4b:s4+s24], $0x80, s8, s24, $0xb8;
	[tilespmem:$0x1D000] =	vst v63  }
0xcd: {  	_ =	swait.ge [sflag:s28], $0x2000  }
0xce: {  	[sflag:s28] =	ssyncset.done $0x0  }
0xcf: {  	s6 =	sadd.s32 $0x2880, s0;
	[sflag:s28] =	ssyncadd.s32 $0xFFFFE000  }
0xd0: {  	[spmem:s2] =	stream.indirect.scatter.add.f32 [tilespmem:s25], [sflag:$0x3], $0x80, s6, s24, $0xb8;
	[tilespmem:$0x1D000] =	vst v63  }
0xd1: {  	_ =	swait.ge [sflag:s22], $0x2000  }
0xd2: {  	[sflag:s22] =	ssyncset.done $0x0  }
0xd3: {  	[sflag:s22] =	ssyncadd.s32 $0xFFFFE000  }
0xd4: {  	[tilespmem:s25], [sflag:$0x2] =	stream.indirect.gather [hbm4b:s4+s24], $0x80, s29, s24, $0xb8;
	[tilespmem:$0x1D000] =	vst v63  }
0xd5: {  	_ =	swait.ge [sflag:s26], $0x2000  }
0xd6: {  	[sflag:s26] =	ssyncset.done $0x0  }
0xd7: {  	[sflag:s26] =	ssyncadd.s32 $0xFFFFE000  }
0xd8: {  	[spmem:s2] =	stream.indirect.scatter.add.f32 [tilespmem:s21], [sflag:$0x3], $0x80, s30, s24, $0xb8;
	[tilespmem:$0x1D000] =	vst v63  }
0xd9: {  	_ =	swait.ge [sflag:s22], $0x2000  }
0xda: {  	[sflag:s22] =	ssyncset.done $0x0  }
0xdb: {  	[sflag:s22] =	ssyncadd.s32 $0xFFFFE000  }
0xdc: {  	_ =	swait.ge [sflag:s28], $0x2000  }
0xdd: {  	[sflag:s28] =	ssyncset.done $0x0  }
0xde: {  	[sflag:s28] =	ssyncadd.s32 $0xFFFFE000  }
0xdf: {  	[spmem:s2] =	stream.indirect.scatter.add.f32 [tilespmem:s25], [sflag:$0x3], $0x80, s31, s24, $0xb8;
	[tilespmem:$0x1D000] =	vst v63  }
0xe0: {  	s7 =	stileid.u32;
	_ =	swait.ge [sflag:s22], $0x2000  }
0xe1: {  	s3 =	sadd.s32 $0x1, s3;
	s0 =	sshll.u32 s7, $0x6;
	[sflag:s22] =	ssyncset.done $0x0  }
0xe2: {  	p0 =	sne.s32 s3, s20;
	s0 =	sor.u32 $0x1C03, s0;
	[sflag:s22] =	ssyncadd.s32 $0xFFFFE000  }
.Ltmp3:
0xe3: {  	s8 =	sshrl.u32 s5, $0x3;
	[bflag:$0x0] =	sbarrier.arrive $0xFFFF;
	(pc) =	sbr.rel @p0 .LBB2_1-.Ltmp3, $4  }
0xe4: {  	[hbm:s19], [sflag:s0] =	dma.local [spmem:s8], $0x2800  }
0xe5: {  	_ =	swait.ge [sflag:s22], $0x2800  }
0xe6: {  	[sflag:s22] =	ssyncset.done $0x0  }
0xe7: {  	[sflag:s22] =	ssyncadd.s32 $0xFFFFD800  }
0xe8: {  	_ =	sfence.sel $0x180000  }
0xe9: {  	[bflag:$0x0] =	sbarrier.arrive $0xFFFF  }
0xea: {  	_ =	strace $0x9000004A  }
0xeb: {  	s0 =	stileid.u32;
	[bflag:$0x2] =	sbarrier.arrive $0xFFFF  }
0xec: {  	p0 =	sne.s32 s0, $0x0;
	s0 =	rddreg [dreg:$0x3]  }
0xed: {  	s0 =	sadd.s32 @!p0 $0x100000, s0  }
0xee: {  	[sflag:s0] =	ssyncadd.tile.s32 @!p0 $0x1;
	_ =	shalt  }
.Lfunc_end2:
_tile_overlayer_lowered:
.L_overlay_start_2:
0xef: {  	(tag) =	ssettag $0x2  }
0xf0: {  	s0 =	rddreg [dreg:$0x0];
	s2 =	stileid.u32  }
0xf1: {  	s1 =	rddreg [dreg:$0x1];
	p0 =	sne.s32 s2, $0x0  }
0xf2: {  	s3 =	rddreg [dreg:$0x2];
	[bflag:$0x3] =	sbarrier.arrive $0xFFFF;
	s2 =	simm.s32 @!p0 $0x1C03  }
0xf3: {  	[timem:s3], [sflag:s2] =	dma.local @!p0 [hbm:s0], s1  }
0xf4: {  	s0 =	simm.s32 @!p0 $0x3  }
0xf5: {  	_ =	swait.ge @!p0 [sflag:s0], s1  }
0xf6: {  	s1 =	ssub.s32 @!p0 $0x0, s1;
	[sflag:s0] =	ssyncset.done @!p0 $0x0  }
0xf7: {  	[sflag:s0] =	ssyncadd.s32 @!p0 s1  }
0xf8: {  	[bflag:$0x3] =	sbarrier.arrive $0xFFFF  }
0xf9: {  	_ =	shalt  }

// kernel: kernel.14.cloned.1.call-start
scs
__scs_entry_jumppad:
0x0: {  	(pc) =	sbr.rel $0x88, $3  }
0x1: {  	(tag) =	ssettag $0x0;
	lr =	simm.s32 $0x1  }
0x2: {  	[smem:$0x3F9B] =	sst lr;
	_ =	strace $0xD0000000  }
0x3: {  	_ = 	snop  }
0x4: {  	_ = 	snop  }
0x5: {  	_ = 	snop  }
0x6: {  	_ = 	snop  }
0x7: {  	_ = 	snop  }
__scs_overlays_trampoline_lowered:
0x8: {  	[smem:$0x3FAA] =	sst s0  }
0x9: {  	[smem:$0x3FAB] =	sst s1  }
0xa: {  	[smem:$0x3FAC] =	sst s2  }
0xb: {  	[smem:$0x3FAD] =	sst s3  }
0xc: {  	[smem:$0x3FAE] =	sst s4  }
0xd: {  	[smem:$0x3FAF] =	sst s5  }
0xe: {  	[smem:$0x3FB0] =	sst s6  }
0xf: {  	[smem:$0x3FB1] =	sst s7  }
0x10: {  	[smem:$0x3FB2] =	sst s8  }
0x11: {  	[smem:$0x3FB3] =	sst s9;
	s0 =	simm.s32 @!p0 $0x0  }
0x12: {  	s1 =	sld [smem:$0x3F99];
	s0 =	simm.s32 @p0 $0x1  }
0x13: {  	[smem:$0x3FB4] =	sst s0;
	s0 =	simm.s32 @!p1 $0x0  }
0x14: {  	s2 =	sld [smem:$0x3F98];
	s0 =	simm.s32 @p1 $0x1  }
0x15: {  	[smem:$0x3FB5] =	sst s0;
	s0 =	simm.s32 @!p2 $0x0  }
0x16: {  	s3 =	sld [smem:$0x3FDB];
	s0 =	simm.s32 @p2 $0x1  }
0x17: {  	s4 =	simm.s32 $0x1BF5;
	[smem:$0x3FB7] =	sst s0  }
0x18: {  	s0 =	sld [smem:$0x3F9A];
	_ =	swait.ge [sflag:s4], $0x0  }
0x19: {  	s7 =	sld [smem:$0x3F9B]  }
0x1a: {  	s8 =	sadd.s32 $0xFFFFE003, lr  }
0x1b: {  	s9 =	sadd.s32 $0xFFFFFEF7, lr;
	s5 =	simm.s32 $0xFFFFFFFF;
	p2 =	slt.u32 s8, $0xFFFFF086  }
0x1c: {  	p1 =	slt.u32 s9, $0xF7A;
	s5 =	simm.s32 @!p2 $0x0  }
0x1d: {  	s5 =	simm.s32 @p1 $0x1;
	p0 =	seq.s32 s7, s2  }
0x1e: {  	s7 =	smul.u32 @!p0 $0xF7A, s2;
	p2 =	seq.s32 @!p0 s5, $0x0  }
0x1f: {  	s9 =	smul.u32 $0xF7A, s1;
	s8 =	simm.s32 @!p0 $0x1BF5;
	p2 =	por !p2, p0  }
0x20: {  	[sflag:s8] =	ssyncset.s32 @!p0 $0xFFFFF086;
	s6 =	sadd.s32 @!p0 s3, s7;
	s7 =	simm.s32 @!p0 $0x108  }
0x21: {  	s3 =	sadd.s32 s3, s9;
	s6 =	sadd.s32 @!p0 $0x88, s6;
	s7 =	simm.s32 @p2 $0x1082  }
0x22: {  	[simem:s7], [sflag:s8] =	dma.local @!p0 [hbm:s6], $0xF7A  }
0x23: {  	s9 =	sor.u32 $0xD0000000, s2;
	s6 =	simm.s32 $0x108;
	_ =	swait.ge @!p0 [sflag:s8], $0x0  }
0x24: {  	s3 =	sadd.s32 $0x88, s3;
	s6 =	simm.s32 @!p1 $0x1082;
	[sflag:s4] =	ssyncset.s32 $0xFFFFF086  }
0x25: {  	[simem:s6], [sflag:s4] =	dma.local [hbm:s3], $0xF7A  }
0x26: {  	[smem:$0x3F9B] =	sst s1;
	(tag) =	ssettag s2;
	_ =	strace s9  }
0x27: {  	s1 =	sld [smem:$0x3FAB]  }
0x28: {  	s2 =	sld [smem:$0x3FAC]  }
0x29: {  	s4 =	sld [smem:$0x3FAE]  }
0x2a: {  	p0 =	seq.s32 s5, $0x0;
	s5 =	sld [smem:$0x3FAF]  }
0x2b: {  	s6 =	sld [smem:$0x3FB0]  }
0x2c: {  	s7 =	sld [smem:$0x3FB1]  }
0x2d: {  	s3 =	simm.s32 $0x108;
	s8 =	sld [smem:$0x3FB2]  }
0x2e: {  	s3 =	simm.s32 @!p0 $0x1082;
	s9 =	sld [smem:$0x3FB3]  }
0x2f: {  	lr =	sadd.s32 s0, s3;
	s0 =	sld [smem:$0x3FAA]  }
0x30: {  	s3 =	sld [smem:$0x3FAD]  }
0x31: {  	[smem:$0x3FB6] =	sst s10  }
0x32: {  	s10 =	sld [smem:$0x3FB4];
	_ =	sdelay $0x3  }
0x33: {  	p0 =	seq.s32 s10, $0x1;
	s10 =	sld [smem:$0x3FB6];
	_ =	sdelay $0x3  }
0x34: {  	[smem:$0x3FB6] =	sst s10  }
0x35: {  	s10 =	sld [smem:$0x3FB5];
	_ =	sdelay $0x3  }
0x36: {  	p1 =	seq.s32 s10, $0x1;
	s10 =	sld [smem:$0x3FB6];
	_ =	sdelay $0x3  }
0x37: {  	[smem:$0x3FB6] =	sst s10  }
0x38: {  	s10 =	sld [smem:$0x3FB7]  }
0x39: {  	_ = 	snop;
	(pc) =	sbr.ind lr, $3  }
0x3a: {  	_ = 	snop  }
0x3b: {  	_ = 	snop  }
0x3c: {  	p2 =	seq.s32 s10, $0x1;
	s10 =	sld [smem:$0x3FB6]  }
0x3d: {  	_ =	shalt  }
0x3e: {  	_ =	shalt  }
0x3f: {  	_ =	shalt  }
0x40: {  	_ =	shalt  }
0x41: {  	_ =	shalt  }
0x42: {  	_ =	shalt  }
0x43: {  	_ =	shalt  }
0x44: {  	_ =	shalt  }
0x45: {  	_ =	shalt  }
0x46: {  	_ =	shalt  }
0x47: {  	_ =	shalt  }
0x48: {  	_ =	shalt  }
0x49: {  	_ =	shalt  }
0x4a: {  	_ =	shalt  }
0x4b: {  	_ =	shalt  }
0x4c: {  	_ =	shalt  }
0x4d: {  	_ =	shalt  }
0x4e: {  	_ =	shalt  }
0x4f: {  	_ =	shalt  }
0x50: {  	_ =	shalt  }
0x51: {  	_ =	shalt  }
0x52: {  	_ =	shalt  }
0x53: {  	_ =	shalt  }
0x54: {  	_ =	shalt  }
0x55: {  	_ =	shalt  }
0x56: {  	_ =	shalt  }
0x57: {  	_ =	shalt  }
0x58: {  	_ =	shalt  }
0x59: {  	_ =	shalt  }
0x5a: {  	_ =	shalt  }
0x5b: {  	_ =	shalt  }
0x5c: {  	_ =	shalt  }
0x5d: {  	_ =	shalt  }
0x5e: {  	_ =	shalt  }
0x5f: {  	_ =	shalt  }
0x60: {  	_ =	shalt  }
0x61: {  	_ =	shalt  }
0x62: {  	_ =	shalt  }
0x63: {  	_ =	shalt  }
0x64: {  	_ =	shalt  }
0x65: {  	_ =	shalt  }
0x66: {  	_ =	shalt  }
0x67: {  	_ =	shalt  }
0x68: {  	_ =	shalt  }
0x69: {  	_ =	shalt  }
0x6a: {  	_ =	shalt  }
0x6b: {  	_ =	shalt  }
0x6c: {  	_ =	shalt  }
0x6d: {  	_ =	shalt  }
0x6e: {  	_ =	shalt  }
0x6f: {  	_ =	shalt  }
0x70: {  	_ =	shalt  }
0x71: {  	_ =	shalt  }
0x72: {  	_ =	shalt  }
0x73: {  	_ =	shalt  }
0x74: {  	_ =	shalt  }
0x75: {  	_ =	shalt  }
0x76: {  	_ =	shalt  }
0x77: {  	_ =	shalt  }
0x78: {  	_ =	shalt  }
0x79: {  	_ =	shalt  }
0x7a: {  	_ =	shalt  }
0x7b: {  	_ =	shalt  }
0x7c: {  	_ =	shalt  }
0x7d: {  	_ =	shalt  }
0x7e: {  	_ =	shalt  }
0x7f: {  	_ =	shalt  }
0x80: {  	_ =	shalt  }
0x81: {  	_ =	shalt  }
0x82: {  	_ =	shalt  }
0x83: {  	_ =	shalt  }
0x84: {  	_ =	shalt  }
0x85: {  	_ =	shalt  }
0x86: {  	_ =	shalt  }
0x87: {  	_ =	shalt  }
.Lfunc_end0:
.L_simem_size_0:
called_computation.2_lowered:
.L_overlay_start_0:
0x88: {  	s2 =	sld [smem:$0x3FD9]  }
0x89: {  	s3 =	sld [smem:$0x3FFE];
	_ =	sdelay $0x1  }
0x8a: {  	s1 =	srdreg.scid  }
0x8b: {  	s0 =	sand.u32 $0x1, s1  }
0x8c: {  	s17 =	sshll.u32 s0, $0xA;
	s2 =	sadd.s32 s3, s2  }
0x8d: {  	s2 =	sadd.s32 s2, s17  }
0x8e: {  	[smem:$0x3FC2] =	sst s2  }
0x8f: {  	_ = 	snop  }
0x90: {  	s2 =	sld [smem:$0x3FD0];
	(tm) =	ssettm $0x1  }
0x91: {  	s18 =	sld [smem:$0x3FFB];
	_ =	sdelay $0x3  }
0x92: {  	_ =	strace s18  }
0x93: {  	s3 =	sld [smem:$0x3FFC];
	_ =	sdelay $0x3  }
0x94: {  	_ =	strace s3  }
0x95: {  	s3 =	sld [smem:$0x3FFD];
	_ =	sdelay $0x3  }
0x96: {  	_ =	strace s3  }
0x97: {  	_ =	strace $0x8FFFFFFF  }
0x98: {  	s19 =	sld [smem:$0x3FDB];
	_ =	sdelay $0x1  }
0x99: {  	s4 =	simm.s32 $_scs_section_size  }
0x9a: {  	s5 =	simm.s32 $_size__tile_overlayer_lowered;
	s6 =	simm.s32 $_tile_overlayer_lowered  }
0x9b: {  	s22 =	simm.s32 $0x1BFF;
	s21 =	sshll.u32 s6, $0x1;
	s3 =	sadd.s32 s4, s19  }
0x9c: {  	s7 =	simm.s32 $0x0;
	s20 =	sshll.u32 s5, $0x1;
	s5 =	sadd.s32 s21, s3  }
0x9d: {  	[timem:s7], [sflag:s22] =	dma.local [hbm:s5], s20  }
0x9e: {  	_ =	swait.ge [sflag:s22], s20  }
0x9f: {  	s4 =	ssub.s32 $0x0, s20;
	[sflag:s22] =	ssyncset.done $0x0  }
0xa0: {  	[sflag:s22] =	ssyncadd.s32 s4;
	_ =	sdelay $0x1  }
0xa1: {  	s23 =	simm.s32 $0x1B8B  }
0xa2: {  	_ =	swait.ge [sflag:s23], $0x1  }
0xa3: {  	[sflag:s23] =	ssyncset.done $0x0  }
0xa4: {  	s25 =	simm.s32 $0x1B8E;
	s24 =	sld [smem:$0x3FFE];
	[sflag:s23] =	ssyncadd.s32 $0xFFFFFFFF  }
0xa5: {  	s26 =	simm.s32 $execute0_lowered;
	[smem:$0x3FD2] =	sst s25  }
0xa6: {  	s5 =	sshll.u32 s26, $0x1;
	_ =	strace $0x8000004C;
	[dreg:$0x1] =	wrdreg $0xFFFFFFFF  }
0xa7: {  	s28 =	simm.s32 $_size_execute0_lowered;
	s3 =	sadd.s32 s3, s5;
	[dreg:$0x0] =	wrdreg $0x0  }
0xa8: {  	s5 =	sshll.u32 s28, $0x1;
	[dreg:$0x2] =	wrdreg s3  }
0xa9: {  	[dreg:$0x3] =	wrdreg s5  }
0xaa: {  	[dreg:$0x4] =	wrdreg $0xC0  }
0xab: {  	_ =	task [dreg:s7], $0x5FFFF  }
0xac: {  	[dreg:$0x1] =	wrdreg $0xFFFFFFFF  }
0xad: {  	[dreg:$0x0] =	wrdreg $0x60  }
0xae: {  	[dreg:$0x2] =	wrdreg s24  }
0xaf: {  	[dreg:$0x3] =	wrdreg s2  }
0xb0: {  	[dreg:$0x4] =	wrdreg $0x90000  }
0xb1: {  	[dreg:$0x5] =	wrdreg $0x9  }
0xb2: {  	_ =	task.clear_ibuf [dreg:s7], $0x6FFFF;
	_ =	strace $0x9000004C  }
0xb3: {  	s29 =	simm.s32 $0x9;
	_ =	strace $0x8000004E  }
0xb4: {  	_ =	swait.ge [sflag:s29], $0x1  }
0xb5: {  	[sflag:s29] =	ssyncadd.s32 $0xFFFFFFFF  }
0xb6: {  	_ =	strace $0x9000004E  }
0xb7: {  	_ =	sfence  }
0xb8: {  	s30 =	sld [smem:$0x0];
	_ =	sdelay $0x2  }
0xb9: {  	s31 =	sshll.u32 s1, $0xD;
	s1 =	sshrl.u32 s1, $0x2  }
0xba: {  	s3 =	sand.u32 $0x4000, s31;
	s1 =	sadd.s32 s1, s30  }
0xbb: {  	s0 =	sor.u32 s3, s0;
	s1 =	sshll.u32 s1, $0x11  }
0xbc: {  	s0 =	sor.u32 s1, s0  }
0xbd: {  	s0 =	sadd.s32 $0x8F2B, s0  }
0xbe: {  	[sflag:s0] =	ssyncadd.remote.s32 $0x1  }
0xbf: {  	_ =	sfence.sel $0xFFFF  }
0xc0: {  	[dreg:$0x0] =	wrdreg $0xFFFFFFFF;
	(pc) =	sbr.abs _section_cstart, $3  }
0xc1: {  	[dreg:$0x1] =	wrdreg $0xFFFFFFFF  }
0xc2: {  	_ =	task.clear_ibuf [dreg:s7], $0x2FFFF;
	_ =	strace $0x9FFFFFFF  }
0xc3: {  	(tm) =	ssettm $0x7FFFFFFF  }
tec
execute0_lowered:
.L_overlay_start_1:
0x0: {  	(tag) =	ssettag $0x1  }
0x1: {  	s0 =	rddreg [dreg:$0x0]  }
0x2: {  	s1 =	rddreg [dreg:$0x1]  }
0x3: {  	s3 =	srdreg.scid;
	s2 =	rddreg [dreg:$0x2]  }
0x4: {  	s9 =	stileid.u32;
	s21 =	simm.s32 $0x5000;
	s28 =	simm.s32 $0x2  }
0x5: {  	s29 =	simm.s32 $0x2780;
	s30 =	simm.s32 $0x4F00;
	s31 =	simm.s32 $0x4F80  }
0x6: {  	s6 =	sand.u32 $0x1, s3;
	s3 =	simm.s32 $0x0;
	s5 =	smul.u32 $0x14000, s9  }
0x7: {  	s7 =	smul.u32 $0x50000, s9;
	s18 =	sadd.s32 $0x16200, s0;
	s9 =	sshll.u32 s9, $0x1  }
0x8: {  	s4 =	smul.u32 $0x140000, s6;
	[smem:$0x7FF] =	sst s3;
	s8 =	ssub.s32 $0x2, s6  }
0x9: {  	s9 =	sor.u32 s6, s9;
	_ =	strace $0x8000004D;
	s22 =	sshrl.u32 s7, $0x2  }
0xa: {  	s23 =	sshrl.u32 s8, $0x1;
	s14 =	smul.u32 $0x5000, s9;
	s5 =	sadd.s32 s5, s4  }
0xb: {  	s4 =	sadd.s32 $0x2A200, s0;
	s20 =	ssub.s32 s8, s23;
	s23 =	simm.s32 $0x2800  }
0xc: {  	s5 =	sshrl.u32 s5, $0x3;
	s16 =	sshrl.u32 s14, $0x3;
	s20 =	smax.u32 s20, $0x1  }
0xd: {  	s0 =	sadd.s32 s5, s0;
	s5 =	sadd.s32 s22, s2;
	s15 =	sadd.s32 s1, s16  }
0xe: {  	s19 =	sadd.s32 $0x500, s16;
	s16 =	sadd.s32 s18, s16;
	s22 =	simm.s32 $0x3  }
0xf: {  	s24 =	sadd.s32 $0x2000, s5;
	s25 =	sadd.s32 $0x4000, s5;
	s26 =	sadd.s32 $0x6000, s5  }
0x10: {  	s9 =	sadd.s32 $0x8000, s5;
	s10 =	sadd.s32 $0xA000, s5;
	s11 =	sadd.s32 $0xC000, s5  }
0x11: {  	s12 =	sadd.s32 $0xE000, s5;
	s13 =	sadd.s32 $0x10000, s5;
	[dreg:$0x4] =	wrdreg s24  }
0x12: {  	s14 =	sadd.s32 $0x12000, s5;
	s17 =	sadd.s32 s1, s19;
	[dreg:$0x5] =	wrdreg s25  }
0x13: {  	s18 =	sadd.s32 s18, s19;
	s19 =	sadd.s32 $0x52200, s0;
	[dreg:$0x6] =	wrdreg s26  }
0x14: {  	v0 =	vimm.f32 $0.0e+00;
	s24 =	simm.s32 $0x40;
	s25 =	simm.s32 $0x7000;
	s26 =	simm.s32 $0x1  }
.LBB2_1:
0x15: {  	s0 =	simm.s32 $0x0;
	s1 =	simm.s32 $0x200  }
.LBB2_2:
0x16: {  	p0 =	sne.s32 s1, $0x7E00;
	[tilespmem:s0+$0x5070] =	vst v0  }
0x17: {  	[tilespmem:s0+$0x5000] =	vst v0  }
0x18: {  	[tilespmem:s0+$0x5010] =	vst v0  }
.Ltmp0:
0x19: {  	[tilespmem:s0+$0x5020] =	vst v0;
	(pc) =	sbr.rel @p0 .LBB2_2-.Ltmp0, $4  }
0x1a: {  	[tilespmem:s0+$0x5030] =	vst v0  }
0x1b: {  	[tilespmem:s0+$0x5040] =	vst v0  }
0x1c: {  	[tilespmem:s0+$0x5050] =	vst v0  }
0x1d: {  	[tilespmem:s0+$0x5060] =	vst v0;
	s0 =	sshra.s32 s1, $0x2;
	s1 =	sadd.s32 $0x200, s1  }
0x1e: {  	[tilespmem:s0+$0x5070] =	vst v0  }
0x1f: {  	[tilespmem:s0+$0x5000] =	vst v0  }
0x20: {  	[tilespmem:s0+$0x5010] =	vst v0  }
0x21: {  	[tilespmem:s0+$0x5020] =	vst v0  }
0x22: {  	[tilespmem:s0+$0x5030] =	vst v0  }
0x23: {  	[tilespmem:s0+$0x5040] =	vst v0  }
0x24: {  	[tilespmem:s0+$0x5050] =	vst v0  }
0x25: {  	[tilespmem:s0+$0x5060] =	vst v0  }
0x26: {  	[spmem:s5] =	stream.linear.scatter [tilespmem:s21], [sflag:$0x3], $0x2000, $0x38;
	[tilespmem:$0x1D000] =	vst v63  }
0x27: {  	_ =	swait.ge [sflag:s22], $0x2000  }
0x28: {  	[sflag:s22] =	ssyncset.done $0x0  }
0x29: {  	s1 =	rddreg [dreg:$0x4];
	[sflag:s22] =	ssyncadd.s32 $0xFFFFE000  }
0x2a: {  	[spmem:s1] =	stream.linear.scatter [tilespmem:s21], [sflag:$0x3], $0x2000, $0x38;
	[tilespmem:$0x1D000] =	vst v63  }
0x2b: {  	_ =	swait.ge [sflag:s22], $0x2000  }
0x2c: {  	[sflag:s22] =	ssyncset.done $0x0  }
0x2d: {  	s6 =	rddreg [dreg:$0x5];
	[sflag:s22] =	ssyncadd.s32 $0xFFFFE000  }
0x2e: {  	[spmem:s6] =	stream.linear.scatter [tilespmem:s21], [sflag:$0x3], $0x2000, $0x38;
	[tilespmem:$0x1D000] =	vst v63  }
0x2f: {  	_ =	swait.ge [sflag:s22], $0x2000  }
0x30: {  	[sflag:s22] =	ssyncset.done $0x0  }
0x31: {  	s7 =	rddreg [dreg:$0x6];
	[sflag:s22] =	ssyncadd.s32 $0xFFFFE000  }
0x32: {  	[spmem:s7] =	stream.linear.scatter [tilespmem:s21], [sflag:$0x3], $0x2000, $0x38;
	[tilespmem:$0x1D000] =	vst v63  }
0x33: {  	_ =	swait.ge [sflag:s22], $0x2000  }
0x34: {  	[sflag:s22] =	ssyncset.done $0x0  }
0x35: {  	[sflag:s22] =	ssyncadd.s32 $0xFFFFE000  }
0x36: {  	[spmem:s9] =	stream.linear.scatter [tilespmem:s21], [sflag:$0x3], $0x2000, $0x38;
	[tilespmem:$0x1D000] =	vst v63  }
0x37: {  	_ =	swait.ge [sflag:s22], $0x2000  }
0x38: {  	[sflag:s22] =	ssyncset.done $0x0  }
0x39: {  	[sflag:s22] =	ssyncadd.s32 $0xFFFFE000  }
0x3a: {  	[spmem:s10] =	stream.linear.scatter [tilespmem:s21], [sflag:$0x3], $0x2000, $0x38;
	[tilespmem:$0x1D000] =	vst v63  }
0x3b: {  	_ =	swait.ge [sflag:s22], $0x2000  }
0x3c: {  	[sflag:s22] =	ssyncset.done $0x0  }
0x3d: {  	[sflag:s22] =	ssyncadd.s32 $0xFFFFE000  }
0x3e: {  	[spmem:s11] =	stream.linear.scatter [tilespmem:s21], [sflag:$0x3], $0x2000, $0x38;
	[tilespmem:$0x1D000] =	vst v63  }
0x3f: {  	_ =	swait.ge [sflag:s22], $0x2000  }
0x40: {  	[sflag:s22] =	ssyncset.done $0x0  }
0x41: {  	[sflag:s22] =	ssyncadd.s32 $0xFFFFE000  }
0x42: {  	[spmem:s12] =	stream.linear.scatter [tilespmem:s21], [sflag:$0x3], $0x2000, $0x38;
	[tilespmem:$0x1D000] =	vst v63  }
0x43: {  	_ =	swait.ge [sflag:s22], $0x2000  }
0x44: {  	[sflag:s22] =	ssyncset.done $0x0  }
0x45: {  	[sflag:s22] =	ssyncadd.s32 $0xFFFFE000  }
0x46: {  	[spmem:s13] =	stream.linear.scatter [tilespmem:s21], [sflag:$0x3], $0x2000, $0x38;
	[tilespmem:$0x1D000] =	vst v63  }
0x47: {  	_ =	swait.ge [sflag:s22], $0x2000  }
0x48: {  	[sflag:s22] =	ssyncset.done $0x0  }
0x49: {  	[sflag:s22] =	ssyncadd.s32 $0xFFFFE000  }
0x4a: {  	[spmem:s14] =	stream.linear.scatter [tilespmem:s21], [sflag:$0x3], $0x2000, $0x38;
	[tilespmem:$0x1D000] =	vst v63  }
0x4b: {  	_ =	swait.ge [sflag:s22], $0x2000  }
0x4c: {  	[sflag:s22] =	ssyncset.done $0x0  }
0x4d: {  	[sflag:s22] =	ssyncadd.s32 $0xFFFFE000  }
0x4e: {  	s8 =	simm.s32 $0x0;
	[bflag:$0x0] =	sbarrier.arrive $0xFFFF  }
0x4f: {  	[tilespmem:s8], [sflag:$0x3] =	stream.linear.gather [hbm4b:s15+s8], $0x2800, $0x38;
	[tilespmem:$0x1D000] =	vst v63  }
0x50: {  	_ =	swait.ge [sflag:s22], $0x2800  }
0x51: {  	[sflag:s22] =	ssyncset.done $0x0  }
0x52: {  	[sflag:s22] =	ssyncadd.s32 $0xFFFFD800  }
0x53: {  	[tilespmem:s23], [sflag:$0x3] =	stream.linear.gather [hbm4b:s16+s8], $0x2800, $0x38;
	[tilespmem:$0x1D000] =	vst v63  }
0x54: {  	_ =	swait.ge [sflag:s22], $0x2800  }
0x55: {  	[sflag:s22] =	ssyncset.done $0x0  }
0x56: {  	[sflag:s22] =	ssyncadd.s32 $0xFFFFD800  }
0x57: {  	[tilespmem:s21], [sflag:$0x1] =	stream.indirect.gather [hbm4b:s4+s24], $0x80, s8, s24, $0xb8;
	[tilespmem:$0x1D000] =	vst v63  }
0x58: {  	s1 =	simm.s32 $0x80  }
0x59: {  	[tilespmem:s25], [sflag:$0x2] =	stream.indirect.gather [hbm4b:s4+s24], $0x80, s1, s24, $0xb8;
	[tilespmem:$0x1D000] =	vst v63  }
0x5a: {  	_ =	swait.ge [sflag:s26], $0x2000  }
0x5b: {  	[sflag:s26] =	ssyncset.done $0x0  }
0x5c: {  	s6 =	simm.s32 $0x2800;
	[sflag:s26] =	ssyncadd.s32 $0xFFFFE000  }
0x5d: {  	[spmem:s2] =	stream.indirect.scatter.add.f32 [tilespmem:s21], [sflag:$0x3], $0x80, s6, s24, $0xb8;
	[tilespmem:$0x1D000] =	vst v63  }
0x5e: {  	_ =	swait.ge [sflag:s22], $0x2000  }
0x5f: {  	[sflag:s22] =	ssyncset.done $0x0  }
0x60: {  	s7 =	simm.s32 $0x100;
	[sflag:s22] =	ssyncadd.s32 $0xFFFFE000  }
0x61: {  	[tilespmem:s21], [sflag:$0x1] =	stream.indirect.gather [hbm4b:s4+s24], $0x80, s7, s24, $0xb8;
	[tilespmem:$0x1D000] =	vst v63  }
0x62: {  	_ =	swait.ge [sflag:s28], $0x2000  }
0x63: {  	[sflag:s28] =	ssyncset.done $0x0  }
0x64: {  	s8 =	simm.s32 $0x2880;
	[sflag:s28] =	ssyncadd.s32 $0xFFFFE000  }
0x65: {  	[spmem:s2] =	stream.indirect.scatter.add.f32 [tilespmem:s25], [sflag:$0x3], $0x80, s8, s24, $0xb8;
	[tilespmem:$0x1D000] =	vst v63  }
0x66: {  	_ =	swait.ge [sflag:s22], $0x2000  }
0x67: {  	s0 =	simm.s32 $0x100;
	s1 =	simm.s32 $0x800;
	[sflag:s22] =	ssyncset.done $0x0  }
.LBB2_4:
0x68: {  	s6 =	sadd.s32 $0x80, s0  }
0x69: {  	[sflag:s22] =	ssyncadd.s32 $0xFFFFE000;
	s7 =	smov.u32 s1;
	s8 =	sadd.s32 $0x400, s1  }
0x6a: {  	[tilespmem:s25], [sflag:$0x2] =	stream.indirect.gather [hbm4b:s4+s24], $0x80, s6, s24, $0xb8;
	[tilespmem:$0x1D000] =	vst v63  }
0x6b: {  	p0 =	sne.s32 s1, $0x9800;
	_ =	swait.ge [sflag:s26], $0x2000  }
0x6c: {  	[sflag:s26] =	ssyncset.done $0x0  }
0x6d: {  	s1 =	sadd.s32 $0x2800, s0;
	[sflag:s26] =	ssyncadd.s32 $0xFFFFE000  }
0x6e: {  	[spmem:s2] =	stream.indirect.scatter.add.f32 [tilespmem:s21], [sflag:$0x3], $0x80, s1, s24, $0xb8;
	[tilespmem:$0x1D000] =	vst v63  }
0x6f: {  	_ =	swait.ge [sflag:s22], $0x2000  }
0x70: {  	[sflag:s22] =	ssyncset.done $0x0  }
0x71: {  	s1 =	sadd.s32 $0x100, s0;
	[sflag:s22] =	ssyncadd.s32 $0xFFFFE000  }
0x72: {  	[tilespmem:s21], [sflag:$0x1] =	stream.indirect.gather [hbm4b:s4+s24], $0x80, s1, s24, $0xb8;
	[tilespmem:$0x1D000] =	vst v63  }
0x73: {  	_ =	swait.ge [sflag:s28], $0x2000  }
.Ltmp1:
0x74: {  	[sflag:s28] =	ssyncset.done $0x0;
	(pc) =	sbr.rel @p0 .LBB2_4-.Ltmp1, $4  }
0x75: {  	s0 =	sadd.s32 $0x2880, s0;
	[sflag:s28] =	ssyncadd.s32 $0xFFFFE000  }
0x76: {  	[spmem:s2] =	stream.indirect.scatter.add.f32 [tilespmem:s25], [sflag:$0x3], $0x80, s0, s24, $0xb8;
	[tilespmem:$0x1D000] =	vst v63  }
0x77: {  	_ =	swait.ge [sflag:s22], $0x2000  }
0x78: {  	s1 =	smov.u32 s8;
	s0 =	sshra.s32 s7, $0x2;
	[sflag:s22] =	ssyncset.done $0x0  }
0x79: {  	s1 =	sadd.s32 $0x80, s0;
	[sflag:s22] =	ssyncadd.s32 $0xFFFFE000  }
0x7a: {  	[tilespmem:s25], [sflag:$0x2] =	stream.indirect.gather [hbm4b:s4+s24], $0x80, s1, s24, $0xb8;
	[tilespmem:$0x1D000] =	vst v63  }
0x7b: {  	_ =	swait.ge [sflag:s26], $0x2000  }
0x7c: {  	[sflag:s26] =	ssyncset.done $0x0  }
0x7d: {  	s8 =	sadd.s32 $0x2800, s0;
	[sflag:s26] =	ssyncadd.s32 $0xFFFFE000  }
0x7e: {  	[spmem:s2] =	stream.indirect.scatter.add.f32 [tilespmem:s21], [sflag:$0x3], $0x80, s8, s24, $0xb8;
	[tilespmem:$0x1D000] =	vst v63  }
0x7f: {  	_ =	swait.ge [sflag:s22], $0x2000  }
0x80: {  	[sflag:s22] =	ssyncset.done $0x0  }
0x81: {  	s6 =	sadd.s32 $0x100, s0;
	[sflag:s22] =	ssyncadd.s32 $0xFFFFE000  }
0x82: {  	[tilespmem:s21], [sflag:$0x1] =	stream.indirect.gather [hbm4b:s4+s24], $0x80, s6, s24, $0xb8;
	[tilespmem:$0x1D000] =	vst v63  }
0x83: {  	_ =	swait.ge [sflag:s28], $0x2000  }
0x84: {  	[sflag:s28] =	ssyncset.done $0x0  }
0x85: {  	s7 =	sadd.s32 $0x2880, s0;
	[sflag:s28] =	ssyncadd.s32 $0xFFFFE000  }
0x86: {  	[spmem:s2] =	stream.indirect.scatter.add.f32 [tilespmem:s25], [sflag:$0x3], $0x80, s7, s24, $0xb8;
	[tilespmem:$0x1D000] =	vst v63  }
0x87: {  	_ =	swait.ge [sflag:s22], $0x2000  }
0x88: {  	[sflag:s22] =	ssyncset.done $0x0  }
0x89: {  	[sflag:s22] =	ssyncadd.s32 $0xFFFFE000  }
0x8a: {  	[tilespmem:s25], [sflag:$0x2] =	stream.indirect.gather [hbm4b:s4+s24], $0x80, s29, s24, $0xb8;
	[tilespmem:$0x1D000] =	vst v63  }
0x8b: {  	_ =	swait.ge [sflag:s26], $0x2000  }
0x8c: {  	[sflag:s26] =	ssyncset.done $0x0  }
0x8d: {  	[sflag:s26] =	ssyncadd.s32 $0xFFFFE000  }
0x8e: {  	[spmem:s2] =	stream.indirect.scatter.add.f32 [tilespmem:s21], [sflag:$0x3], $0x80, s30, s24, $0xb8;
	[tilespmem:$0x1D000] =	vst v63  }
0x8f: {  	_ =	swait.ge [sflag:s22], $0x2000  }
0x90: {  	[sflag:s22] =	ssyncset.done $0x0  }
0x91: {  	[sflag:s22] =	ssyncadd.s32 $0xFFFFE000  }
0x92: {  	_ =	swait.ge [sflag:s28], $0x2000  }
0x93: {  	[sflag:s28] =	ssyncset.done $0x0  }
0x94: {  	[sflag:s28] =	ssyncadd.s32 $0xFFFFE000  }
0x95: {  	[spmem:s2] =	stream.indirect.scatter.add.f32 [tilespmem:s25], [sflag:$0x3], $0x80, s31, s24, $0xb8;
	[tilespmem:$0x1D000] =	vst v63  }
0x96: {  	_ =	swait.ge [sflag:s22], $0x2000  }
0x97: {  	[sflag:s22] =	ssyncset.done $0x0  }
0x98: {  	s8 =	simm.s32 $0x0;
	[sflag:s22] =	ssyncadd.s32 $0xFFFFE000  }
0x99: {  	[tilespmem:s8], [sflag:$0x3] =	stream.linear.gather [hbm4b:s17+s8], $0x2800, $0x38;
	[tilespmem:$0x1D000] =	vst v63  }
0x9a: {  	_ =	swait.ge [sflag:s22], $0x2800  }
0x9b: {  	[sflag:s22] =	ssyncset.done $0x0  }
0x9c: {  	[sflag:s22] =	ssyncadd.s32 $0xFFFFD800  }
0x9d: {  	[tilespmem:s23], [sflag:$0x3] =	stream.linear.gather [hbm4b:s18+s8], $0x2800, $0x38;
	[tilespmem:$0x1D000] =	vst v63  }
0x9e: {  	_ =	swait.ge [sflag:s22], $0x2800  }
0x9f: {  	[sflag:s22] =	ssyncset.done $0x0  }
0xa0: {  	[sflag:s22] =	ssyncadd.s32 $0xFFFFD800  }
0xa1: {  	[tilespmem:s21], [sflag:$0x1] =	stream.indirect.gather [hbm4b:s4+s24], $0x80, s8, s24, $0xb8;
	[tilespmem:$0x1D000] =	vst v63  }
0xa2: {  	s1 =	simm.s32 $0x80  }
0xa3: {  	[tilespmem:s25], [sflag:$0x2] =	stream.indirect.gather [hbm4b:s4+s24], $0x80, s1, s24, $0xb8;
	[tilespmem:$0x1D000] =	vst v63  }
0xa4: {  	_ =	swait.ge [sflag:s26], $0x2000  }
0xa5: {  	[sflag:s26] =	ssyncset.done $0x0  }
0xa6: {  	s6 =	simm.s32 $0x2800;
	[sflag:s26] =	ssyncadd.s32 $0xFFFFE000  }
0xa7: {  	[spmem:s2] =	stream.indirect.scatter.add.f32 [tilespmem:s21], [sflag:$0x3], $0x80, s6, s24, $0xb8;
	[tilespmem:$0x1D000] =	vst v63  }
0xa8: {  	_ =	swait.ge [sflag:s22], $0x2000  }
0xa9: {  	[sflag:s22] =	ssyncset.done $0x0  }
0xaa: {  	s7 =	simm.s32 $0x100;
	[sflag:s22] =	ssyncadd.s32 $0xFFFFE000  }
0xab: {  	[tilespmem:s21], [sflag:$0x1] =	stream.indirect.gather [hbm4b:s4+s24], $0x80, s7, s24, $0xb8;
	[tilespmem:$0x1D000] =	vst v63  }
0xac: {  	_ =	swait.ge [sflag:s28], $0x2000  }
0xad: {  	[sflag:s28] =	ssyncset.done $0x0  }
0xae: {  	s8 =	simm.s32 $0x2880;
	[sflag:s28] =	ssyncadd.s32 $0xFFFFE000  }
0xaf: {  	[spmem:s2] =	stream.indirect.scatter.add.f32 [tilespmem:s25], [sflag:$0x3], $0x80, s8, s24, $0xb8;
	[tilespmem:$0x1D000] =	vst v63  }
0xb0: {  	_ =	swait.ge [sflag:s22], $0x2000  }
0xb1: {  	s0 =	simm.s32 $0x100;
	s1 =	simm.s32 $0x800;
	[sflag:s22] =	ssyncset.done $0x0  }
.LBB2_6:
0xb2: {  	s6 =	sadd.s32 $0x80, s0  }
0xb3: {  	[sflag:s22] =	ssyncadd.s32 $0xFFFFE000;
	s7 =	smov.u32 s1;
	s8 =	sadd.s32 $0x400, s1  }
0xb4: {  	[tilespmem:s25], [sflag:$0x2] =	stream.indirect.gather [hbm4b:s4+s24], $0x80, s6, s24, $0xb8;
	[tilespmem:$0x1D000] =	vst v63  }
0xb5: {  	p0 =	sne.s32 s1, $0x9800;
	_ =	swait.ge [sflag:s26], $0x2000  }
0xb6: {  	[sflag:s26] =	ssyncset.done $0x0  }
0xb7: {  	s1 =	sadd.s32 $0x2800, s0;
	[sflag:s26] =	ssyncadd.s32 $0xFFFFE000  }
0xb8: {  	[spmem:s2] =	stream.indirect.scatter.add.f32 [tilespmem:s21], [sflag:$0x3], $0x80, s1, s24, $0xb8;
	[tilespmem:$0x1D000] =	vst v63  }
0xb9: {  	_ =	swait.ge [sflag:s22], $0x2000  }
0xba: {  	[sflag:s22] =	ssyncset.done $0x0  }
0xbb: {  	s1 =	sadd.s32 $0x100, s0;
	[sflag:s22] =	ssyncadd.s32 $0xFFFFE000  }
0xbc: {  	[tilespmem:s21], [sflag:$0x1] =	stream.indirect.gather [hbm4b:s4+s24], $0x80, s1, s24, $0xb8;
	[tilespmem:$0x1D000] =	vst v63  }
0xbd: {  	_ =	swait.ge [sflag:s28], $0x2000  }
.Ltmp2:
0xbe: {  	[sflag:s28] =	ssyncset.done $0x0;
	(pc) =	sbr.rel @p0 .LBB2_6-.Ltmp2, $4  }
0xbf: {  	s0 =	sadd.s32 $0x2880, s0;
	[sflag:s28] =	ssyncadd.s32 $0xFFFFE000  }
0xc0: {  	[spmem:s2] =	stream.indirect.scatter.add.f32 [tilespmem:s25], [sflag:$0x3], $0x80, s0, s24, $0xb8;
	[tilespmem:$0x1D000] =	vst v63  }
0xc1: {  	_ =	swait.ge [sflag:s22], $0x2000  }
0xc2: {  	s1 =	smov.u32 s8;
	s0 =	sshra.s32 s7, $0x2;
	[sflag:s22] =	ssyncset.done $0x0  }
0xc3: {  	s1 =	sadd.s32 $0x80, s0;
	[sflag:s22] =	ssyncadd.s32 $0xFFFFE000  }
0xc4: {  	[tilespmem:s25], [sflag:$0x2] =	stream.indirect.gather [hbm4b:s4+s24], $0x80, s1, s24, $0xb8;
	[tilespmem:$0x1D000] =	vst v63  }
0xc5: {  	_ =	swait.ge [sflag:s26], $0x2000  }
0xc6: {  	[sflag:s26] =	ssyncset.done $0x0  }
0xc7: {  	s7 =	sadd.s32 $0x2800, s0;
	[sflag:s26] =	ssyncadd.s32 $0xFFFFE000  }
0xc8: {  	[spmem:s2] =	stream.indirect.scatter.add.f32 [tilespmem:s21], [sflag:$0x3], $0x80, s7, s24, $0xb8;
	[tilespmem:$0x1D000] =	vst v63  }
0xc9: {  	_ =	swait.ge [sflag:s22], $0x2000  }
0xca: {  	[sflag:s22] =	ssyncset.done $0x0  }
0xcb: {  	s8 =	sadd.s32 $0x100, s0;
	[sflag:s22] =	ssyncadd.s32 $0xFFFFE000  }
0xcc: {  	[tilespmem:s21], [sflag:$0x1] =	stream.indirect.gather [hbm4b:s4+s24], $0x80, s8, s24, $0xb8;
	[tilespmem:$0x1D000] =	vst v63  }
0xcd: {  	_ =	swait.ge [sflag:s28], $0x2000  }
0xce: {  	[sflag:s28] =	ssyncset.done $0x0  }
0xcf: {  	s6 =	sadd.s32 $0x2880, s0;
	[sflag:s28] =	ssyncadd.s32 $0xFFFFE000  }
0xd0: {  	[spmem:s2] =	stream.indirect.scatter.add.f32 [tilespmem:s25], [sflag:$0x3], $0x80, s6, s24, $0xb8;
	[tilespmem:$0x1D000] =	vst v63  }
0xd1: {  	_ =	swait.ge [sflag:s22], $0x2000  }
0xd2: {  	[sflag:s22] =	ssyncset.done $0x0  }
0xd3: {  	[sflag:s22] =	ssyncadd.s32 $0xFFFFE000  }
0xd4: {  	[tilespmem:s25], [sflag:$0x2] =	stream.indirect.gather [hbm4b:s4+s24], $0x80, s29, s24, $0xb8;
	[tilespmem:$0x1D000] =	vst v63  }
0xd5: {  	_ =	swait.ge [sflag:s26], $0x2000  }
0xd6: {  	[sflag:s26] =	ssyncset.done $0x0  }
0xd7: {  	[sflag:s26] =	ssyncadd.s32 $0xFFFFE000  }
0xd8: {  	[spmem:s2] =	stream.indirect.scatter.add.f32 [tilespmem:s21], [sflag:$0x3], $0x80, s30, s24, $0xb8;
	[tilespmem:$0x1D000] =	vst v63  }
0xd9: {  	_ =	swait.ge [sflag:s22], $0x2000  }
0xda: {  	[sflag:s22] =	ssyncset.done $0x0  }
0xdb: {  	[sflag:s22] =	ssyncadd.s32 $0xFFFFE000  }
0xdc: {  	_ =	swait.ge [sflag:s28], $0x2000  }
0xdd: {  	[sflag:s28] =	ssyncset.done $0x0  }
0xde: {  	[sflag:s28] =	ssyncadd.s32 $0xFFFFE000  }
0xdf: {  	[spmem:s2] =	stream.indirect.scatter.add.f32 [tilespmem:s25], [sflag:$0x3], $0x80, s31, s24, $0xb8;
	[tilespmem:$0x1D000] =	vst v63  }
0xe0: {  	s7 =	stileid.u32;
	_ =	swait.ge [sflag:s22], $0x2000  }
0xe1: {  	s3 =	sadd.s32 $0x1, s3;
	s0 =	sshll.u32 s7, $0x6;
	[sflag:s22] =	ssyncset.done $0x0  }
0xe2: {  	p0 =	sne.s32 s3, s20;
	s0 =	sor.u32 $0x1C03, s0;
	[sflag:s22] =	ssyncadd.s32 $0xFFFFE000  }
.Ltmp3:
0xe3: {  	s8 =	sshrl.u32 s5, $0x3;
	[bflag:$0x0] =	sbarrier.arrive $0xFFFF;
	(pc) =	sbr.rel @p0 .LBB2_1-.Ltmp3, $4  }
0xe4: {  	[hbm:s19], [sflag:s0] =	dma.local [spmem:s8], $0x2800  }
0xe5: {  	_ =	swait.ge [sflag:s22], $0x2800  }
0xe6: {  	[sflag:s22] =	ssyncset.done $0x0  }
0xe7: {  	[sflag:s22] =	ssyncadd.s32 $0xFFFFD800  }
0xe8: {  	_ =	sfence.sel $0x180000  }
0xe9: {  	[bflag:$0x0] =	sbarrier.arrive $0xFFFF  }
0xea: {  	_ =	strace $0x9000004D  }
0xeb: {  	s0 =	stileid.u32;
	[bflag:$0x2] =	sbarrier.arrive $0xFFFF  }
0xec: {  	p0 =	sne.s32 s0, $0x0;
	s0 =	rddreg [dreg:$0x3]  }
0xed: {  	s0 =	sadd.s32 @!p0 $0x100000, s0  }
0xee: {  	[sflag:s0] =	ssyncadd.tile.s32 @!p0 $0x1;
	_ =	shalt  }
.Lfunc_end2:
_tile_overlayer_lowered:
.L_overlay_start_2:
0xef: {  	(tag) =	ssettag $0x2  }
0xf0: {  	s0 =	rddreg [dreg:$0x0];
	s2 =	stileid.u32  }
0xf1: {  	s1 =	rddreg [dreg:$0x1];
	p0 =	sne.s32 s2, $0x0  }
0xf2: {  	s3 =	rddreg [dreg:$0x2];
	[bflag:$0x3] =	sbarrier.arrive $0xFFFF;
	s2 =	simm.s32 @!p0 $0x1C03  }
0xf3: {  	[timem:s3], [sflag:s2] =	dma.local @!p0 [hbm:s0], s1  }
0xf4: {  	s0 =	simm.s32 @!p0 $0x3  }
0xf5: {  	_ =	swait.ge @!p0 [sflag:s0], s1  }
0xf6: {  	s1 =	ssub.s32 @!p0 $0x0, s1;
	[sflag:s0] =	ssyncset.done @!p0 $0x0  }
0xf7: {  	[sflag:s0] =	ssyncadd.s32 @!p0 s1  }
0xf8: {  	[bflag:$0x3] =	sbarrier.arrive $0xFFFF  }
0xf9: {  	_ =	shalt  }

// kernel: kernel.8.cloned.1.call-start
scs
__scs_entry_jumppad:
0x0: {  	(pc) =	sbr.rel $0x88, $3  }
0x1: {  	(tag) =	ssettag $0x0;
	lr =	simm.s32 $0x1  }
0x2: {  	[smem:$0x3F9B] =	sst lr;
	_ =	strace $0xD0000000  }
0x3: {  	_ = 	snop  }
0x4: {  	_ = 	snop  }
0x5: {  	_ = 	snop  }
0x6: {  	_ = 	snop  }
0x7: {  	_ = 	snop  }
__scs_overlays_trampoline_lowered:
0x8: {  	[smem:$0x3FAA] =	sst s0  }
0x9: {  	[smem:$0x3FAB] =	sst s1  }
0xa: {  	[smem:$0x3FAC] =	sst s2  }
0xb: {  	[smem:$0x3FAD] =	sst s3  }
0xc: {  	[smem:$0x3FAE] =	sst s4  }
0xd: {  	[smem:$0x3FAF] =	sst s5  }
0xe: {  	[smem:$0x3FB0] =	sst s6  }
0xf: {  	[smem:$0x3FB1] =	sst s7  }
0x10: {  	[smem:$0x3FB2] =	sst s8  }
0x11: {  	[smem:$0x3FB3] =	sst s9;
	s0 =	simm.s32 @!p0 $0x0  }
0x12: {  	s1 =	sld [smem:$0x3F99];
	s0 =	simm.s32 @p0 $0x1  }
0x13: {  	[smem:$0x3FB4] =	sst s0;
	s0 =	simm.s32 @!p1 $0x0  }
0x14: {  	s2 =	sld [smem:$0x3F98];
	s0 =	simm.s32 @p1 $0x1  }
0x15: {  	[smem:$0x3FB5] =	sst s0;
	s0 =	simm.s32 @!p2 $0x0  }
0x16: {  	s3 =	sld [smem:$0x3FDB];
	s0 =	simm.s32 @p2 $0x1  }
0x17: {  	s4 =	simm.s32 $0x1BF5;
	[smem:$0x3FB7] =	sst s0  }
0x18: {  	s0 =	sld [smem:$0x3F9A];
	_ =	swait.ge [sflag:s4], $0x0  }
0x19: {  	s7 =	sld [smem:$0x3F9B]  }
0x1a: {  	s8 =	sadd.s32 $0xFFFFE003, lr  }
0x1b: {  	s9 =	sadd.s32 $0xFFFFFEF7, lr;
	s5 =	simm.s32 $0xFFFFFFFF;
	p2 =	slt.u32 s8, $0xFFFFF086  }
0x1c: {  	p1 =	slt.u32 s9, $0xF7A;
	s5 =	simm.s32 @!p2 $0x0  }
0x1d: {  	s5 =	simm.s32 @p1 $0x1;
	p0 =	seq.s32 s7, s2  }
0x1e: {  	s7 =	smul.u32 @!p0 $0xF7A, s2;
	p2 =	seq.s32 @!p0 s5, $0x0  }
0x1f: {  	s9 =	smul.u32 $0xF7A, s1;
	s8 =	simm.s32 @!p0 $0x1BF5;
	p2 =	por !p2, p0  }
0x20: {  	[sflag:s8] =	ssyncset.s32 @!p0 $0xFFFFF086;
	s6 =	sadd.s32 @!p0 s3, s7;
	s7 =	simm.s32 @!p0 $0x108  }
0x21: {  	s3 =	sadd.s32 s3, s9;
	s6 =	sadd.s32 @!p0 $0x88, s6;
	s7 =	simm.s32 @p2 $0x1082  }
0x22: {  	[simem:s7], [sflag:s8] =	dma.local @!p0 [hbm:s6], $0xF7A  }
0x23: {  	s9 =	sor.u32 $0xD0000000, s2;
	s6 =	simm.s32 $0x108;
	_ =	swait.ge @!p0 [sflag:s8], $0x0  }
0x24: {  	s3 =	sadd.s32 $0x88, s3;
	s6 =	simm.s32 @!p1 $0x1082;
	[sflag:s4] =	ssyncset.s32 $0xFFFFF086  }
0x25: {  	[simem:s6], [sflag:s4] =	dma.local [hbm:s3], $0xF7A  }
0x26: {  	[smem:$0x3F9B] =	sst s1;
	(tag) =	ssettag s2;
	_ =	strace s9  }
0x27: {  	s1 =	sld [smem:$0x3FAB]  }
0x28: {  	s2 =	sld [smem:$0x3FAC]  }
0x29: {  	s4 =	sld [smem:$0x3FAE]  }
0x2a: {  	p0 =	seq.s32 s5, $0x0;
	s5 =	sld [smem:$0x3FAF]  }
0x2b: {  	s6 =	sld [smem:$0x3FB0]  }
0x2c: {  	s7 =	sld [smem:$0x3FB1]  }
0x2d: {  	s3 =	simm.s32 $0x108;
	s8 =	sld [smem:$0x3FB2]  }
0x2e: {  	s3 =	simm.s32 @!p0 $0x1082;
	s9 =	sld [smem:$0x3FB3]  }
0x2f: {  	lr =	sadd.s32 s0, s3;
	s0 =	sld [smem:$0x3FAA]  }
0x30: {  	s3 =	sld [smem:$0x3FAD]  }
0x31: {  	[smem:$0x3FB6] =	sst s10  }
0x32: {  	s10 =	sld [smem:$0x3FB4];
	_ =	sdelay $0x3  }
0x33: {  	p0 =	seq.s32 s10, $0x1;
	s10 =	sld [smem:$0x3FB6];
	_ =	sdelay $0x3  }
0x34: {  	[smem:$0x3FB6] =	sst s10  }
0x35: {  	s10 =	sld [smem:$0x3FB5];
	_ =	sdelay $0x3  }
0x36: {  	p1 =	seq.s32 s10, $0x1;
	s10 =	sld [smem:$0x3FB6];
	_ =	sdelay $0x3  }
0x37: {  	[smem:$0x3FB6] =	sst s10  }
0x38: {  	s10 =	sld [smem:$0x3FB7]  }
0x39: {  	_ = 	snop;
	(pc) =	sbr.ind lr, $3  }
0x3a: {  	_ = 	snop  }
0x3b: {  	_ = 	snop  }
0x3c: {  	p2 =	seq.s32 s10, $0x1;
	s10 =	sld [smem:$0x3FB6]  }
0x3d: {  	_ =	shalt  }
0x3e: {  	_ =	shalt  }
0x3f: {  	_ =	shalt  }
0x40: {  	_ =	shalt  }
0x41: {  	_ =	shalt  }
0x42: {  	_ =	shalt  }
0x43: {  	_ =	shalt  }
0x44: {  	_ =	shalt  }
0x45: {  	_ =	shalt  }
0x46: {  	_ =	shalt  }
0x47: {  	_ =	shalt  }
0x48: {  	_ =	shalt  }
0x49: {  	_ =	shalt  }
0x4a: {  	_ =	shalt  }
0x4b: {  	_ =	shalt  }
0x4c: {  	_ =	shalt  }
0x4d: {  	_ =	shalt  }
0x4e: {  	_ =	shalt  }
0x4f: {  	_ =	shalt  }
0x50: {  	_ =	shalt  }
0x51: {  	_ =	shalt  }
0x52: {  	_ =	shalt  }
0x53: {  	_ =	shalt  }
0x54: {  	_ =	shalt  }
0x55: {  	_ =	shalt  }
0x56: {  	_ =	shalt  }
0x57: {  	_ =	shalt  }
0x58: {  	_ =	shalt  }
0x59: {  	_ =	shalt  }
0x5a: {  	_ =	shalt  }
0x5b: {  	_ =	shalt  }
0x5c: {  	_ =	shalt  }
0x5d: {  	_ =	shalt  }
0x5e: {  	_ =	shalt  }
0x5f: {  	_ =	shalt  }
0x60: {  	_ =	shalt  }
0x61: {  	_ =	shalt  }
0x62: {  	_ =	shalt  }
0x63: {  	_ =	shalt  }
0x64: {  	_ =	shalt  }
0x65: {  	_ =	shalt  }
0x66: {  	_ =	shalt  }
0x67: {  	_ =	shalt  }
0x68: {  	_ =	shalt  }
0x69: {  	_ =	shalt  }
0x6a: {  	_ =	shalt  }
0x6b: {  	_ =	shalt  }
0x6c: {  	_ =	shalt  }
0x6d: {  	_ =	shalt  }
0x6e: {  	_ =	shalt  }
0x6f: {  	_ =	shalt  }
0x70: {  	_ =	shalt  }
0x71: {  	_ =	shalt  }
0x72: {  	_ =	shalt  }
0x73: {  	_ =	shalt  }
0x74: {  	_ =	shalt  }
0x75: {  	_ =	shalt  }
0x76: {  	_ =	shalt  }
0x77: {  	_ =	shalt  }
0x78: {  	_ =	shalt  }
0x79: {  	_ =	shalt  }
0x7a: {  	_ =	shalt  }
0x7b: {  	_ =	shalt  }
0x7c: {  	_ =	shalt  }
0x7d: {  	_ =	shalt  }
0x7e: {  	_ =	shalt  }
0x7f: {  	_ =	shalt  }
0x80: {  	_ =	shalt  }
0x81: {  	_ =	shalt  }
0x82: {  	_ =	shalt  }
0x83: {  	_ =	shalt  }
0x84: {  	_ =	shalt  }
0x85: {  	_ =	shalt  }
0x86: {  	_ =	shalt  }
0x87: {  	_ =	shalt  }
.Lfunc_end0:
.L_simem_size_0:
called_computation_lowered:
.L_overlay_start_0:
0x88: {  	s2 =	sld [smem:$0x3FD9]  }
0x89: {  	s3 =	sld [smem:$0x3FFE];
	_ =	sdelay $0x1  }
0x8a: {  	s1 =	srdreg.scid  }
0x8b: {  	s0 =	sand.u32 $0x1, s1  }
0x8c: {  	s16 =	sshll.u32 s0, $0xA;
	s2 =	sadd.s32 s3, s2  }
0x8d: {  	s2 =	sadd.s32 s2, s16  }
0x8e: {  	[smem:$0x3FC2] =	sst s2  }
0x8f: {  	_ = 	snop  }
0x90: {  	(tm) =	ssettm $0x1  }
0x91: {  	s17 =	sld [smem:$0x3FFB];
	_ =	sdelay $0x3  }
0x92: {  	_ =	strace s17  }
0x93: {  	s2 =	sld [smem:$0x3FFC];
	_ =	sdelay $0x3  }
0x94: {  	_ =	strace s2  }
0x95: {  	s2 =	sld [smem:$0x3FFD];
	_ =	sdelay $0x3  }
0x96: {  	_ =	strace s2  }
0x97: {  	_ =	strace $0x8FFFFFFF  }
0x98: {  	s18 =	sld [smem:$0x3FDB];
	_ =	sdelay $0x1  }
0x99: {  	s19 =	simm.s32 $_scs_section_size  }
0x9a: {  	s4 =	simm.s32 $_size__tile_overlayer_lowered;
	s5 =	simm.s32 $_tile_overlayer_lowered  }
0x9b: {  	s22 =	simm.s32 $0x1BFF;
	s21 =	sshll.u32 s5, $0x1;
	s2 =	sadd.s32 s19, s18  }
0x9c: {  	s6 =	simm.s32 $0x0;
	s20 =	sshll.u32 s4, $0x1;
	s4 =	sadd.s32 s21, s2  }
0x9d: {  	[timem:s6], [sflag:s22] =	dma.local [hbm:s4], s20  }
0x9e: {  	_ =	swait.ge [sflag:s22], s20  }
0x9f: {  	s3 =	ssub.s32 $0x0, s20;
	[sflag:s22] =	ssyncset.done $0x0  }
0xa0: {  	[sflag:s22] =	ssyncadd.s32 s3;
	_ =	sdelay $0x1  }
0xa1: {  	s23 =	simm.s32 $0x1B8B  }
0xa2: {  	_ =	swait.ge [sflag:s23], $0x1  }
0xa3: {  	[sflag:s23] =	ssyncset.done $0x0  }
0xa4: {  	s25 =	simm.s32 $0x1B8E;
	s24 =	sld [smem:$0x3FFE];
	[sflag:s23] =	ssyncadd.s32 $0xFFFFFFFF  }
0xa5: {  	s26 =	simm.s32 $execute0_lowered;
	[smem:$0x3FD2] =	sst s25  }
0xa6: {  	s4 =	sshll.u32 s26, $0x1;
	_ =	strace $0x80000046;
	[dreg:$0x1] =	wrdreg $0xFFFFFFFF  }
0xa7: {  	s28 =	simm.s32 $_size_execute0_lowered;
	s2 =	sadd.s32 s2, s4;
	[dreg:$0x0] =	wrdreg $0x0  }
0xa8: {  	s4 =	sshll.u32 s28, $0x1;
	[dreg:$0x2] =	wrdreg s2  }
0xa9: {  	[dreg:$0x3] =	wrdreg s4  }
0xaa: {  	[dreg:$0x4] =	wrdreg $0xC0  }
0xab: {  	_ =	task [dreg:s6], $0x5FFFF  }
0xac: {  	[dreg:$0x1] =	wrdreg $0xFFFFFFFF  }
0xad: {  	[dreg:$0x0] =	wrdreg $0x60  }
0xae: {  	[dreg:$0x2] =	wrdreg s24  }
0xaf: {  	[dreg:$0x3] =	wrdreg $0x9  }
0xb0: {  	_ =	task.clear_ibuf [dreg:s6], $0x4FFFF;
	_ =	strace $0x90000046  }
0xb1: {  	s29 =	simm.s32 $0x9;
	_ =	strace $0x80000048  }
0xb2: {  	_ =	swait.ge [sflag:s29], $0x1  }
0xb3: {  	[sflag:s29] =	ssyncadd.s32 $0xFFFFFFFF  }
0xb4: {  	_ =	strace $0x90000048  }
0xb5: {  	_ =	sfence  }
0xb6: {  	s30 =	sld [smem:$0x0];
	_ =	sdelay $0x2  }
0xb7: {  	s31 =	sshll.u32 s1, $0xD;
	s1 =	sshrl.u32 s1, $0x2  }
0xb8: {  	s3 =	sand.u32 $0x4000, s31;
	s1 =	sadd.s32 s1, s30  }
0xb9: {  	s0 =	sor.u32 s3, s0;
	s1 =	sshll.u32 s1, $0x11  }
0xba: {  	s0 =	sor.u32 s1, s0  }
0xbb: {  	s0 =	sadd.s32 $0x8F2B, s0  }
0xbc: {  	[sflag:s0] =	ssyncadd.remote.s32 $0x1  }
0xbd: {  	_ =	sfence.sel $0xFFFF  }
0xbe: {  	[dreg:$0x0] =	wrdreg $0xFFFFFFFF;
	(pc) =	sbr.abs _section_cstart, $3  }
0xbf: {  	[dreg:$0x1] =	wrdreg $0xFFFFFFFF  }
0xc0: {  	_ =	task.clear_ibuf [dreg:s6], $0x2FFFF;
	_ =	strace $0x9FFFFFFF  }
0xc1: {  	(tm) =	ssettm $0x7FFFFFFF  }
tec
execute0_lowered:
.L_overlay_start_1:
0x0: {  	(tag) =	ssettag $0x1  }
0x1: {  	s1 =	srdreg.scid  }
0x2: {  	s0 =	stileid.u32;
	s5 =	rddreg [dreg:$0x0];
	s7 =	simm.s32 $0x400  }
0x3: {  	s8 =	simm.s32 $0x1;
	s9 =	simm.s32 $0x2800;
	s10 =	simm.s32 $0x0  }
0x4: {  	s3 =	sand.u32 $0x1, s1;
	s29 =	sshrl.u32 s0, $0x2;
	s2 =	sshll.u32 s0, $0x8  }
0x5: {  	s4 =	smul.u32 $0x14000, s29;
	s30 =	sshll.u32 s3, $0x7;
	s2 =	sand.u32 $0x300, s2  }
0x6: {  	s1 =	rddreg [dreg:$0x1];
	s3 =	ssub.s32 $0x2, s3;
	s6 =	sor.u32 s30, s2  }
0x7: {  	s2 =	simm.s32 $0x0;
	s31 =	sshrl.u32 s3, $0x1;
	s4 =	sor.u32 s4, s6  }
0x8: {  	[smem:$0x7FF] =	sst s2;
	s6 =	simm.s32 $0x80;
	s4 =	sshrl.u32 s4, $0x3  }
0x9: {  	_ =	strace $0x80000047;
	s4 =	sadd.s32 s4, s5;
	s5 =	ssub.s32 s3, s31  }
0xa: {  	v0 =	vimm.f32 $0.0e+00;
	v1 =	vimm.f32 $1.000000000e+00;
	s3 =	sadd.s32 $0x2200, s4;
	s4 =	sadd.s32 $0xC200, s4;
	s5 =	smax.u32 s5, $0x1  }
.LBB2_1:
0xb: {  	[tilespmem:s2], [sflag:$0x1] =	stream.strided.gather [hbm4b:s3+s6], $0x2800, s7, s6, $0x38;
	[tilespmem:$0x5000] =	vst v63  }
0xc: {  	_ =	swait.ge [sflag:s8], $0x2800  }
0xd: {  	[sflag:s8] =	ssyncset.done $0x0  }
0xe: {  	s11 =	simm.s32 $0x0;
	[sflag:s8] =	ssyncadd.s32 $0xFFFFD800  }
.LBB2_2:
0xf: {  	p0 =	sne.s32 s11, $0x9FC0  }
.Ltmp0:
0x10: {  	_ = 	snop;
	(pc) =	sbr.rel @p0 .LBB2_2-.Ltmp0, $3  }
0x11: {  	_ =	sdelay $0x1  }
0x12: {  	s12 =	sshra.s32 s11, $0x2  }
0x13: {  	s11 =	sadd.s32 $0x40, s11;
	[tilespmem:s12+$0x2800] =	vst v0  }
0x14: {  	s12 =	simm.s32 $0x0;
	s11 =	simm.s32 $0x40  }
.LBB2_4:
0x15: {  	p0 =	sne.s32 s11, $0x9FC0;
	v2 =	vld [tilespmem:s12+$0x0];
	_ =	sdelay $0x3  }
.Ltmp1:
0x16: {  	(pc) =	sbr.rel @p0 .LBB2_4-.Ltmp1, $2  }
0x17: {  	_ =	sdelay $0x2  }
0x18: {  	s12 =	sshra.s32 s11, $0x2;
	s11 =	sadd.s32 $0x40, s11;
	[tilespmem:v2+s9+$0x0] =	vst.idx.add.f32.msk $0xffff, v1  }
0x19: {  	v2 =	vld [tilespmem:s12+$0x0];
	_ =	sdelay $0x5  }
0x1a: {  	s10 =	sadd.s32 $0x1, s10  }
0x1b: {  	p0 =	sne.s32 s10, s5  }
.Ltmp2:
0x1c: {  	[tilespmem:v2+s9+$0x0] =	vst.idx.add.f32.msk $0xffff, v1;
	(pc) =	sbr.rel @p0 .LBB2_1-.Ltmp2, $4  }
0x1d: {  	[hbm4b:s4+s6] =	stream.strided.scatter [tilespmem:s9], [sflag:$0x1], $0x2800, s7, s6, $0x38;
	[tilespmem:$0x5000] =	vst v63  }
0x1e: {  	_ =	swait.ge [sflag:s8], $0x2800  }
0x1f: {  	[sflag:s8] =	ssyncset.done $0x0  }
0x20: {  	[sflag:s8] =	ssyncadd.s32 $0xFFFFD800  }
0x21: {  	_ =	sfence.sel $0x180000  }
0x22: {  	[bflag:$0x0] =	sbarrier.arrive $0xFFFF  }
0x23: {  	p0 =	sne.s32 s0, $0x0;
	_ =	strace $0x90000047  }
0x24: {  	s0 =	sadd.s32 @!p0 $0x100000, s1;
	[bflag:$0x2] =	sbarrier.arrive $0xFFFF  }
0x25: {  	[sflag:s0] =	ssyncadd.tile.s32 @!p0 $0x1;
	_ =	shalt  }
.Lfunc_end2:
_tile_overlayer_lowered:
.L_overlay_start_2:
0x26: {  	(tag) =	ssettag $0x2  }
0x27: {  	s0 =	rddreg [dreg:$0x0];
	s2 =	stileid.u32  }
0x28: {  	s1 =	rddreg [dreg:$0x1];
	p0 =	sne.s32 s2, $0x0  }
0x29: {  	s3 =	rddreg [dreg:$0x2];
	[bflag:$0x3] =	sbarrier.arrive $0xFFFF;
	s2 =	simm.s32 @!p0 $0x1C01  }
0x2a: {  	[timem:s3], [sflag:s2] =	dma.local @!p0 [hbm:s0], s1  }
0x2b: {  	s0 =	simm.s32 @!p0 $0x1  }
0x2c: {  	_ =	swait.ge @!p0 [sflag:s0], s1  }
0x2d: {  	s1 =	ssub.s32 @!p0 $0x0, s1;
	[sflag:s0] =	ssyncset.done @!p0 $0x0  }
0x2e: {  	[sflag:s0] =	ssyncadd.s32 @!p0 s1  }
0x2f: {  	[bflag:$0x3] =	sbarrier.arrive $0xFFFF  }
0x30: {  	_ =	shalt  }

</sc_bundles>
